<compile_context>
chip_gen: v7x
topology: tpu7x:2x2x1
jax: 0.10.2.dev20260603
libtpu: 0.0.44.dev20260713+nightly
codegen_flags: <defaults>
</compile_context>

<pallas_src>
import functools

import jax
import jax.numpy as jnp
from jax import lax
from jax.experimental import pallas as pl
from jax.experimental.pallas import tpu as pltpu
from jax.experimental.pallas import tpu_sc as plsc



def _sort_body(v_ref, o_ref):
    x = v_ref[0]
    _, R, LN = x.shape
    L = R * LN
    nbits = L.bit_length() - 1
    rr = lax.broadcasted_iota(jnp.int32, (1, R, LN), 1)
    cc = lax.broadcasted_iota(jnp.int32, (1, R, LN), 2)
    ii = rr * LN + cc

    for p in range(nbits):
        dirmask = 2 << p
        for j in range(p, -1, -1):
            d = 1 << j
            if d < LN:
                up = pltpu.roll(x, LN - d, axis=2)
                dn = pltpu.roll(x, d, axis=2)
            else:
                s = d // LN
                up = jnp.concatenate([x[:, s:, :], x[:, :s, :]], axis=1)
                dn = jnp.concatenate([x[:, R - s:, :], x[:, :R - s, :]],
                                     axis=1)
            is_lower = (ii & d) == 0
            asc = (ii & dirmask) == 0
            part = jnp.where(is_lower, up, dn)
            take_min = asc == is_lower
            x = jnp.where(take_min, jnp.minimum(x, part),
                          jnp.maximum(x, part))
    o_ref[0] = x


def _sort_columns(v):
    B, L, D = v.shape
    LN = min(128, L)
    R = L // LN
    C = 4
    vt = v.transpose(0, 2, 1).reshape(B, D, R, LN)
    st = pl.pallas_call(
        _sort_body,
        grid=(B, D // C),
        in_specs=[pl.BlockSpec((1, C, R, LN), lambda b, c: (b, c, 0, 0))],
        out_specs=pl.BlockSpec((1, C, R, LN), lambda b, c: (b, c, 0, 0)),
        out_shape=jax.ShapeDtypeStruct((B, D, R, LN), jnp.float32),
    )(vt)
    return st.reshape(B, D, L).transpose(0, 2, 1)



def _rank_body(L, cT_ref, ci_ref, rank_ref, cls_ref, acc):
    b = pl.program_id(0)
    i_blk = pl.program_id(1)
    CI = ci_ref.shape[-1]
    cT = cT_ref[...]
    bsel = lax.broadcasted_iota(jnp.int32, cT.shape, 1) == b
    vj = jnp.sum(jnp.where(bsel, cT, 0.0), axis=1, keepdims=True)
    vi = ci_ref[0]
    jj = lax.broadcasted_iota(jnp.int32, (L, 1), 0)
    iidx = i_blk * CI + lax.broadcasted_iota(jnp.int32, (1, CI), 1)
    lt = vj < vi
    eq = (vj == vi) & (jj < iidx)
    cnt = jnp.sum((lt | eq).astype(jnp.int32), axis=0, keepdims=True)
    rank_ref[0] = cnt + b * L

    @pl.when(i_blk == 0)
    def _():
        acc[...] = jnp.zeros_like(acc)

    acc[...] += jnp.where(cnt == 0, iidx, 0)

    @pl.when(i_blk == pl.num_programs(1) - 1)
    def _():
        cls_ref[0] = jnp.broadcast_to(
            jnp.sum(acc[...], axis=1, keepdims=True), cls_ref.shape[1:])


def _rank_col0(col0):
    B, L = col0.shape
    CI = min(128, L)
    NI = L // CI
    col0T = col0.T.reshape(L, B)
    col0i = col0.reshape(B * NI, 1, CI)
    frank, cls3 = pl.pallas_call(
        functools.partial(_rank_body, L),
        grid=(B, NI),
        in_specs=[
            pl.BlockSpec((L, B), lambda b, i: (0, 0)),
            pl.BlockSpec((1, 1, CI), lambda b, i: (b * NI + i, 0, 0)),
        ],
        out_specs=[
            pl.BlockSpec((1, 1, CI), lambda b, i: (b * NI + i, 0, 0)),
            pl.BlockSpec((1, 1, CI), lambda b, i: (b, 0, 0)),
        ],
        out_shape=[
            jax.ShapeDtypeStruct((B * NI, 1, CI), jnp.int32),
            jax.ShapeDtypeStruct((B, 1, CI), jnp.int32),
        ],
        scratch_shapes=[pltpu.VMEM((1, CI), jnp.int32)],
    )(col0T, col0i)
    return frank.reshape(B * L), cls3[:, 0, :1]



def _make_gather(R, D):
    info = plsc.get_sparse_core_info()
    NW = info.num_cores * info.num_subcores
    rows_w = R // NW
    CH = 64
    NCH = rows_w // CH
    mesh = plsc.VectorSubcoreMesh(core_axis_name="c", subcore_axis_name="s")

    @functools.partial(
        pl.kernel,
        out_type=jax.ShapeDtypeStruct((R, D), jnp.float32),
        mesh=mesh,
        scratch_types=[
            pltpu.VMEM((CH,), jnp.int32),
            pltpu.VMEM((CH, D), jnp.float32),
            pltpu.SemaphoreType.DMA,
        ],
    )
    def gather(table_hbm, idx_hbm, out_hbm, idx_v, rows_v, sem):
        wid = lax.axis_index("s") * info.num_cores + lax.axis_index("c")
        base = wid * rows_w

        def chunk(c, carry):
            off = base + c * CH
            pltpu.sync_copy(idx_hbm.at[pl.ds(off, CH)], idx_v)
            pltpu.async_copy(table_hbm.at[idx_v], rows_v, sem).wait()
            pltpu.sync_copy(rows_v, out_hbm.at[pl.ds(off, CH)])
            return carry

        lax.fori_loop(0, NCH, chunk, 0)

    return gather



def kernel(q, k, v):
    del q, k
    B, L, D = v.shape
    frank, cls = _rank_col0(v[:, :, 0])
    sorted_v = _sort_columns(v)
    out = _make_gather(B * L, D)(sorted_v.reshape(B * L, D), frank)
    out = out.reshape(B, L, D)
    return (out, out, cls)

# --- scband reference (transcript-rebuilt; emitter-appended) ---
"""Pipeline reference for scband-swd15-28449863369559 (READ-ONLY COPY).

The authoritative reference and input builder live on the scoring server;
editing this copy changes nothing except your own understanding.
"""

import jax, jax.numpy as jnp
import numpy as np


def setup_inputs(seed: int = 0) -> dict:
    key = jax.random.key(seed)
    kq, kk, kv = jax.random.split(key, 3)
    B, L, D = 4, 8192, 1024
    q = jax.random.normal(kq, (B, L, D), dtype=jnp.float32)
    k = jax.random.normal(kk, (B, L, D), dtype=jnp.float32)
    v = jax.random.normal(kv, (B, L, D), dtype=jnp.float32)
    return {"q": q, "k": k, "v": v}


def reference(q, k, v):
    # Equivalent Cross-Feature Sparse Attention (SWD15) forward.
    d_v = v.shape[-1]
    # v_sorted, v_indices = v.sort(dim=-2)
    v_indices = jnp.argsort(v, axis=-2)
    v_sorted = jnp.take_along_axis(v, v_indices, axis=-2)
    # _, v1_indices_T = v_indices[:, :, :1].sort(dim=-2)  -> argsort of first-column indices (inverse permutation)
    v1_indices_T = jnp.argsort(v_indices[:, :, :1], axis=-2)
    # repeat(1, 1, d_v)
    v1_rep = jnp.tile(v1_indices_T, (1, 1, d_v))
    # out = v_sorted.gather(dim=-2, index=v1_indices_T)
    out = jnp.take_along_axis(v_sorted, v1_rep, axis=-2)
    # out = cat([v[:, :, :1], out[:, :, 1:]], dim=-1)
    out = jnp.concatenate([v[:, :, :1], out[:, :, 1:]], axis=-1)
    # cls_indices = argmin(v[:, :, :1], dim=1)
    cls_indices = jnp.argmin(v[:, :, :1], axis=1)
    return (out, out, cls_indices)

if __name__ == "__main__":
    import jax
    _d = setup_inputs()
    print(jax.jit(kernel)(*tuple(_d.values())))

</pallas_src>

<mosaic_0001>
#map = affine_map<(d0, d1) -> (0, 0)>
#map1 = affine_map<(d0, d1) -> (0)>
module attributes {stable_mosaic.version = 14 : i64} {
  func.func @gather(%arg0: i32, %arg1: i32, %arg2: memref<32768x1024xf32, #tpu.memory_space<hbm>>, %arg3: memref<32768xi32, #tpu.memory_space<hbm>>, %arg4: memref<32768x1024xf32, #tpu.memory_space<hbm>>, %arg5: memref<64xi32, #tpu.memory_space<vmem>>, %arg6: memref<64x1024xf32, #tpu.memory_space<vmem>>, %arg7: memref<!tpu.dma_semaphore, #tpu.memory_space<semaphore_mem>>) attributes {dimension_semantics = [#tpu.dimension_semantics<core_parallel>, #tpu.dimension_semantics<subcore_parallel>], iteration_bounds = array<i64: 2, 16>, scalar_prefetch = 0 : i64, scratch_operands = 3 : i64, tpu.core_type = #tpu.core_type<sc_vector_subcore>, window_params = [{transform_indices = #map}, {transform_indices = #map1}, {transform_indices = #map}]} {
    %mul3A = arith.constant 2 : i32
    %mul3A_0 = arith.muli %arg1, %mul3A : i32
    %add3A = arith.addi %mul3A_0, %arg0 : i32
    %mul3A_1 = arith.constant 1024 : i32
    %mul3A_2 = arith.muli %add3A, %mul3A_1 : i32
    %scan3A = arith.constant 0 : i32
    %scan3A_3 = arith.constant 0 : i32
    %scan3A_4 = arith.constant 16 : i32
    %scan3A_5 = arith.addi %scan3A_3, %scan3A_4 : i32
    %scan3A_6 = arith.constant 1 : i32
    scf.for %scan3A_8 = %scan3A_3 to %scan3A_5 step %scan3A_6  : i32 {
      %mul3A_9 = arith.constant 64 : i32
      %mul3A_10 = arith.muli %scan3A_8, %mul3A_9 : i32
      %add3A_11 = arith.addi %mul3A_2, %mul3A_10 : i32
      "tpu.region"() ({
        %run_scoped3A = tpu.sem_alloc : memref<!tpu.dma_semaphore, #tpu.memory_space<semaphore_mem>>
        %dma_start3A_16 = tpu.memref_slice %arg3[%add3A_11] : memref<32768xi32, #tpu.memory_space<hbm>> -> memref<64xi32, #tpu.memory_space<hbm>>
        %dma_start3A_17 = tpu.memref_slice %arg3[%add3A_11] : memref<32768xi32, #tpu.memory_space<hbm>> -> memref<64xi32, #tpu.memory_space<hbm>>
        tpu.enqueue_dma source(%dma_start3A_17 : memref<64xi32, #tpu.memory_space<hbm>>) target(%arg5 : memref<64xi32, #tpu.memory_space<vmem>>) target_semaphore(%run_scoped3A : memref<!tpu.dma_semaphore, #tpu.memory_space<semaphore_mem>>)
        %dma_wait3A_18 = tpu.memref_slice %arg3[%add3A_11] : memref<32768xi32, #tpu.memory_space<hbm>> -> memref<64xi32, #tpu.memory_space<hbm>>
        %dma_wait3A_19 = tpu.memref_slice %arg3[%add3A_11] : memref<32768xi32, #tpu.memory_space<hbm>> -> memref<64xi32, #tpu.memory_space<hbm>>
        tpu.wait_dma2 semaphore(%run_scoped3A : memref<!tpu.dma_semaphore, #tpu.memory_space<semaphore_mem>>) src(%dma_wait3A_19 : memref<64xi32, #tpu.memory_space<hbm>>) dst(%arg5 : memref<64xi32, #tpu.memory_space<vmem>>)
        tpu.yield
      }) : () -> ()
      %dma_start3A = arith.constant 0 : i32
      %dma_start3A_12 = arith.constant 0 : i32
      %dma_start3A_13 = tpu.memref_slice %arg2[%dma_start3A, %dma_start3A_12] : memref<32768x1024xf32, #tpu.memory_space<hbm>> -> memref<32768x1024xf32, #tpu.memory_space<hbm>>
      tpu.enqueue_indirect_dma source(%dma_start3A_13 : memref<32768x1024xf32, #tpu.memory_space<hbm>>) target(%arg6 : memref<64x1024xf32, #tpu.memory_space<vmem>>) offsets(%arg5 : memref<64xi32, #tpu.memory_space<vmem>>) semaphore(%arg7 : memref<!tpu.dma_semaphore, #tpu.memory_space<semaphore_mem>>)
      %dma_wait3A = arith.constant 0 : i32
      %dma_wait3A_14 = arith.constant 0 : i32
      %dma_wait3A_15 = tpu.memref_slice %arg2[%dma_wait3A, %dma_wait3A_14] : memref<32768x1024xf32, #tpu.memory_space<hbm>> -> memref<32768x1024xf32, #tpu.memory_space<hbm>>
      tpu.wait_indirect_dma semaphore(%arg7 : memref<!tpu.dma_semaphore, #tpu.memory_space<semaphore_mem>>) src(%dma_wait3A_15 : memref<32768x1024xf32, #tpu.memory_space<hbm>>) dst(%arg6 : memref<64x1024xf32, #tpu.memory_space<vmem>>)
      "tpu.region"() ({
        %run_scoped3A = tpu.sem_alloc : memref<!tpu.dma_semaphore, #tpu.memory_space<semaphore_mem>>
        %dma_start3A_16 = arith.constant 0 : i32
        %dma_start3A_17 = tpu.memref_slice %arg4[%add3A_11, %dma_start3A_16] : memref<32768x1024xf32, #tpu.memory_space<hbm>> -> memref<64x1024xf32, #tpu.memory_space<hbm>>
        %dma_start3A_18 = arith.constant 0 : i32
        %dma_start3A_19 = tpu.memref_slice %arg4[%add3A_11, %dma_start3A_18] : memref<32768x1024xf32, #tpu.memory_space<hbm>> -> memref<64x1024xf32, #tpu.memory_space<hbm>>
        tpu.enqueue_dma source(%arg6 : memref<64x1024xf32, #tpu.memory_space<vmem>>) target(%dma_start3A_19 : memref<64x1024xf32, #tpu.memory_space<hbm>>) target_semaphore(%run_scoped3A : memref<!tpu.dma_semaphore, #tpu.memory_space<semaphore_mem>>)
        %dma_wait3A_20 = arith.constant 0 : i32
        %dma_wait3A_21 = tpu.memref_slice %arg4[%add3A_11, %dma_wait3A_20] : memref<32768x1024xf32, #tpu.memory_space<hbm>> -> memref<64x1024xf32, #tpu.memory_space<hbm>>
        %dma_wait3A_22 = arith.constant 0 : i32
        %dma_wait3A_23 = tpu.memref_slice %arg4[%add3A_11, %dma_wait3A_22] : memref<32768x1024xf32, #tpu.memory_space<hbm>> -> memref<64x1024xf32, #tpu.memory_space<hbm>>
        tpu.wait_dma2 semaphore(%run_scoped3A : memref<!tpu.dma_semaphore, #tpu.memory_space<semaphore_mem>>) src(%arg6 : memref<64x1024xf32, #tpu.memory_space<vmem>>) dst(%dma_wait3A_23 : memref<64x1024xf32, #tpu.memory_space<hbm>>)
        tpu.yield
      }) : () -> ()
    }
    %scan3A_7 = arith.constant 16 : i32
    return
  }
}

module attributes {stable_mosaic.version = 14 : i64} {
  func.func @_sort_body(%arg0: i32, %arg1: i32, %arg2: memref<1x4x64x128xf32, #tpu.memory_space<vmem>>, %arg3: memref<1x4x64x128xf32, #tpu.memory_space<vmem>>) attributes {dimension_semantics = [#tpu.dimension_semantics<arbitrary>, #tpu.dimension_semantics<arbitrary>], iteration_bounds = array<i64: 4, 256>, scalar_prefetch = 0 : i64, scratch_operands = 0 : i64, tpu.core_type = #tpu.core_type<tc>, window_params = [{transform_indices = @transform_0, window_bounds = array<i64: 1, 4, 64, 128>}, {transform_indices = @transform_1, window_bounds = array<i64: 1, 4, 64, 128>}]} {
    %get3A = arith.constant 0 : index
    %get3A_0 = arith.constant 0 : index
    %get3A_1 = arith.constant 0 : index
    %get3A_2 = arith.constant 0 : index
    %get3A_3 = vector.load %arg2[%get3A, %get3A_0, %get3A_1, %get3A_2] : memref<1x4x64x128xf32, #tpu.memory_space<vmem>>, vector<1x4x64x128xf32>
    %get3A_4 = vector.shape_cast %get3A_3 : vector<1x4x64x128xf32> to vector<4x64x128xf32>
    %iota3A = tpu.iota {dimensions = array<i32: 1>} : vector<1x64x128xi32>
    %iota3A_5 = tpu.iota {dimensions = array<i32: 2>} : vector<1x64x128xi32>
    %mul3A = arith.constant 128 : i32
    %mul3A_6 = vector.broadcast %mul3A : i32 to vector<1x64x128xi32>
    %mul3A_7 = arith.muli %iota3A, %mul3A_6 : vector<1x64x128xi32>
    %add3A = arith.addi %mul3A_7, %iota3A_5 : vector<1x64x128xi32>
    %roll3A = arith.constant 127 : i32
    %roll3A_8 = tpu.dynamic_rotate %get3A_4 by %roll3A dim 2 : vector<4x64x128xf32>, i32 -> vector<4x64x128xf32>
    %roll3A_9 = arith.constant 1 : i32
    %roll3A_10 = tpu.dynamic_rotate %get3A_4 by %roll3A_9 dim 2 : vector<4x64x128xf32>, i32 -> vector<4x64x128xf32>
    %and3A = arith.constant 1 : i32
    %and3A_11 = vector.broadcast %and3A : i32 to vector<1x64x128xi32>
    %and3A_12 = arith.andi %add3A, %and3A_11 : vector<1x64x128xi32>
    %eq3A = arith.constant 0 : i32
    %eq3A_13 = vector.broadcast %eq3A : i32 to vector<1x64x128xi32>
    %eq3A_14 = arith.cmpi eq, %and3A_12, %eq3A_13 : vector<1x64x128xi32>
    %and3A_15 = arith.constant 2 : i32
    %and3A_16 = vector.broadcast %and3A_15 : i32 to vector<1x64x128xi32>
    %and3A_17 = arith.andi %add3A, %and3A_16 : vector<1x64x128xi32>
    %eq3A_18 = arith.constant 0 : i32
    %eq3A_19 = vector.broadcast %eq3A_18 : i32 to vector<1x64x128xi32>
    %eq3A_20 = arith.cmpi eq, %and3A_17, %eq3A_19 : vector<1x64x128xi32>
    %broadcast_in_dim3A = vector.shape_cast %eq3A_14 : vector<1x64x128xi1> to vector<1x64x128xi1>
    %broadcast_in_dim3A_21 = vector.broadcast %broadcast_in_dim3A : vector<1x64x128xi1> to vector<4x64x128xi1>
    %select_n3A = arith.select %broadcast_in_dim3A_21, %roll3A_8, %roll3A_10 : vector<4x64x128xi1>, vector<4x64x128xf32>
    %eq3A_22 = arith.xori %eq3A_20, %eq3A_14 : vector<1x64x128xi1>
    %eq3A_23 = arith.constant dense<true> : vector<1x64x128xi1>
    %eq3A_24 = arith.xori %eq3A_22, %eq3A_23 : vector<1x64x128xi1>
    %min3A = arith.minimumf %get3A_4, %select_n3A : vector<4x64x128xf32>
    %max3A = arith.maximumf %get3A_4, %select_n3A : vector<4x64x128xf32>
    %broadcast_in_dim3A_25 = vector.shape_cast %eq3A_24 : vector<1x64x128xi1> to vector<1x64x128xi1>
    %broadcast_in_dim3A_26 = vector.broadcast %broadcast_in_dim3A_25 : vector<1x64x128xi1> to vector<4x64x128xi1>
    %select_n3A_27 = arith.select %broadcast_in_dim3A_26, %min3A, %max3A : vector<4x64x128xi1>, vector<4x64x128xf32>
    %roll3A_28 = arith.constant 126 : i32
    %roll3A_29 = tpu.dynamic_rotate %select_n3A_27 by %roll3A_28 dim 2 : vector<4x64x128xf32>, i32 -> vector<4x64x128xf32>
    %roll3A_30 = arith.constant 2 : i32
    %roll3A_31 = tpu.dynamic_rotate %select_n3A_27 by %roll3A_30 dim 2 : vector<4x64x128xf32>, i32 -> vector<4x64x128xf32>
    %and3A_32 = arith.constant 2 : i32
    %and3A_33 = vector.broadcast %and3A_32 : i32 to vector<1x64x128xi32>
    %and3A_34 = arith.andi %add3A, %and3A_33 : vector<1x64x128xi32>
    %eq3A_35 = arith.constant 0 : i32
    %eq3A_36 = vector.broadcast %eq3A_35 : i32 to vector<1x64x128xi32>
    %eq3A_37 = arith.cmpi eq, %and3A_34, %eq3A_36 : vector<1x64x128xi32>
    %and3A_38 = arith.constant 4 : i32
    %and3A_39 = vector.broadcast %and3A_38 : i32 to vector<1x64x128xi32>
    %and3A_40 = arith.andi %add3A, %and3A_39 : vector<1x64x128xi32>
    %eq3A_41 = arith.constant 0 : i32
    %eq3A_42 = vector.broadcast %eq3A_41 : i32 to vector<1x64x128xi32>
    %eq3A_43 = arith.cmpi eq, %and3A_40, %eq3A_42 : vector<1x64x128xi32>
    %broadcast_in_dim3A_44 = vector.shape_cast %eq3A_37 : vector<1x64x128xi1> to vector<1x64x128xi1>
    %broadcast_in_dim3A_45 = vector.broadcast %broadcast_in_dim3A_44 : vector<1x64x128xi1> to vector<4x64x128xi1>
    %select_n3A_46 = arith.select %broadcast_in_dim3A_45, %roll3A_29, %roll3A_31 : vector<4x64x128xi1>, vector<4x64x128xf32>
    %eq3A_47 = arith.xori %eq3A_43, %eq3A_37 : vector<1x64x128xi1>
    %eq3A_48 = arith.constant dense<true> : vector<1x64x128xi1>
    %eq3A_49 = arith.xori %eq3A_47, %eq3A_48 : vector<1x64x128xi1>
    %min3A_50 = arith.minimumf %select_n3A_27, %select_n3A_46 : vector<4x64x128xf32>
    %max3A_51 = arith.maximumf %select_n3A_27, %select_n3A_46 : vector<4x64x128xf32>
    %broadcast_in_dim3A_52 = vector.shape_cast %eq3A_49 : vector<1x64x128xi1> to vector<1x64x128xi1>
    %broadcast_in_dim3A_53 = vector.broadcast %broadcast_in_dim3A_52 : vector<1x64x128xi1> to vector<4x64x128xi1>
    %select_n3A_54 = arith.select %broadcast_in_dim3A_53, %min3A_50, %max3A_51 : vector<4x64x128xi1>, vector<4x64x128xf32>
    %roll3A_55 = arith.constant 127 : i32
    %roll3A_56 = tpu.dynamic_rotate %select_n3A_54 by %roll3A_55 dim 2 : vector<4x64x128xf32>, i32 -> vector<4x64x128xf32>
    %roll3A_57 = arith.constant 1 : i32
    %roll3A_58 = tpu.dynamic_rotate %select_n3A_54 by %roll3A_57 dim 2 : vector<4x64x128xf32>, i32 -> vector<4x64x128xf32>
    %and3A_59 = arith.constant 1 : i32
    %and3A_60 = vector.broadcast %and3A_59 : i32 to vector<1x64x128xi32>
    %and3A_61 = arith.andi %add3A, %and3A_60 : vector<1x64x128xi32>
    %eq3A_62 = arith.constant 0 : i32
    %eq3A_63 = vector.broadcast %eq3A_62 : i32 to vector<1x64x128xi32>
    %eq3A_64 = arith.cmpi eq, %and3A_61, %eq3A_63 : vector<1x64x128xi32>
    %and3A_65 = arith.constant 4 : i32
    %and3A_66 = vector.broadcast %and3A_65 : i32 to vector<1x64x128xi32>
    %and3A_67 = arith.andi %add3A, %and3A_66 : vector<1x64x128xi32>
    %eq3A_68 = arith.constant 0 : i32
    %eq3A_69 = vector.broadcast %eq3A_68 : i32 to vector<1x64x128xi32>
    %eq3A_70 = arith.cmpi eq, %and3A_67, %eq3A_69 : vector<1x64x128xi32>
    %broadcast_in_dim3A_71 = vector.shape_cast %eq3A_64 : vector<1x64x128xi1> to vector<1x64x128xi1>
    %broadcast_in_dim3A_72 = vector.broadcast %broadcast_in_dim3A_71 : vector<1x64x128xi1> to vector<4x64x128xi1>
    %select_n3A_73 = arith.select %broadcast_in_dim3A_72, %roll3A_56, %roll3A_58 : vector<4x64x128xi1>, vector<4x64x128xf32>
    %eq3A_74 = arith.xori %eq3A_70, %eq3A_64 : vector<1x64x128xi1>
    %eq3A_75 = arith.constant dense<true> : vector<1x64x128xi1>
    %eq3A_76 = arith.xori %eq3A_74, %eq3A_75 : vector<1x64x128xi1>
    %min3A_77 = arith.minimumf %select_n3A_54, %select_n3A_73 : vector<4x64x128xf32>
    %max3A_78 = arith.maximumf %select_n3A_54, %select_n3A_73 : vector<4x64x128xf32>
    %broadcast_in_dim3A_79 = vector.shape_cast %eq3A_76 : vector<1x64x128xi1> to vector<1x64x128xi1>
    %broadcast_in_dim3A_80 = vector.broadcast %broadcast_in_dim3A_79 : vector<1x64x128xi1> to vector<4x64x128xi1>
    %select_n3A_81 = arith.select %broadcast_in_dim3A_80, %min3A_77, %max3A_78 : vector<4x64x128xi1>, vector<4x64x128xf32>
    %roll3A_82 = arith.constant 124 : i32
    %roll3A_83 = tpu.dynamic_rotate %select_n3A_81 by %roll3A_82 dim 2 : vector<4x64x128xf32>, i32 -> vector<4x64x128xf32>
    %roll3A_84 = arith.constant 4 : i32
    %roll3A_85 = tpu.dynamic_rotate %select_n3A_81 by %roll3A_84 dim 2 : vector<4x64x128xf32>, i32 -> vector<4x64x128xf32>
    %and3A_86 = arith.constant 4 : i32
    %and3A_87 = vector.broadcast %and3A_86 : i32 to vector<1x64x128xi32>
    %and3A_88 = arith.andi %add3A, %and3A_87 : vector<1x64x128xi32>
    %eq3A_89 = arith.constant 0 : i32
    %eq3A_90 = vector.broadcast %eq3A_89 : i32 to vector<1x64x128xi32>
    %eq3A_91 = arith.cmpi eq, %and3A_88, %eq3A_90 : vector<1x64x128xi32>
    %and3A_92 = arith.constant 8 : i32
    %and3A_93 = vector.broadcast %and3A_92 : i32 to vector<1x64x128xi32>
    %and3A_94 = arith.andi %add3A, %and3A_93 : vector<1x64x128xi32>
    %eq3A_95 = arith.constant 0 : i32
    %eq3A_96 = vector.broadcast %eq3A_95 : i32 to vector<1x64x128xi32>
    %eq3A_97 = arith.cmpi eq, %and3A_94, %eq3A_96 : vector<1x64x128xi32>
    %broadcast_in_dim3A_98 = vector.shape_cast %eq3A_91 : vector<1x64x128xi1> to vector<1x64x128xi1>
    %broadcast_in_dim3A_99 = vector.broadcast %broadcast_in_dim3A_98 : vector<1x64x128xi1> to vector<4x64x128xi1>
    %select_n3A_100 = arith.select %broadcast_in_dim3A_99, %roll3A_83, %roll3A_85 : vector<4x64x128xi1>, vector<4x64x128xf32>
    %eq3A_101 = arith.xori %eq3A_97, %eq3A_91 : vector<1x64x128xi1>
    %eq3A_102 = arith.constant dense<true> : vector<1x64x128xi1>
    %eq3A_103 = arith.xori %eq3A_101, %eq3A_102 : vector<1x64x128xi1>
    %min3A_104 = arith.minimumf %select_n3A_81, %select_n3A_100 : vector<4x64x128xf32>
    %max3A_105 = arith.maximumf %select_n3A_81, %select_n3A_100 : vector<4x64x128xf32>
    %broadcast_in_dim3A_106 = vector.shape_cast %eq3A_103 : vector<1x64x128xi1> to vector<1x64x128xi1>
    %broadcast_in_dim3A_107 = vector.broadcast %broadcast_in_dim3A_106 : vector<1x64x128xi1> to vector<4x64x128xi1>
    %select_n3A_108 = arith.select %broadcast_in_dim3A_107, %min3A_104, %max3A_105 : vector<4x64x128xi1>, vector<4x64x128xf32>
    %roll3A_109 = arith.constant 126 : i32
    %roll3A_110 = tpu.dynamic_rotate %select_n3A_108 by %roll3A_109 dim 2 : vector<4x64x128xf32>, i32 -> vector<4x64x128xf32>
    %roll3A_111 = arith.constant 2 : i32
    %roll3A_112 = tpu.dynamic_rotate %select_n3A_108 by %roll3A_111 dim 2 : vector<4x64x128xf32>, i32 -> vector<4x64x128xf32>
    %and3A_113 = arith.constant 2 : i32
    %and3A_114 = vector.broadcast %and3A_113 : i32 to vector<1x64x128xi32>
    %and3A_115 = arith.andi %add3A, %and3A_114 : vector<1x64x128xi32>
    %eq3A_116 = arith.constant 0 : i32
    %eq3A_117 = vector.broadcast %eq3A_116 : i32 to vector<1x64x128xi32>
    %eq3A_118 = arith.cmpi eq, %and3A_115, %eq3A_117 : vector<1x64x128xi32>
    %and3A_119 = arith.constant 8 : i32
    %and3A_120 = vector.broadcast %and3A_119 : i32 to vector<1x64x128xi32>
    %and3A_121 = arith.andi %add3A, %and3A_120 : vector<1x64x128xi32>
    %eq3A_122 = arith.constant 0 : i32
    %eq3A_123 = vector.broadcast %eq3A_122 : i32 to vector<1x64x128xi32>
    %eq3A_124 = arith.cmpi eq, %and3A_121, %eq3A_123 : vector<1x64x128xi32>
    %broadcast_in_dim3A_125 = vector.shape_cast %eq3A_118 : vector<1x64x128xi1> to vector<1x64x128xi1>
    %broadcast_in_dim3A_126 = vector.broadcast %broadcast_in_dim3A_125 : vector<1x64x128xi1> to vector<4x64x128xi1>
    %select_n3A_127 = arith.select %broadcast_in_dim3A_126, %roll3A_110, %roll3A_112 : vector<4x64x128xi1>, vector<4x64x128xf32>
    %eq3A_128 = arith.xori %eq3A_124, %eq3A_118 : vector<1x64x128xi1>
    %eq3A_129 = arith.constant dense<true> : vector<1x64x128xi1>
    %eq3A_130 = arith.xori %eq3A_128, %eq3A_129 : vector<1x64x128xi1>
    %min3A_131 = arith.minimumf %select_n3A_108, %select_n3A_127 : vector<4x64x128xf32>
    %max3A_132 = arith.maximumf %select_n3A_108, %select_n3A_127 : vector<4x64x128xf32>
    %broadcast_in_dim3A_133 = vector.shape_cast %eq3A_130 : vector<1x64x128xi1> to vector<1x64x128xi1>
    %broadcast_in_dim3A_134 = vector.broadcast %broadcast_in_dim3A_133 : vector<1x64x128xi1> to vector<4x64x128xi1>
    %select_n3A_135 = arith.select %broadcast_in_dim3A_134, %min3A_131, %max3A_132 : vector<4x64x128xi1>, vector<4x64x128xf32>
    %roll3A_136 = arith.constant 127 : i32
    %roll3A_137 = tpu.dynamic_rotate %select_n3A_135 by %roll3A_136 dim 2 : vector<4x64x128xf32>, i32 -> vector<4x64x128xf32>
    %roll3A_138 = arith.constant 1 : i32
    %roll3A_139 = tpu.dynamic_rotate %select_n3A_135 by %roll3A_138 dim 2 : vector<4x64x128xf32>, i32 -> vector<4x64x128xf32>
    %and3A_140 = arith.constant 1 : i32
    %and3A_141 = vector.broadcast %and3A_140 : i32 to vector<1x64x128xi32>
    %and3A_142 = arith.andi %add3A, %and3A_141 : vector<1x64x128xi32>
    %eq3A_143 = arith.constant 0 : i32
    %eq3A_144 = vector.broadcast %eq3A_143 : i32 to vector<1x64x128xi32>
    %eq3A_145 = arith.cmpi eq, %and3A_142, %eq3A_144 : vector<1x64x128xi32>
    %and3A_146 = arith.constant 8 : i32
    %and3A_147 = vector.broadcast %and3A_146 : i32 to vector<1x64x128xi32>
    %and3A_148 = arith.andi %add3A, %and3A_147 : vector<1x64x128xi32>
    %eq3A_149 = arith.constant 0 : i32
    %eq3A_150 = vector.broadcast %eq3A_149 : i32 to vector<1x64x128xi32>
    %eq3A_151 = arith.cmpi eq, %and3A_148, %eq3A_150 : vector<1x64x128xi32>
    %broadcast_in_dim3A_152 = vector.shape_cast %eq3A_145 : vector<1x64x128xi1> to vector<1x64x128xi1>
    %broadcast_in_dim3A_153 = vector.broadcast %broadcast_in_dim3A_152 : vector<1x64x128xi1> to vector<4x64x128xi1>
    %select_n3A_154 = arith.select %broadcast_in_dim3A_153, %roll3A_137, %roll3A_139 : vector<4x64x128xi1>, vector<4x64x128xf32>
    %eq3A_155 = arith.xori %eq3A_151, %eq3A_145 : vector<1x64x128xi1>
    %eq3A_156 = arith.constant dense<true> : vector<1x64x128xi1>
    %eq3A_157 = arith.xori %eq3A_155, %eq3A_156 : vector<1x64x128xi1>
    %min3A_158 = arith.minimumf %select_n3A_135, %select_n3A_154 : vector<4x64x128xf32>
    %max3A_159 = arith.maximumf %select_n3A_135, %select_n3A_154 : vector<4x64x128xf32>
    %broadcast_in_dim3A_160 = vector.shape_cast %eq3A_157 : vector<1x64x128xi1> to vector<1x64x128xi1>
    %broadcast_in_dim3A_161 = vector.broadcast %broadcast_in_dim3A_160 : vector<1x64x128xi1> to vector<4x64x128xi1>
    %select_n3A_162 = arith.select %broadcast_in_dim3A_161, %min3A_158, %max3A_159 : vector<4x64x128xi1>, vector<4x64x128xf32>
    %roll3A_163 = arith.constant 120 : i32
    %roll3A_164 = tpu.dynamic_rotate %select_n3A_162 by %roll3A_163 dim 2 : vector<4x64x128xf32>, i32 -> vector<4x64x128xf32>
    %roll3A_165 = arith.constant 8 : i32
    %roll3A_166 = tpu.dynamic_rotate %select_n3A_162 by %roll3A_165 dim 2 : vector<4x64x128xf32>, i32 -> vector<4x64x128xf32>
    %and3A_167 = arith.constant 8 : i32
    %and3A_168 = vector.broadcast %and3A_167 : i32 to vector<1x64x128xi32>
    %and3A_169 = arith.andi %add3A, %and3A_168 : vector<1x64x128xi32>
    %eq3A_170 = arith.constant 0 : i32
    %eq3A_171 = vector.broadcast %eq3A_170 : i32 to vector<1x64x128xi32>
    %eq3A_172 = arith.cmpi eq, %and3A_169, %eq3A_171 : vector<1x64x128xi32>
    %and3A_173 = arith.constant 16 : i32
    %and3A_174 = vector.broadcast %and3A_173 : i32 to vector<1x64x128xi32>
    %and3A_175 = arith.andi %add3A, %and3A_174 : vector<1x64x128xi32>
    %eq3A_176 = arith.constant 0 : i32
    %eq3A_177 = vector.broadcast %eq3A_176 : i32 to vector<1x64x128xi32>
    %eq3A_178 = arith.cmpi eq, %and3A_175, %eq3A_177 : vector<1x64x128xi32>
    %broadcast_in_dim3A_179 = vector.shape_cast %eq3A_172 : vector<1x64x128xi1> to vector<1x64x128xi1>
    %broadcast_in_dim3A_180 = vector.broadcast %broadcast_in_dim3A_179 : vector<1x64x128xi1> to vector<4x64x128xi1>
    %select_n3A_181 = arith.select %broadcast_in_dim3A_180, %roll3A_164, %roll3A_166 : vector<4x64x128xi1>, vector<4x64x128xf32>
    %eq3A_182 = arith.xori %eq3A_178, %eq3A_172 : vector<1x64x128xi1>
    %eq3A_183 = arith.constant dense<true> : vector<1x64x128xi1>
    %eq3A_184 = arith.xori %eq3A_182, %eq3A_183 : vector<1x64x128xi1>
    %min3A_185 = arith.minimumf %select_n3A_162, %select_n3A_181 : vector<4x64x128xf32>
    %max3A_186 = arith.maximumf %select_n3A_162, %select_n3A_181 : vector<4x64x128xf32>
    %broadcast_in_dim3A_187 = vector.shape_cast %eq3A_184 : vector<1x64x128xi1> to vector<1x64x128xi1>
    %broadcast_in_dim3A_188 = vector.broadcast %broadcast_in_dim3A_187 : vector<1x64x128xi1> to vector<4x64x128xi1>
    %select_n3A_189 = arith.select %broadcast_in_dim3A_188, %min3A_185, %max3A_186 : vector<4x64x128xi1>, vector<4x64x128xf32>
    %roll3A_190 = arith.constant 124 : i32
    %roll3A_191 = tpu.dynamic_rotate %select_n3A_189 by %roll3A_190 dim 2 : vector<4x64x128xf32>, i32 -> vector<4x64x128xf32>
    %roll3A_192 = arith.constant 4 : i32
    %roll3A_193 = tpu.dynamic_rotate %select_n3A_189 by %roll3A_192 dim 2 : vector<4x64x128xf32>, i32 -> vector<4x64x128xf32>
    %and3A_194 = arith.constant 4 : i32
    %and3A_195 = vector.broadcast %and3A_194 : i32 to vector<1x64x128xi32>
    %and3A_196 = arith.andi %add3A, %and3A_195 : vector<1x64x128xi32>
    %eq3A_197 = arith.constant 0 : i32
    %eq3A_198 = vector.broadcast %eq3A_197 : i32 to vector<1x64x128xi32>
    %eq3A_199 = arith.cmpi eq, %and3A_196, %eq3A_198 : vector<1x64x128xi32>
    %and3A_200 = arith.constant 16 : i32
    %and3A_201 = vector.broadcast %and3A_200 : i32 to vector<1x64x128xi32>
    %and3A_202 = arith.andi %add3A, %and3A_201 : vector<1x64x128xi32>
    %eq3A_203 = arith.constant 0 : i32
    %eq3A_204 = vector.broadcast %eq3A_203 : i32 to vector<1x64x128xi32>
    %eq3A_205 = arith.cmpi eq, %and3A_202, %eq3A_204 : vector<1x64x128xi32>
    %broadcast_in_dim3A_206 = vector.shape_cast %eq3A_199 : vector<1x64x128xi1> to vector<1x64x128xi1>
    %broadcast_in_dim3A_207 = vector.broadcast %broadcast_in_dim3A_206 : vector<1x64x128xi1> to vector<4x64x128xi1>
    %select_n3A_208 = arith.select %broadcast_in_dim3A_207, %roll3A_191, %roll3A_193 : vector<4x64x128xi1>, vector<4x64x128xf32>
    %eq3A_209 = arith.xori %eq3A_205, %eq3A_199 : vector<1x64x128xi1>
    %eq3A_210 = arith.constant dense<true> : vector<1x64x128xi1>
    %eq3A_211 = arith.xori %eq3A_209, %eq3A_210 : vector<1x64x128xi1>
    %min3A_212 = arith.minimumf %select_n3A_189, %select_n3A_208 : vector<4x64x128xf32>
    %max3A_213 = arith.maximumf %select_n3A_189, %select_n3A_208 : vector<4x64x128xf32>
    %broadcast_in_dim3A_214 = vector.shape_cast %eq3A_211 : vector<1x64x128xi1> to vector<1x64x128xi1>
    %broadcast_in_dim3A_215 = vector.broadcast %broadcast_in_dim3A_214 : vector<1x64x128xi1> to vector<4x64x128xi1>
    %select_n3A_216 = arith.select %broadcast_in_dim3A_215, %min3A_212, %max3A_213 : vector<4x64x128xi1>, vector<4x64x128xf32>
    %roll3A_217 = arith.constant 126 : i32
    %roll3A_218 = tpu.dynamic_rotate %select_n3A_216 by %roll3A_217 dim 2 : vector<4x64x128xf32>, i32 -> vector<4x64x128xf32>
    %roll3A_219 = arith.constant 2 : i32
    %roll3A_220 = tpu.dynamic_rotate %select_n3A_216 by %roll3A_219 dim 2 : vector<4x64x128xf32>, i32 -> vector<4x64x128xf32>
    %and3A_221 = arith.constant 2 : i32
    %and3A_222 = vector.broadcast %and3A_221 : i32 to vector<1x64x128xi32>
    %and3A_223 = arith.andi %add3A, %and3A_222 : vector<1x64x128xi32>
    %eq3A_224 = arith.constant 0 : i32
    %eq3A_225 = vector.broadcast %eq3A_224 : i32 to vector<1x64x128xi32>
    %eq3A_226 = arith.cmpi eq, %and3A_223, %eq3A_225 : vector<1x64x128xi32>
    %and3A_227 = arith.constant 16 : i32
    %and3A_228 = vector.broadcast %and3A_227 : i32 to vector<1x64x128xi32>
    %and3A_229 = arith.andi %add3A, %and3A_228 : vector<1x64x128xi32>
    %eq3A_230 = arith.constant 0 : i32
    %eq3A_231 = vector.broadcast %eq3A_230 : i32 to vector<1x64x128xi32>
    %eq3A_232 = arith.cmpi eq, %and3A_229, %eq3A_231 : vector<1x64x128xi32>
    %broadcast_in_dim3A_233 = vector.shape_cast %eq3A_226 : vector<1x64x128xi1> to vector<1x64x128xi1>
    %broadcast_in_dim3A_234 = vector.broadcast %broadcast_in_dim3A_233 : vector<1x64x128xi1> to vector<4x64x128xi1>
    %select_n3A_235 = arith.select %broadcast_in_dim3A_234, %roll3A_218, %roll3A_220 : vector<4x64x128xi1>, vector<4x64x128xf32>
    %eq3A_236 = arith.xori %eq3A_232, %eq3A_226 : vector<1x64x128xi1>
    %eq3A_237 = arith.constant dense<true> : vector<1x64x128xi1>
    %eq3A_238 = arith.xori %eq3A_236, %eq3A_237 : vector<1x64x128xi1>
    %min3A_239 = arith.minimumf %select_n3A_216, %select_n3A_235 : vector<4x64x128xf32>
    %max3A_240 = arith.maximumf %select_n3A_216, %select_n3A_235 : vector<4x64x128xf32>
    %broadcast_in_dim3A_241 = vector.shape_cast %eq3A_238 : vector<1x64x128xi1> to vector<1x64x128xi1>
    %broadcast_in_dim3A_242 = vector.broadcast %broadcast_in_dim3A_241 : vector<1x64x128xi1> to vector<4x64x128xi1>
    %select_n3A_243 = arith.select %broadcast_in_dim3A_242, %min3A_239, %max3A_240 : vector<4x64x128xi1>, vector<4x64x128xf32>
    %roll3A_244 = arith.constant 127 : i32
    %roll3A_245 = tpu.dynamic_rotate %select_n3A_243 by %roll3A_244 dim 2 : vector<4x64x128xf32>, i32 -> vector<4x64x128xf32>
    %roll3A_246 = arith.constant 1 : i32
    %roll3A_247 = tpu.dynamic_rotate %select_n3A_243 by %roll3A_246 dim 2 : vector<4x64x128xf32>, i32 -> vector<4x64x128xf32>
    %and3A_248 = arith.constant 1 : i32
    %and3A_249 = vector.broadcast %and3A_248 : i32 to vector<1x64x128xi32>
    %and3A_250 = arith.andi %add3A, %and3A_249 : vector<1x64x128xi32>
    %eq3A_251 = arith.constant 0 : i32
    %eq3A_252 = vector.broadcast %eq3A_251 : i32 to vector<1x64x128xi32>
    %eq3A_253 = arith.cmpi eq, %and3A_250, %eq3A_252 : vector<1x64x128xi32>
    %and3A_254 = arith.constant 16 : i32
    %and3A_255 = vector.broadcast %and3A_254 : i32 to vector<1x64x128xi32>
    %and3A_256 = arith.andi %add3A, %and3A_255 : vector<1x64x128xi32>
    %eq3A_257 = arith.constant 0 : i32
    %eq3A_258 = vector.broadcast %eq3A_257 : i32 to vector<1x64x128xi32>
    %eq3A_259 = arith.cmpi eq, %and3A_256, %eq3A_258 : vector<1x64x128xi32>
    %broadcast_in_dim3A_260 = vector.shape_cast %eq3A_253 : vector<1x64x128xi1> to vector<1x64x128xi1>
    %broadcast_in_dim3A_261 = vector.broadcast %broadcast_in_dim3A_260 : vector<1x64x128xi1> to vector<4x64x128xi1>
    %select_n3A_262 = arith.select %broadcast_in_dim3A_261, %roll3A_245, %roll3A_247 : vector<4x64x128xi1>, vector<4x64x128xf32>
    %eq3A_263 = arith.xori %eq3A_259, %eq3A_253 : vector<1x64x128xi1>
    %eq3A_264 = arith.constant dense<true> : vector<1x64x128xi1>
    %eq3A_265 = arith.xori %eq3A_263, %eq3A_264 : vector<1x64x128xi1>
    %min3A_266 = arith.minimumf %select_n3A_243, %select_n3A_262 : vector<4x64x128xf32>
    %max3A_267 = arith.maximumf %select_n3A_243, %select_n3A_262 : vector<4x64x128xf32>
    %broadcast_in_dim3A_268 = vector.shape_cast %eq3A_265 : vector<1x64x128xi1> to vector<1x64x128xi1>
    %broadcast_in_dim3A_269 = vector.broadcast %broadcast_in_dim3A_268 : vector<1x64x128xi1> to vector<4x64x128xi1>
    %select_n3A_270 = arith.select %broadcast_in_dim3A_269, %min3A_266, %max3A_267 : vector<4x64x128xi1>, vector<4x64x128xf32>
    %roll3A_271 = arith.constant 112 : i32
    %roll3A_272 = tpu.dynamic_rotate %select_n3A_270 by %roll3A_271 dim 2 : vector<4x64x128xf32>, i32 -> vector<4x64x128xf32>
    %roll3A_273 = arith.constant 16 : i32
    %roll3A_274 = tpu.dynamic_rotate %select_n3A_270 by %roll3A_273 dim 2 : vector<4x64x128xf32>, i32 -> vector<4x64x128xf32>
    %and3A_275 = arith.constant 16 : i32
    %and3A_276 = vector.broadcast %and3A_275 : i32 to vector<1x64x128xi32>
    %and3A_277 = arith.andi %add3A, %and3A_276 : vector<1x64x128xi32>
    %eq3A_278 = arith.constant 0 : i32
    %eq3A_279 = vector.broadcast %eq3A_278 : i32 to vector<1x64x128xi32>
    %eq3A_280 = arith.cmpi eq, %and3A_277, %eq3A_279 : vector<1x64x128xi32>
    %and3A_281 = arith.constant 32 : i32
    %and3A_282 = vector.broadcast %and3A_281 : i32 to vector<1x64x128xi32>
    %and3A_283 = arith.andi %add3A, %and3A_282 : vector<1x64x128xi32>
    %eq3A_284 = arith.constant 0 : i32
    %eq3A_285 = vector.broadcast %eq3A_284 : i32 to vector<1x64x128xi32>
    %eq3A_286 = arith.cmpi eq, %and3A_283, %eq3A_285 : vector<1x64x128xi32>
    %broadcast_in_dim3A_287 = vector.shape_cast %eq3A_280 : vector<1x64x128xi1> to vector<1x64x128xi1>
    %broadcast_in_dim3A_288 = vector.broadcast %broadcast_in_dim3A_287 : vector<1x64x128xi1> to vector<4x64x128xi1>
    %select_n3A_289 = arith.select %broadcast_in_dim3A_288, %roll3A_272, %roll3A_274 : vector<4x64x128xi1>, vector<4x64x128xf32>
    %eq3A_290 = arith.xori %eq3A_286, %eq3A_280 : vector<1x64x128xi1>
    %eq3A_291 = arith.constant dense<true> : vector<1x64x128xi1>
    %eq3A_292 = arith.xori %eq3A_290, %eq3A_291 : vector<1x64x128xi1>
    %min3A_293 = arith.minimumf %select_n3A_270, %select_n3A_289 : vector<4x64x128xf32>
    %max3A_294 = arith.maximumf %select_n3A_270, %select_n3A_289 : vector<4x64x128xf32>
    %broadcast_in_dim3A_295 = vector.shape_cast %eq3A_292 : vector<1x64x128xi1> to vector<1x64x128xi1>
    %broadcast_in_dim3A_296 = vector.broadcast %broadcast_in_dim3A_295 : vector<1x64x128xi1> to vector<4x64x128xi1>
    %select_n3A_297 = arith.select %broadcast_in_dim3A_296, %min3A_293, %max3A_294 : vector<4x64x128xi1>, vector<4x64x128xf32>
    %roll3A_298 = arith.constant 120 : i32
    %roll3A_299 = tpu.dynamic_rotate %select_n3A_297 by %roll3A_298 dim 2 : vector<4x64x128xf32>, i32 -> vector<4x64x128xf32>
    %roll3A_300 = arith.constant 8 : i32
    %roll3A_301 = tpu.dynamic_rotate %select_n3A_297 by %roll3A_300 dim 2 : vector<4x64x128xf32>, i32 -> vector<4x64x128xf32>
    %and3A_302 = arith.constant 8 : i32
    %and3A_303 = vector.broadcast %and3A_302 : i32 to vector<1x64x128xi32>
    %and3A_304 = arith.andi %add3A, %and3A_303 : vector<1x64x128xi32>
    %eq3A_305 = arith.constant 0 : i32
    %eq3A_306 = vector.broadcast %eq3A_305 : i32 to vector<1x64x128xi32>
    %eq3A_307 = arith.cmpi eq, %and3A_304, %eq3A_306 : vector<1x64x128xi32>
    %and3A_308 = arith.constant 32 : i32
    %and3A_309 = vector.broadcast %and3A_308 : i32 to vector<1x64x128xi32>
    %and3A_310 = arith.andi %add3A, %and3A_309 : vector<1x64x128xi32>
    %eq3A_311 = arith.constant 0 : i32
    %eq3A_312 = vector.broadcast %eq3A_311 : i32 to vector<1x64x128xi32>
    %eq3A_313 = arith.cmpi eq, %and3A_310, %eq3A_312 : vector<1x64x128xi32>
    %broadcast_in_dim3A_314 = vector.shape_cast %eq3A_307 : vector<1x64x128xi1> to vector<1x64x128xi1>
    %broadcast_in_dim3A_315 = vector.broadcast %broadcast_in_dim3A_314 : vector<1x64x128xi1> to vector<4x64x128xi1>
    %select_n3A_316 = arith.select %broadcast_in_dim3A_315, %roll3A_299, %roll3A_301 : vector<4x64x128xi1>, vector<4x64x128xf32>
    %eq3A_317 = arith.xori %eq3A_313, %eq3A_307 : vector<1x64x128xi1>
    %eq3A_318 = arith.constant dense<true> : vector<1x64x128xi1>
    %eq3A_319 = arith.xori %eq3A_317, %eq3A_318 : vector<1x64x128xi1>
    %min3A_320 = arith.minimumf %select_n3A_297, %select_n3A_316 : vector<4x64x128xf32>
    %max3A_321 = arith.maximumf %select_n3A_297, %select_n3A_316 : vector<4x64x128xf32>
    %broadcast_in_dim3A_322 = vector.shape_cast %eq3A_319 : vector<1x64x128xi1> to vector<1x64x128xi1>
    %broadcast_in_dim3A_323 = vector.broadcast %broadcast_in_dim3A_322 : vector<1x64x128xi1> to vector<4x64x128xi1>
    %select_n3A_324 = arith.select %broadcast_in_dim3A_323, %min3A_320, %max3A_321 : vector<4x64x128xi1>, vector<4x64x128xf32>
    %roll3A_325 = arith.constant 124 : i32
    %roll3A_326 = tpu.dynamic_rotate %select_n3A_324 by %roll3A_325 dim 2 : vector<4x64x128xf32>, i32 -> vector<4x64x128xf32>
    %roll3A_327 = arith.constant 4 : i32
    %roll3A_328 = tpu.dynamic_rotate %select_n3A_324 by %roll3A_327 dim 2 : vector<4x64x128xf32>, i32 -> vector<4x64x128xf32>
    %and3A_329 = arith.constant 4 : i32
    %and3A_330 = vector.broadcast %and3A_329 : i32 to vector<1x64x128xi32>
    %and3A_331 = arith.andi %add3A, %and3A_330 : vector<1x64x128xi32>
    %eq3A_332 = arith.constant 0 : i32
    %eq3A_333 = vector.broadcast %eq3A_332 : i32 to vector<1x64x128xi32>
    %eq3A_334 = arith.cmpi eq, %and3A_331, %eq3A_333 : vector<1x64x128xi32>
    %and3A_335 = arith.constant 32 : i32
    %and3A_336 = vector.broadcast %and3A_335 : i32 to vector<1x64x128xi32>
    %and3A_337 = arith.andi %add3A, %and3A_336 : vector<1x64x128xi32>
    %eq3A_338 = arith.constant 0 : i32
    %eq3A_339 = vector.broadcast %eq3A_338 : i32 to vector<1x64x128xi32>
    %eq3A_340 = arith.cmpi eq, %and3A_337, %eq3A_339 : vector<1x64x128xi32>
    %broadcast_in_dim3A_341 = vector.shape_cast %eq3A_334 : vector<1x64x128xi1> to vector<1x64x128xi1>
    %broadcast_in_dim3A_342 = vector.broadcast %broadcast_in_dim3A_341 : vector<1x64x128xi1> to vector<4x64x128xi1>
    %select_n3A_343 = arith.select %broadcast_in_dim3A_342, %roll3A_326, %roll3A_328 : vector<4x64x128xi1>, vector<4x64x128xf32>
    %eq3A_344 = arith.xori %eq3A_340, %eq3A_334 : vector<1x64x128xi1>
    %eq3A_345 = arith.constant dense<true> : vector<1x64x128xi1>
    %eq3A_346 = arith.xori %eq3A_344, %eq3A_345 : vector<1x64x128xi1>
    %min3A_347 = arith.minimumf %select_n3A_324, %select_n3A_343 : vector<4x64x128xf32>
    %max3A_348 = arith.maximumf %select_n3A_324, %select_n3A_343 : vector<4x64x128xf32>
    %broadcast_in_dim3A_349 = vector.shape_cast %eq3A_346 : vector<1x64x128xi1> to vector<1x64x128xi1>
    %broadcast_in_dim3A_350 = vector.broadcast %broadcast_in_dim3A_349 : vector<1x64x128xi1> to vector<4x64x128xi1>
    %select_n3A_351 = arith.select %broadcast_in_dim3A_350, %min3A_347, %max3A_348 : vector<4x64x128xi1>, vector<4x64x128xf32>
    %roll3A_352 = arith.constant 126 : i32
    %roll3A_353 = tpu.dynamic_rotate %select_n3A_351 by %roll3A_352 dim 2 : vector<4x64x128xf32>, i32 -> vector<4x64x128xf32>
    %roll3A_354 = arith.constant 2 : i32
    %roll3A_355 = tpu.dynamic_rotate %select_n3A_351 by %roll3A_354 dim 2 : vector<4x64x128xf32>, i32 -> vector<4x64x128xf32>
    %and3A_356 = arith.constant 2 : i32
    %and3A_357 = vector.broadcast %and3A_356 : i32 to vector<1x64x128xi32>
    %and3A_358 = arith.andi %add3A, %and3A_357 : vector<1x64x128xi32>
    %eq3A_359 = arith.constant 0 : i32
    %eq3A_360 = vector.broadcast %eq3A_359 : i32 to vector<1x64x128xi32>
    %eq3A_361 = arith.cmpi eq, %and3A_358, %eq3A_360 : vector<1x64x128xi32>
    %and3A_362 = arith.constant 32 : i32
    %and3A_363 = vector.broadcast %and3A_362 : i32 to vector<1x64x128xi32>
    %and3A_364 = arith.andi %add3A, %and3A_363 : vector<1x64x128xi32>
    %eq3A_365 = arith.constant 0 : i32
    %eq3A_366 = vector.broadcast %eq3A_365 : i32 to vector<1x64x128xi32>
    %eq3A_367 = arith.cmpi eq, %and3A_364, %eq3A_366 : vector<1x64x128xi32>
    %broadcast_in_dim3A_368 = vector.shape_cast %eq3A_361 : vector<1x64x128xi1> to vector<1x64x128xi1>
    %broadcast_in_dim3A_369 = vector.broadcast %broadcast_in_dim3A_368 : vector<1x64x128xi1> to vector<4x64x128xi1>
    %select_n3A_370 = arith.select %broadcast_in_dim3A_369, %roll3A_353, %roll3A_355 : vector<4x64x128xi1>, vector<4x64x128xf32>
    %eq3A_371 = arith.xori %eq3A_367, %eq3A_361 : vector<1x64x128xi1>
    %eq3A_372 = arith.constant dense<true> : vector<1x64x128xi1>
    %eq3A_373 = arith.xori %eq3A_371, %eq3A_372 : vector<1x64x128xi1>
    %min3A_374 = arith.minimumf %select_n3A_351, %select_n3A_370 : vector<4x64x128xf32>
    %max3A_375 = arith.maximumf %select_n3A_351, %select_n3A_370 : vector<4x64x128xf32>
    %broadcast_in_dim3A_376 = vector.shape_cast %eq3A_373 : vector<1x64x128xi1> to vector<1x64x128xi1>
    %broadcast_in_dim3A_377 = vector.broadcast %broadcast_in_dim3A_376 : vector<1x64x128xi1> to vector<4x64x128xi1>
    %select_n3A_378 = arith.select %broadcast_in_dim3A_377, %min3A_374, %max3A_375 : vector<4x64x128xi1>, vector<4x64x128xf32>
    %roll3A_379 = arith.constant 127 : i32
    %roll3A_380 = tpu.dynamic_rotate %select_n3A_378 by %roll3A_379 dim 2 : vector<4x64x128xf32>, i32 -> vector<4x64x128xf32>
    %roll3A_381 = arith.constant 1 : i32
    %roll3A_382 = tpu.dynamic_rotate %select_n3A_378 by %roll3A_381 dim 2 : vector<4x64x128xf32>, i32 -> vector<4x64x128xf32>
    %and3A_383 = arith.constant 1 : i32
    %and3A_384 = vector.broadcast %and3A_383 : i32 to vector<1x64x128xi32>
    %and3A_385 = arith.andi %add3A, %and3A_384 : vector<1x64x128xi32>
    %eq3A_386 = arith.constant 0 : i32
    %eq3A_387 = vector.broadcast %eq3A_386 : i32 to vector<1x64x128xi32>
    %eq3A_388 = arith.cmpi eq, %and3A_385, %eq3A_387 : vector<1x64x128xi32>
    %and3A_389 = arith.constant 32 : i32
    %and3A_390 = vector.broadcast %and3A_389 : i32 to vector<1x64x128xi32>
    %and3A_391 = arith.andi %add3A, %and3A_390 : vector<1x64x128xi32>
    %eq3A_392 = arith.constant 0 : i32
    %eq3A_393 = vector.broadcast %eq3A_392 : i32 to vector<1x64x128xi32>
    %eq3A_394 = arith.cmpi eq, %and3A_391, %eq3A_393 : vector<1x64x128xi32>
    %broadcast_in_dim3A_395 = vector.shape_cast %eq3A_388 : vector<1x64x128xi1> to vector<1x64x128xi1>
    %broadcast_in_dim3A_396 = vector.broadcast %broadcast_in_dim3A_395 : vector<1x64x128xi1> to vector<4x64x128xi1>
    %select_n3A_397 = arith.select %broadcast_in_dim3A_396, %roll3A_380, %roll3A_382 : vector<4x64x128xi1>, vector<4x64x128xf32>
    %eq3A_398 = arith.xori %eq3A_394, %eq3A_388 : vector<1x64x128xi1>
    %eq3A_399 = arith.constant dense<true> : vector<1x64x128xi1>
    %eq3A_400 = arith.xori %eq3A_398, %eq3A_399 : vector<1x64x128xi1>
    %min3A_401 = arith.minimumf %select_n3A_378, %select_n3A_397 : vector<4x64x128xf32>
    %max3A_402 = arith.maximumf %select_n3A_378, %select_n3A_397 : vector<4x64x128xf32>
    %broadcast_in_dim3A_403 = vector.shape_cast %eq3A_400 : vector<1x64x128xi1> to vector<1x64x128xi1>
    %broadcast_in_dim3A_404 = vector.broadcast %broadcast_in_dim3A_403 : vector<1x64x128xi1> to vector<4x64x128xi1>
    %select_n3A_405 = arith.select %broadcast_in_dim3A_404, %min3A_401, %max3A_402 : vector<4x64x128xi1>, vector<4x64x128xf32>
    %roll3A_406 = arith.constant 96 : i32
    %roll3A_407 = tpu.dynamic_rotate %select_n3A_405 by %roll3A_406 dim 2 : vector<4x64x128xf32>, i32 -> vector<4x64x128xf32>
    %roll3A_408 = arith.constant 32 : i32
    %roll3A_409 = tpu.dynamic_rotate %select_n3A_405 by %roll3A_408 dim 2 : vector<4x64x128xf32>, i32 -> vector<4x64x128xf32>
    %and3A_410 = arith.constant 32 : i32
    %and3A_411 = vector.broadcast %and3A_410 : i32 to vector<1x64x128xi32>
    %and3A_412 = arith.andi %add3A, %and3A_411 : vector<1x64x128xi32>
    %eq3A_413 = arith.constant 0 : i32
    %eq3A_414 = vector.broadcast %eq3A_413 : i32 to vector<1x64x128xi32>
    %eq3A_415 = arith.cmpi eq, %and3A_412, %eq3A_414 : vector<1x64x128xi32>
    %and3A_416 = arith.constant 64 : i32
    %and3A_417 = vector.broadcast %and3A_416 : i32 to vector<1x64x128xi32>
    %and3A_418 = arith.andi %add3A, %and3A_417 : vector<1x64x128xi32>
    %eq3A_419 = arith.constant 0 : i32
    %eq3A_420 = vector.broadcast %eq3A_419 : i32 to vector<1x64x128xi32>
    %eq3A_421 = arith.cmpi eq, %and3A_418, %eq3A_420 : vector<1x64x128xi32>
    %broadcast_in_dim3A_422 = vector.shape_cast %eq3A_415 : vector<1x64x128xi1> to vector<1x64x128xi1>
    %broadcast_in_dim3A_423 = vector.broadcast %broadcast_in_dim3A_422 : vector<1x64x128xi1> to vector<4x64x128xi1>
    %select_n3A_424 = arith.select %broadcast_in_dim3A_423, %roll3A_407, %roll3A_409 : vector<4x64x128xi1>, vector<4x64x128xf32>
    %eq3A_425 = arith.xori %eq3A_421, %eq3A_415 : vector<1x64x128xi1>
    %eq3A_426 = arith.constant dense<true> : vector<1x64x128xi1>
    %eq3A_427 = arith.xori %eq3A_425, %eq3A_426 : vector<1x64x128xi1>
    %min3A_428 = arith.minimumf %select_n3A_405, %select_n3A_424 : vector<4x64x128xf32>
    %max3A_429 = arith.maximumf %select_n3A_405, %select_n3A_424 : vector<4x64x128xf32>
    %broadcast_in_dim3A_430 = vector.shape_cast %eq3A_427 : vector<1x64x128xi1> to vector<1x64x128xi1>
    %broadcast_in_dim3A_431 = vector.broadcast %broadcast_in_dim3A_430 : vector<1x64x128xi1> to vector<4x64x128xi1>
    %select_n3A_432 = arith.select %broadcast_in_dim3A_431, %min3A_428, %max3A_429 : vector<4x64x128xi1>, vector<4x64x128xf32>
    %roll3A_433 = arith.constant 112 : i32
    %roll3A_434 = tpu.dynamic_rotate %select_n3A_432 by %roll3A_433 dim 2 : vector<4x64x128xf32>, i32 -> vector<4x64x128xf32>
    %roll3A_435 = arith.constant 16 : i32
    %roll3A_436 = tpu.dynamic_rotate %select_n3A_432 by %roll3A_435 dim 2 : vector<4x64x128xf32>, i32 -> vector<4x64x128xf32>
    %and3A_437 = arith.constant 16 : i32
    %and3A_438 = vector.broadcast %and3A_437 : i32 to vector<1x64x128xi32>
    %and3A_439 = arith.andi %add3A, %and3A_438 : vector<1x64x128xi32>
    %eq3A_440 = arith.constant 0 : i32
    %eq3A_441 = vector.broadcast %eq3A_440 : i32 to vector<1x64x128xi32>
    %eq3A_442 = arith.cmpi eq, %and3A_439, %eq3A_441 : vector<1x64x128xi32>
    %and3A_443 = arith.constant 64 : i32
    %and3A_444 = vector.broadcast %and3A_443 : i32 to vector<1x64x128xi32>
    %and3A_445 = arith.andi %add3A, %and3A_444 : vector<1x64x128xi32>
    %eq3A_446 = arith.constant 0 : i32
    %eq3A_447 = vector.broadcast %eq3A_446 : i32 to vector<1x64x128xi32>
    %eq3A_448 = arith.cmpi eq, %and3A_445, %eq3A_447 : vector<1x64x128xi32>
    %broadcast_in_dim3A_449 = vector.shape_cast %eq3A_442 : vector<1x64x128xi1> to vector<1x64x128xi1>
    %broadcast_in_dim3A_450 = vector.broadcast %broadcast_in_dim3A_449 : vector<1x64x128xi1> to vector<4x64x128xi1>
    %select_n3A_451 = arith.select %broadcast_in_dim3A_450, %roll3A_434, %roll3A_436 : vector<4x64x128xi1>, vector<4x64x128xf32>
    %eq3A_452 = arith.xori %eq3A_448, %eq3A_442 : vector<1x64x128xi1>
    %eq3A_453 = arith.constant dense<true> : vector<1x64x128xi1>
    %eq3A_454 = arith.xori %eq3A_452, %eq3A_453 : vector<1x64x128xi1>
    %min3A_455 = arith.minimumf %select_n3A_432, %select_n3A_451 : vector<4x64x128xf32>
    %max3A_456 = arith.maximumf %select_n3A_432, %select_n3A_451 : vector<4x64x128xf32>
    %broadcast_in_dim3A_457 = vector.shape_cast %eq3A_454 : vector<1x64x128xi1> to vector<1x64x128xi1>
    %broadcast_in_dim3A_458 = vector.broadcast %broadcast_in_dim3A_457 : vector<1x64x128xi1> to vector<4x64x128xi1>
    %select_n3A_459 = arith.select %broadcast_in_dim3A_458, %min3A_455, %max3A_456 : vector<4x64x128xi1>, vector<4x64x128xf32>
    %roll3A_460 = arith.constant 120 : i32
    %roll3A_461 = tpu.dynamic_rotate %select_n3A_459 by %roll3A_460 dim 2 : vector<4x64x128xf32>, i32 -> vector<4x64x128xf32>
    %roll3A_462 = arith.constant 8 : i32
    %roll3A_463 = tpu.dynamic_rotate %select_n3A_459 by %roll3A_462 dim 2 : vector<4x64x128xf32>, i32 -> vector<4x64x128xf32>
    %and3A_464 = arith.constant 8 : i32
    %and3A_465 = vector.broadcast %and3A_464 : i32 to vector<1x64x128xi32>
    %and3A_466 = arith.andi %add3A, %and3A_465 : vector<1x64x128xi32>
    %eq3A_467 = arith.constant 0 : i32
    %eq3A_468 = vector.broadcast %eq3A_467 : i32 to vector<1x64x128xi32>
    %eq3A_469 = arith.cmpi eq, %and3A_466, %eq3A_468 : vector<1x64x128xi32>
    %and3A_470 = arith.constant 64 : i32
    %and3A_471 = vector.broadcast %and3A_470 : i32 to vector<1x64x128xi32>
    %and3A_472 = arith.andi %add3A, %and3A_471 : vector<1x64x128xi32>
    %eq3A_473 = arith.constant 0 : i32
    %eq3A_474 = vector.broadcast %eq3A_473 : i32 to vector<1x64x128xi32>
    %eq3A_475 = arith.cmpi eq, %and3A_472, %eq3A_474 : vector<1x64x128xi32>
    %broadcast_in_dim3A_476 = vector.shape_cast %eq3A_469 : vector<1x64x128xi1> to vector<1x64x128xi1>
    %broadcast_in_dim3A_477 = vector.broadcast %broadcast_in_dim3A_476 : vector<1x64x128xi1> to vector<4x64x128xi1>
    %select_n3A_478 = arith.select %broadcast_in_dim3A_477, %roll3A_461, %roll3A_463 : vector<4x64x128xi1>, vector<4x64x128xf32>
    %eq3A_479 = arith.xori %eq3A_475, %eq3A_469 : vector<1x64x128xi1>
    %eq3A_480 = arith.constant dense<true> : vector<1x64x128xi1>
    %eq3A_481 = arith.xori %eq3A_479, %eq3A_480 : vector<1x64x128xi1>
    %min3A_482 = arith.minimumf %select_n3A_459, %select_n3A_478 : vector<4x64x128xf32>
    %max3A_483 = arith.maximumf %select_n3A_459, %select_n3A_478 : vector<4x64x128xf32>
    %broadcast_in_dim3A_484 = vector.shape_cast %eq3A_481 : vector<1x64x128xi1> to vector<1x64x128xi1>
    %broadcast_in_dim3A_485 = vector.broadcast %broadcast_in_dim3A_484 : vector<1x64x128xi1> to vector<4x64x128xi1>
    %select_n3A_486 = arith.select %broadcast_in_dim3A_485, %min3A_482, %max3A_483 : vector<4x64x128xi1>, vector<4x64x128xf32>
    %roll3A_487 = arith.constant 124 : i32
    %roll3A_488 = tpu.dynamic_rotate %select_n3A_486 by %roll3A_487 dim 2 : vector<4x64x128xf32>, i32 -> vector<4x64x128xf32>
    %roll3A_489 = arith.constant 4 : i32
    %roll3A_490 = tpu.dynamic_rotate %select_n3A_486 by %roll3A_489 dim 2 : vector<4x64x128xf32>, i32 -> vector<4x64x128xf32>
    %and3A_491 = arith.constant 4 : i32
    %and3A_492 = vector.broadcast %and3A_491 : i32 to vector<1x64x128xi32>
    %and3A_493 = arith.andi %add3A, %and3A_492 : vector<1x64x128xi32>
    %eq3A_494 = arith.constant 0 : i32
    %eq3A_495 = vector.broadcast %eq3A_494 : i32 to vector<1x64x128xi32>
    %eq3A_496 = arith.cmpi eq, %and3A_493, %eq3A_495 : vector<1x64x128xi32>
    %and3A_497 = arith.constant 64 : i32
    %and3A_498 = vector.broadcast %and3A_497 : i32 to vector<1x64x128xi32>
    %and3A_499 = arith.andi %add3A, %and3A_498 : vector<1x64x128xi32>
    %eq3A_500 = arith.constant 0 : i32
    %eq3A_501 = vector.broadcast %eq3A_500 : i32 to vector<1x64x128xi32>
    %eq3A_502 = arith.cmpi eq, %and3A_499, %eq3A_501 : vector<1x64x128xi32>
    %broadcast_in_dim3A_503 = vector.shape_cast %eq3A_496 : vector<1x64x128xi1> to vector<1x64x128xi1>
    %broadcast_in_dim3A_504 = vector.broadcast %broadcast_in_dim3A_503 : vector<1x64x128xi1> to vector<4x64x128xi1>
    %select_n3A_505 = arith.select %broadcast_in_dim3A_504, %roll3A_488, %roll3A_490 : vector<4x64x128xi1>, vector<4x64x128xf32>
    %eq3A_506 = arith.xori %eq3A_502, %eq3A_496 : vector<1x64x128xi1>
    %eq3A_507 = arith.constant dense<true> : vector<1x64x128xi1>
    %eq3A_508 = arith.xori %eq3A_506, %eq3A_507 : vector<1x64x128xi1>
    %min3A_509 = arith.minimumf %select_n3A_486, %select_n3A_505 : vector<4x64x128xf32>
    %max3A_510 = arith.maximumf %select_n3A_486, %select_n3A_505 : vector<4x64x128xf32>
    %broadcast_in_dim3A_511 = vector.shape_cast %eq3A_508 : vector<1x64x128xi1> to vector<1x64x128xi1>
    %broadcast_in_dim3A_512 = vector.broadcast %broadcast_in_dim3A_511 : vector<1x64x128xi1> to vector<4x64x128xi1>
    %select_n3A_513 = arith.select %broadcast_in_dim3A_512, %min3A_509, %max3A_510 : vector<4x64x128xi1>, vector<4x64x128xf32>
    %roll3A_514 = arith.constant 126 : i32
    %roll3A_515 = tpu.dynamic_rotate %select_n3A_513 by %roll3A_514 dim 2 : vector<4x64x128xf32>, i32 -> vector<4x64x128xf32>
    %roll3A_516 = arith.constant 2 : i32
    %roll3A_517 = tpu.dynamic_rotate %select_n3A_513 by %roll3A_516 dim 2 : vector<4x64x128xf32>, i32 -> vector<4x64x128xf32>
    %and3A_518 = arith.constant 2 : i32
    %and3A_519 = vector.broadcast %and3A_518 : i32 to vector<1x64x128xi32>
    %and3A_520 = arith.andi %add3A, %and3A_519 : vector<1x64x128xi32>
    %eq3A_521 = arith.constant 0 : i32
    %eq3A_522 = vector.broadcast %eq3A_521 : i32 to vector<1x64x128xi32>
    %eq3A_523 = arith.cmpi eq, %and3A_520, %eq3A_522 : vector<1x64x128xi32>
    %and3A_524 = arith.constant 64 : i32
    %and3A_525 = vector.broadcast %and3A_524 : i32 to vector<1x64x128xi32>
    %and3A_526 = arith.andi %add3A, %and3A_525 : vector<1x64x128xi32>
    %eq3A_527 = arith.constant 0 : i32
    %eq3A_528 = vector.broadcast %eq3A_527 : i32 to vector<1x64x128xi32>
    %eq3A_529 = arith.cmpi eq, %and3A_526, %eq3A_528 : vector<1x64x128xi32>
    %broadcast_in_dim3A_530 = vector.shape_cast %eq3A_523 : vector<1x64x128xi1> to vector<1x64x128xi1>
    %broadcast_in_dim3A_531 = vector.broadcast %broadcast_in_dim3A_530 : vector<1x64x128xi1> to vector<4x64x128xi1>
    %select_n3A_532 = arith.select %broadcast_in_dim3A_531, %roll3A_515, %roll3A_517 : vector<4x64x128xi1>, vector<4x64x128xf32>
    %eq3A_533 = arith.xori %eq3A_529, %eq3A_523 : vector<1x64x128xi1>
    %eq3A_534 = arith.constant dense<true> : vector<1x64x128xi1>
    %eq3A_535 = arith.xori %eq3A_533, %eq3A_534 : vector<1x64x128xi1>
    %min3A_536 = arith.minimumf %select_n3A_513, %select_n3A_532 : vector<4x64x128xf32>
    %max3A_537 = arith.maximumf %select_n3A_513, %select_n3A_532 : vector<4x64x128xf32>
    %broadcast_in_dim3A_538 = vector.shape_cast %eq3A_535 : vector<1x64x128xi1> to vector<1x64x128xi1>
    %broadcast_in_dim3A_539 = vector.broadcast %broadcast_in_dim3A_538 : vector<1x64x128xi1> to vector<4x64x128xi1>
    %select_n3A_540 = arith.select %broadcast_in_dim3A_539, %min3A_536, %max3A_537 : vector<4x64x128xi1>, vector<4x64x128xf32>
    %roll3A_541 = arith.constant 127 : i32
    %roll3A_542 = tpu.dynamic_rotate %select_n3A_540 by %roll3A_541 dim 2 : vector<4x64x128xf32>, i32 -> vector<4x64x128xf32>
    %roll3A_543 = arith.constant 1 : i32
    %roll3A_544 = tpu.dynamic_rotate %select_n3A_540 by %roll3A_543 dim 2 : vector<4x64x128xf32>, i32 -> vector<4x64x128xf32>
    %and3A_545 = arith.constant 1 : i32
    %and3A_546 = vector.broadcast %and3A_545 : i32 to vector<1x64x128xi32>
    %and3A_547 = arith.andi %add3A, %and3A_546 : vector<1x64x128xi32>
    %eq3A_548 = arith.constant 0 : i32
    %eq3A_549 = vector.broadcast %eq3A_548 : i32 to vector<1x64x128xi32>
    %eq3A_550 = arith.cmpi eq, %and3A_547, %eq3A_549 : vector<1x64x128xi32>
    %and3A_551 = arith.constant 64 : i32
    %and3A_552 = vector.broadcast %and3A_551 : i32 to vector<1x64x128xi32>
    %and3A_553 = arith.andi %add3A, %and3A_552 : vector<1x64x128xi32>
    %eq3A_554 = arith.constant 0 : i32
    %eq3A_555 = vector.broadcast %eq3A_554 : i32 to vector<1x64x128xi32>
    %eq3A_556 = arith.cmpi eq, %and3A_553, %eq3A_555 : vector<1x64x128xi32>
    %broadcast_in_dim3A_557 = vector.shape_cast %eq3A_550 : vector<1x64x128xi1> to vector<1x64x128xi1>
    %broadcast_in_dim3A_558 = vector.broadcast %broadcast_in_dim3A_557 : vector<1x64x128xi1> to vector<4x64x128xi1>
    %select_n3A_559 = arith.select %broadcast_in_dim3A_558, %roll3A_542, %roll3A_544 : vector<4x64x128xi1>, vector<4x64x128xf32>
    %eq3A_560 = arith.xori %eq3A_556, %eq3A_550 : vector<1x64x128xi1>
    %eq3A_561 = arith.constant dense<true> : vector<1x64x128xi1>
    %eq3A_562 = arith.xori %eq3A_560, %eq3A_561 : vector<1x64x128xi1>
    %min3A_563 = arith.minimumf %select_n3A_540, %select_n3A_559 : vector<4x64x128xf32>
    %max3A_564 = arith.maximumf %select_n3A_540, %select_n3A_559 : vector<4x64x128xf32>
    %broadcast_in_dim3A_565 = vector.shape_cast %eq3A_562 : vector<1x64x128xi1> to vector<1x64x128xi1>
    %broadcast_in_dim3A_566 = vector.broadcast %broadcast_in_dim3A_565 : vector<1x64x128xi1> to vector<4x64x128xi1>
    %select_n3A_567 = arith.select %broadcast_in_dim3A_566, %min3A_563, %max3A_564 : vector<4x64x128xi1>, vector<4x64x128xf32>
    %roll3A_568 = arith.constant 64 : i32
    %roll3A_569 = tpu.dynamic_rotate %select_n3A_567 by %roll3A_568 dim 2 : vector<4x64x128xf32>, i32 -> vector<4x64x128xf32>
    %roll3A_570 = arith.constant 64 : i32
    %roll3A_571 = tpu.dynamic_rotate %select_n3A_567 by %roll3A_570 dim 2 : vector<4x64x128xf32>, i32 -> vector<4x64x128xf32>
    %and3A_572 = arith.constant 64 : i32
    %and3A_573 = vector.broadcast %and3A_572 : i32 to vector<1x64x128xi32>
    %and3A_574 = arith.andi %add3A, %and3A_573 : vector<1x64x128xi32>
    %eq3A_575 = arith.constant 0 : i32
    %eq3A_576 = vector.broadcast %eq3A_575 : i32 to vector<1x64x128xi32>
    %eq3A_577 = arith.cmpi eq, %and3A_574, %eq3A_576 : vector<1x64x128xi32>
    %and3A_578 = arith.constant 128 : i32
    %and3A_579 = vector.broadcast %and3A_578 : i32 to vector<1x64x128xi32>
    %and3A_580 = arith.andi %add3A, %and3A_579 : vector<1x64x128xi32>
    %eq3A_581 = arith.constant 0 : i32
    %eq3A_582 = vector.broadcast %eq3A_581 : i32 to vector<1x64x128xi32>
    %eq3A_583 = arith.cmpi eq, %and3A_580, %eq3A_582 : vector<1x64x128xi32>
    %broadcast_in_dim3A_584 = vector.shape_cast %eq3A_577 : vector<1x64x128xi1> to vector<1x64x128xi1>
    %broadcast_in_dim3A_585 = vector.broadcast %broadcast_in_dim3A_584 : vector<1x64x128xi1> to vector<4x64x128xi1>
    %select_n3A_586 = arith.select %broadcast_in_dim3A_585, %roll3A_569, %roll3A_571 : vector<4x64x128xi1>, vector<4x64x128xf32>
    %eq3A_587 = arith.xori %eq3A_583, %eq3A_577 : vector<1x64x128xi1>
    %eq3A_588 = arith.constant dense<true> : vector<1x64x128xi1>
    %eq3A_589 = arith.xori %eq3A_587, %eq3A_588 : vector<1x64x128xi1>
    %min3A_590 = arith.minimumf %select_n3A_567, %select_n3A_586 : vector<4x64x128xf32>
    %max3A_591 = arith.maximumf %select_n3A_567, %select_n3A_586 : vector<4x64x128xf32>
    %broadcast_in_dim3A_592 = vector.shape_cast %eq3A_589 : vector<1x64x128xi1> to vector<1x64x128xi1>
    %broadcast_in_dim3A_593 = vector.broadcast %broadcast_in_dim3A_592 : vector<1x64x128xi1> to vector<4x64x128xi1>
    %select_n3A_594 = arith.select %broadcast_in_dim3A_593, %min3A_590, %max3A_591 : vector<4x64x128xi1>, vector<4x64x128xf32>
    %roll3A_595 = arith.constant 96 : i32
    %roll3A_596 = tpu.dynamic_rotate %select_n3A_594 by %roll3A_595 dim 2 : vector<4x64x128xf32>, i32 -> vector<4x64x128xf32>
    %roll3A_597 = arith.constant 32 : i32
    %roll3A_598 = tpu.dynamic_rotate %select_n3A_594 by %roll3A_597 dim 2 : vector<4x64x128xf32>, i32 -> vector<4x64x128xf32>
    %and3A_599 = arith.constant 32 : i32
    %and3A_600 = vector.broadcast %and3A_599 : i32 to vector<1x64x128xi32>
    %and3A_601 = arith.andi %add3A, %and3A_600 : vector<1x64x128xi32>
    %eq3A_602 = arith.constant 0 : i32
    %eq3A_603 = vector.broadcast %eq3A_602 : i32 to vector<1x64x128xi32>
    %eq3A_604 = arith.cmpi eq, %and3A_601, %eq3A_603 : vector<1x64x128xi32>
    %and3A_605 = arith.constant 128 : i32
    %and3A_606 = vector.broadcast %and3A_605 : i32 to vector<1x64x128xi32>
    %and3A_607 = arith.andi %add3A, %and3A_606 : vector<1x64x128xi32>
    %eq3A_608 = arith.constant 0 : i32
    %eq3A_609 = vector.broadcast %eq3A_608 : i32 to vector<1x64x128xi32>
    %eq3A_610 = arith.cmpi eq, %and3A_607, %eq3A_609 : vector<1x64x128xi32>
    %broadcast_in_dim3A_611 = vector.shape_cast %eq3A_604 : vector<1x64x128xi1> to vector<1x64x128xi1>
    %broadcast_in_dim3A_612 = vector.broadcast %broadcast_in_dim3A_611 : vector<1x64x128xi1> to vector<4x64x128xi1>
    %select_n3A_613 = arith.select %broadcast_in_dim3A_612, %roll3A_596, %roll3A_598 : vector<4x64x128xi1>, vector<4x64x128xf32>
    %eq3A_614 = arith.xori %eq3A_610, %eq3A_604 : vector<1x64x128xi1>
    %eq3A_615 = arith.constant dense<true> : vector<1x64x128xi1>
    %eq3A_616 = arith.xori %eq3A_614, %eq3A_615 : vector<1x64x128xi1>
    %min3A_617 = arith.minimumf %select_n3A_594, %select_n3A_613 : vector<4x64x128xf32>
    %max3A_618 = arith.maximumf %select_n3A_594, %select_n3A_613 : vector<4x64x128xf32>
    %broadcast_in_dim3A_619 = vector.shape_cast %eq3A_616 : vector<1x64x128xi1> to vector<1x64x128xi1>
    %broadcast_in_dim3A_620 = vector.broadcast %broadcast_in_dim3A_619 : vector<1x64x128xi1> to vector<4x64x128xi1>
    %select_n3A_621 = arith.select %broadcast_in_dim3A_620, %min3A_617, %max3A_618 : vector<4x64x128xi1>, vector<4x64x128xf32>
    %roll3A_622 = arith.constant 112 : i32
    %roll3A_623 = tpu.dynamic_rotate %select_n3A_621 by %roll3A_622 dim 2 : vector<4x64x128xf32>, i32 -> vector<4x64x128xf32>
    %roll3A_624 = arith.constant 16 : i32
    %roll3A_625 = tpu.dynamic_rotate %select_n3A_621 by %roll3A_624 dim 2 : vector<4x64x128xf32>, i32 -> vector<4x64x128xf32>
    %and3A_626 = arith.constant 16 : i32
    %and3A_627 = vector.broadcast %and3A_626 : i32 to vector<1x64x128xi32>
    %and3A_628 = arith.andi %add3A, %and3A_627 : vector<1x64x128xi32>
    %eq3A_629 = arith.constant 0 : i32
    %eq3A_630 = vector.broadcast %eq3A_629 : i32 to vector<1x64x128xi32>
    %eq3A_631 = arith.cmpi eq, %and3A_628, %eq3A_630 : vector<1x64x128xi32>
    %and3A_632 = arith.constant 128 : i32
    %and3A_633 = vector.broadcast %and3A_632 : i32 to vector<1x64x128xi32>
    %and3A_634 = arith.andi %add3A, %and3A_633 : vector<1x64x128xi32>
    %eq3A_635 = arith.constant 0 : i32
    %eq3A_636 = vector.broadcast %eq3A_635 : i32 to vector<1x64x128xi32>
    %eq3A_637 = arith.cmpi eq, %and3A_634, %eq3A_636 : vector<1x64x128xi32>
    %broadcast_in_dim3A_638 = vector.shape_cast %eq3A_631 : vector<1x64x128xi1> to vector<1x64x128xi1>
    %broadcast_in_dim3A_639 = vector.broadcast %broadcast_in_dim3A_638 : vector<1x64x128xi1> to vector<4x64x128xi1>
    %select_n3A_640 = arith.select %broadcast_in_dim3A_639, %roll3A_623, %roll3A_625 : vector<4x64x128xi1>, vector<4x64x128xf32>
    %eq3A_641 = arith.xori %eq3A_637, %eq3A_631 : vector<1x64x128xi1>
    %eq3A_642 = arith.constant dense<true> : vector<1x64x128xi1>
    %eq3A_643 = arith.xori %eq3A_641, %eq3A_642 : vector<1x64x128xi1>
    %min3A_644 = arith.minimumf %select_n3A_621, %select_n3A_640 : vector<4x64x128xf32>
    %max3A_645 = arith.maximumf %select_n3A_621, %select_n3A_640 : vector<4x64x128xf32>
    %broadcast_in_dim3A_646 = vector.shape_cast %eq3A_643 : vector<1x64x128xi1> to vector<1x64x128xi1>
    %broadcast_in_dim3A_647 = vector.broadcast %broadcast_in_dim3A_646 : vector<1x64x128xi1> to vector<4x64x128xi1>
    %select_n3A_648 = arith.select %broadcast_in_dim3A_647, %min3A_644, %max3A_645 : vector<4x64x128xi1>, vector<4x64x128xf32>
    %roll3A_649 = arith.constant 120 : i32
    %roll3A_650 = tpu.dynamic_rotate %select_n3A_648 by %roll3A_649 dim 2 : vector<4x64x128xf32>, i32 -> vector<4x64x128xf32>
    %roll3A_651 = arith.constant 8 : i32
    %roll3A_652 = tpu.dynamic_rotate %select_n3A_648 by %roll3A_651 dim 2 : vector<4x64x128xf32>, i32 -> vector<4x64x128xf32>
    %and3A_653 = arith.constant 8 : i32
    %and3A_654 = vector.broadcast %and3A_653 : i32 to vector<1x64x128xi32>
    %and3A_655 = arith.andi %add3A, %and3A_654 : vector<1x64x128xi32>
    %eq3A_656 = arith.constant 0 : i32
    %eq3A_657 = vector.broadcast %eq3A_656 : i32 to vector<1x64x128xi32>
    %eq3A_658 = arith.cmpi eq, %and3A_655, %eq3A_657 : vector<1x64x128xi32>
    %and3A_659 = arith.constant 128 : i32
    %and3A_660 = vector.broadcast %and3A_659 : i32 to vector<1x64x128xi32>
    %and3A_661 = arith.andi %add3A, %and3A_660 : vector<1x64x128xi32>
    %eq3A_662 = arith.constant 0 : i32
    %eq3A_663 = vector.broadcast %eq3A_662 : i32 to vector<1x64x128xi32>
    %eq3A_664 = arith.cmpi eq, %and3A_661, %eq3A_663 : vector<1x64x128xi32>
    %broadcast_in_dim3A_665 = vector.shape_cast %eq3A_658 : vector<1x64x128xi1> to vector<1x64x128xi1>
    %broadcast_in_dim3A_666 = vector.broadcast %broadcast_in_dim3A_665 : vector<1x64x128xi1> to vector<4x64x128xi1>
    %select_n3A_667 = arith.select %broadcast_in_dim3A_666, %roll3A_650, %roll3A_652 : vector<4x64x128xi1>, vector<4x64x128xf32>
    %eq3A_668 = arith.xori %eq3A_664, %eq3A_658 : vector<1x64x128xi1>
    %eq3A_669 = arith.constant dense<true> : vector<1x64x128xi1>
    %eq3A_670 = arith.xori %eq3A_668, %eq3A_669 : vector<1x64x128xi1>
    %min3A_671 = arith.minimumf %select_n3A_648, %select_n3A_667 : vector<4x64x128xf32>
    %max3A_672 = arith.maximumf %select_n3A_648, %select_n3A_667 : vector<4x64x128xf32>
    %broadcast_in_dim3A_673 = vector.shape_cast %eq3A_670 : vector<1x64x128xi1> to vector<1x64x128xi1>
    %broadcast_in_dim3A_674 = vector.broadcast %broadcast_in_dim3A_673 : vector<1x64x128xi1> to vector<4x64x128xi1>
    %select_n3A_675 = arith.select %broadcast_in_dim3A_674, %min3A_671, %max3A_672 : vector<4x64x128xi1>, vector<4x64x128xf32>
    %roll3A_676 = arith.constant 124 : i32
    %roll3A_677 = tpu.dynamic_rotate %select_n3A_675 by %roll3A_676 dim 2 : vector<4x64x128xf32>, i32 -> vector<4x64x128xf32>
    %roll3A_678 = arith.constant 4 : i32
    %roll3A_679 = tpu.dynamic_rotate %select_n3A_675 by %roll3A_678 dim 2 : vector<4x64x128xf32>, i32 -> vector<4x64x128xf32>
    %and3A_680 = arith.constant 4 : i32
    %and3A_681 = vector.broadcast %and3A_680 : i32 to vector<1x64x128xi32>
    %and3A_682 = arith.andi %add3A, %and3A_681 : vector<1x64x128xi32>
    %eq3A_683 = arith.constant 0 : i32
    %eq3A_684 = vector.broadcast %eq3A_683 : i32 to vector<1x64x128xi32>
    %eq3A_685 = arith.cmpi eq, %and3A_682, %eq3A_684 : vector<1x64x128xi32>
    %and3A_686 = arith.constant 128 : i32
    %and3A_687 = vector.broadcast %and3A_686 : i32 to vector<1x64x128xi32>
    %and3A_688 = arith.andi %add3A, %and3A_687 : vector<1x64x128xi32>
    %eq3A_689 = arith.constant 0 : i32
    %eq3A_690 = vector.broadcast %eq3A_689 : i32 to vector<1x64x128xi32>
    %eq3A_691 = arith.cmpi eq, %and3A_688, %eq3A_690 : vector<1x64x128xi32>
    %broadcast_in_dim3A_692 = vector.shape_cast %eq3A_685 : vector<1x64x128xi1> to vector<1x64x128xi1>
    %broadcast_in_dim3A_693 = vector.broadcast %broadcast_in_dim3A_692 : vector<1x64x128xi1> to vector<4x64x128xi1>
    %select_n3A_694 = arith.select %broadcast_in_dim3A_693, %roll3A_677, %roll3A_679 : vector<4x64x128xi1>, vector<4x64x128xf32>
    %eq3A_695 = arith.xori %eq3A_691, %eq3A_685 : vector<1x64x128xi1>
    %eq3A_696 = arith.constant dense<true> : vector<1x64x128xi1>
    %eq3A_697 = arith.xori %eq3A_695, %eq3A_696 : vector<1x64x128xi1>
    %min3A_698 = arith.minimumf %select_n3A_675, %select_n3A_694 : vector<4x64x128xf32>
    %max3A_699 = arith.maximumf %select_n3A_675, %select_n3A_694 : vector<4x64x128xf32>
    %broadcast_in_dim3A_700 = vector.shape_cast %eq3A_697 : vector<1x64x128xi1> to vector<1x64x128xi1>
    %broadcast_in_dim3A_701 = vector.broadcast %broadcast_in_dim3A_700 : vector<1x64x128xi1> to vector<4x64x128xi1>
    %select_n3A_702 = arith.select %broadcast_in_dim3A_701, %min3A_698, %max3A_699 : vector<4x64x128xi1>, vector<4x64x128xf32>
    %roll3A_703 = arith.constant 126 : i32
    %roll3A_704 = tpu.dynamic_rotate %select_n3A_702 by %roll3A_703 dim 2 : vector<4x64x128xf32>, i32 -> vector<4x64x128xf32>
    %roll3A_705 = arith.constant 2 : i32
    %roll3A_706 = tpu.dynamic_rotate %select_n3A_702 by %roll3A_705 dim 2 : vector<4x64x128xf32>, i32 -> vector<4x64x128xf32>
    %and3A_707 = arith.constant 2 : i32
    %and3A_708 = vector.broadcast %and3A_707 : i32 to vector<1x64x128xi32>
    %and3A_709 = arith.andi %add3A, %and3A_708 : vector<1x64x128xi32>
    %eq3A_710 = arith.constant 0 : i32
    %eq3A_711 = vector.broadcast %eq3A_710 : i32 to vector<1x64x128xi32>
    %eq3A_712 = arith.cmpi eq, %and3A_709, %eq3A_711 : vector<1x64x128xi32>
    %and3A_713 = arith.constant 128 : i32
    %and3A_714 = vector.broadcast %and3A_713 : i32 to vector<1x64x128xi32>
    %and3A_715 = arith.andi %add3A, %and3A_714 : vector<1x64x128xi32>
    %eq3A_716 = arith.constant 0 : i32
    %eq3A_717 = vector.broadcast %eq3A_716 : i32 to vector<1x64x128xi32>
    %eq3A_718 = arith.cmpi eq, %and3A_715, %eq3A_717 : vector<1x64x128xi32>
    %broadcast_in_dim3A_719 = vector.shape_cast %eq3A_712 : vector<1x64x128xi1> to vector<1x64x128xi1>
    %broadcast_in_dim3A_720 = vector.broadcast %broadcast_in_dim3A_719 : vector<1x64x128xi1> to vector<4x64x128xi1>
    %select_n3A_721 = arith.select %broadcast_in_dim3A_720, %roll3A_704, %roll3A_706 : vector<4x64x128xi1>, vector<4x64x128xf32>
    %eq3A_722 = arith.xori %eq3A_718, %eq3A_712 : vector<1x64x128xi1>
    %eq3A_723 = arith.constant dense<true> : vector<1x64x128xi1>
    %eq3A_724 = arith.xori %eq3A_722, %eq3A_723 : vector<1x64x128xi1>
    %min3A_725 = arith.minimumf %select_n3A_702, %select_n3A_721 : vector<4x64x128xf32>
    %max3A_726 = arith.maximumf %select_n3A_702, %select_n3A_721 : vector<4x64x128xf32>
    %broadcast_in_dim3A_727 = vector.shape_cast %eq3A_724 : vector<1x64x128xi1> to vector<1x64x128xi1>
    %broadcast_in_dim3A_728 = vector.broadcast %broadcast_in_dim3A_727 : vector<1x64x128xi1> to vector<4x64x128xi1>
    %select_n3A_729 = arith.select %broadcast_in_dim3A_728, %min3A_725, %max3A_726 : vector<4x64x128xi1>, vector<4x64x128xf32>
    %roll3A_730 = arith.constant 127 : i32
    %roll3A_731 = tpu.dynamic_rotate %select_n3A_729 by %roll3A_730 dim 2 : vector<4x64x128xf32>, i32 -> vector<4x64x128xf32>
    %roll3A_732 = arith.constant 1 : i32
    %roll3A_733 = tpu.dynamic_rotate %select_n3A_729 by %roll3A_732 dim 2 : vector<4x64x128xf32>, i32 -> vector<4x64x128xf32>
    %and3A_734 = arith.constant 1 : i32
    %and3A_735 = vector.broadcast %and3A_734 : i32 to vector<1x64x128xi32>
    %and3A_736 = arith.andi %add3A, %and3A_735 : vector<1x64x128xi32>
    %eq3A_737 = arith.constant 0 : i32
    %eq3A_738 = vector.broadcast %eq3A_737 : i32 to vector<1x64x128xi32>
    %eq3A_739 = arith.cmpi eq, %and3A_736, %eq3A_738 : vector<1x64x128xi32>
    %and3A_740 = arith.constant 128 : i32
    %and3A_741 = vector.broadcast %and3A_740 : i32 to vector<1x64x128xi32>
    %and3A_742 = arith.andi %add3A, %and3A_741 : vector<1x64x128xi32>
    %eq3A_743 = arith.constant 0 : i32
    %eq3A_744 = vector.broadcast %eq3A_743 : i32 to vector<1x64x128xi32>
    %eq3A_745 = arith.cmpi eq, %and3A_742, %eq3A_744 : vector<1x64x128xi32>
    %broadcast_in_dim3A_746 = vector.shape_cast %eq3A_739 : vector<1x64x128xi1> to vector<1x64x128xi1>
    %broadcast_in_dim3A_747 = vector.broadcast %broadcast_in_dim3A_746 : vector<1x64x128xi1> to vector<4x64x128xi1>
    %select_n3A_748 = arith.select %broadcast_in_dim3A_747, %roll3A_731, %roll3A_733 : vector<4x64x128xi1>, vector<4x64x128xf32>
    %eq3A_749 = arith.xori %eq3A_745, %eq3A_739 : vector<1x64x128xi1>
    %eq3A_750 = arith.constant dense<true> : vector<1x64x128xi1>
    %eq3A_751 = arith.xori %eq3A_749, %eq3A_750 : vector<1x64x128xi1>
    %min3A_752 = arith.minimumf %select_n3A_729, %select_n3A_748 : vector<4x64x128xf32>
    %max3A_753 = arith.maximumf %select_n3A_729, %select_n3A_748 : vector<4x64x128xf32>
    %broadcast_in_dim3A_754 = vector.shape_cast %eq3A_751 : vector<1x64x128xi1> to vector<1x64x128xi1>
    %broadcast_in_dim3A_755 = vector.broadcast %broadcast_in_dim3A_754 : vector<1x64x128xi1> to vector<4x64x128xi1>
    %select_n3A_756 = arith.select %broadcast_in_dim3A_755, %min3A_752, %max3A_753 : vector<4x64x128xi1>, vector<4x64x128xf32>
    %slice3A = vector.extract_strided_slice %select_n3A_756 {offsets = [0, 1, 0], sizes = [4, 63, 128], strides = [1, 1, 1]} : vector<4x64x128xf32> to vector<4x63x128xf32>
    %slice3A_757 = vector.extract_strided_slice %select_n3A_756 {offsets = [0, 0, 0], sizes = [4, 1, 128], strides = [1, 1, 1]} : vector<4x64x128xf32> to vector<4x1x128xf32>
    %concatenate3A = tpu.concatenate %slice3A, %slice3A_757 in 1 : vector<4x63x128xf32>, vector<4x1x128xf32> -> vector<4x64x128xf32>
    %slice3A_758 = vector.extract_strided_slice %select_n3A_756 {offsets = [0, 63, 0], sizes = [4, 1, 128], strides = [1, 1, 1]} : vector<4x64x128xf32> to vector<4x1x128xf32>
    %slice3A_759 = vector.extract_strided_slice %select_n3A_756 {offsets = [0, 0, 0], sizes = [4, 63, 128], strides = [1, 1, 1]} : vector<4x64x128xf32> to vector<4x63x128xf32>
    %concatenate3A_760 = tpu.concatenate %slice3A_758, %slice3A_759 in 1 : vector<4x1x128xf32>, vector<4x63x128xf32> -> vector<4x64x128xf32>
    %and3A_761 = arith.constant 128 : i32
    %and3A_762 = vector.broadcast %and3A_761 : i32 to vector<1x64x128xi32>
    %and3A_763 = arith.andi %add3A, %and3A_762 : vector<1x64x128xi32>
    %eq3A_764 = arith.constant 0 : i32
    %eq3A_765 = vector.broadcast %eq3A_764 : i32 to vector<1x64x128xi32>
    %eq3A_766 = arith.cmpi eq, %and3A_763, %eq3A_765 : vector<1x64x128xi32>
    %and3A_767 = arith.constant 256 : i32
    %and3A_768 = vector.broadcast %and3A_767 : i32 to vector<1x64x128xi32>
    %and3A_769 = arith.andi %add3A, %and3A_768 : vector<1x64x128xi32>
    %eq3A_770 = arith.constant 0 : i32
    %eq3A_771 = vector.broadcast %eq3A_770 : i32 to vector<1x64x128xi32>
    %eq3A_772 = arith.cmpi eq, %and3A_769, %eq3A_771 : vector<1x64x128xi32>
    %broadcast_in_dim3A_773 = vector.shape_cast %eq3A_766 : vector<1x64x128xi1> to vector<1x64x128xi1>
    %broadcast_in_dim3A_774 = vector.broadcast %broadcast_in_dim3A_773 : vector<1x64x128xi1> to vector<4x64x128xi1>
    %select_n3A_775 = arith.select %broadcast_in_dim3A_774, %concatenate3A, %concatenate3A_760 : vector<4x64x128xi1>, vector<4x64x128xf32>
    %eq3A_776 = arith.xori %eq3A_772, %eq3A_766 : vector<1x64x128xi1>
    %eq3A_777 = arith.constant dense<true> : vector<1x64x128xi1>
    %eq3A_778 = arith.xori %eq3A_776, %eq3A_777 : vector<1x64x128xi1>
    %min3A_779 = arith.minimumf %select_n3A_756, %select_n3A_775 : vector<4x64x128xf32>
    %max3A_780 = arith.maximumf %select_n3A_756, %select_n3A_775 : vector<4x64x128xf32>
    %broadcast_in_dim3A_781 = vector.shape_cast %eq3A_778 : vector<1x64x128xi1> to vector<1x64x128xi1>
    %broadcast_in_dim3A_782 = vector.broadcast %broadcast_in_dim3A_781 : vector<1x64x128xi1> to vector<4x64x128xi1>
    %select_n3A_783 = arith.select %broadcast_in_dim3A_782, %min3A_779, %max3A_780 : vector<4x64x128xi1>, vector<4x64x128xf32>
    %roll3A_784 = arith.constant 64 : i32
    %roll3A_785 = tpu.dynamic_rotate %select_n3A_783 by %roll3A_784 dim 2 : vector<4x64x128xf32>, i32 -> vector<4x64x128xf32>
    %roll3A_786 = arith.constant 64 : i32
    %roll3A_787 = tpu.dynamic_rotate %select_n3A_783 by %roll3A_786 dim 2 : vector<4x64x128xf32>, i32 -> vector<4x64x128xf32>
    %and3A_788 = arith.constant 64 : i32
    %and3A_789 = vector.broadcast %and3A_788 : i32 to vector<1x64x128xi32>
    %and3A_790 = arith.andi %add3A, %and3A_789 : vector<1x64x128xi32>
    %eq3A_791 = arith.constant 0 : i32
    %eq3A_792 = vector.broadcast %eq3A_791 : i32 to vector<1x64x128xi32>
    %eq3A_793 = arith.cmpi eq, %and3A_790, %eq3A_792 : vector<1x64x128xi32>
    %and3A_794 = arith.constant 256 : i32
    %and3A_795 = vector.broadcast %and3A_794 : i32 to vector<1x64x128xi32>
    %and3A_796 = arith.andi %add3A, %and3A_795 : vector<1x64x128xi32>
    %eq3A_797 = arith.constant 0 : i32
    %eq3A_798 = vector.broadcast %eq3A_797 : i32 to vector<1x64x128xi32>
    %eq3A_799 = arith.cmpi eq, %and3A_796, %eq3A_798 : vector<1x64x128xi32>
    %broadcast_in_dim3A_800 = vector.shape_cast %eq3A_793 : vector<1x64x128xi1> to vector<1x64x128xi1>
    %broadcast_in_dim3A_801 = vector.broadcast %broadcast_in_dim3A_800 : vector<1x64x128xi1> to vector<4x64x128xi1>
    %select_n3A_802 = arith.select %broadcast_in_dim3A_801, %roll3A_785, %roll3A_787 : vector<4x64x128xi1>, vector<4x64x128xf32>
    %eq3A_803 = arith.xori %eq3A_799, %eq3A_793 : vector<1x64x128xi1>
    %eq3A_804 = arith.constant dense<true> : vector<1x64x128xi1>
    %eq3A_805 = arith.xori %eq3A_803, %eq3A_804 : vector<1x64x128xi1>
    %min3A_806 = arith.minimumf %select_n3A_783, %select_n3A_802 : vector<4x64x128xf32>
    %max3A_807 = arith.maximumf %select_n3A_783, %select_n3A_802 : vector<4x64x128xf32>
    %broadcast_in_dim3A_808 = vector.shape_cast %eq3A_805 : vector<1x64x128xi1> to vector<1x64x128xi1>
    %broadcast_in_dim3A_809 = vector.broadcast %broadcast_in_dim3A_808 : vector<1x64x128xi1> to vector<4x64x128xi1>
    %select_n3A_810 = arith.select %broadcast_in_dim3A_809, %min3A_806, %max3A_807 : vector<4x64x128xi1>, vector<4x64x128xf32>
    %roll3A_811 = arith.constant 96 : i32
    %roll3A_812 = tpu.dynamic_rotate %select_n3A_810 by %roll3A_811 dim 2 : vector<4x64x128xf32>, i32 -> vector<4x64x128xf32>
    %roll3A_813 = arith.constant 32 : i32
    %roll3A_814 = tpu.dynamic_rotate %select_n3A_810 by %roll3A_813 dim 2 : vector<4x64x128xf32>, i32 -> vector<4x64x128xf32>
    %and3A_815 = arith.constant 32 : i32
    %and3A_816 = vector.broadcast %and3A_815 : i32 to vector<1x64x128xi32>
    %and3A_817 = arith.andi %add3A, %and3A_816 : vector<1x64x128xi32>
    %eq3A_818 = arith.constant 0 : i32
    %eq3A_819 = vector.broadcast %eq3A_818 : i32 to vector<1x64x128xi32>
    %eq3A_820 = arith.cmpi eq, %and3A_817, %eq3A_819 : vector<1x64x128xi32>
    %and3A_821 = arith.constant 256 : i32
    %and3A_822 = vector.broadcast %and3A_821 : i32 to vector<1x64x128xi32>
    %and3A_823 = arith.andi %add3A, %and3A_822 : vector<1x64x128xi32>
    %eq3A_824 = arith.constant 0 : i32
    %eq3A_825 = vector.broadcast %eq3A_824 : i32 to vector<1x64x128xi32>
    %eq3A_826 = arith.cmpi eq, %and3A_823, %eq3A_825 : vector<1x64x128xi32>
    %broadcast_in_dim3A_827 = vector.shape_cast %eq3A_820 : vector<1x64x128xi1> to vector<1x64x128xi1>
    %broadcast_in_dim3A_828 = vector.broadcast %broadcast_in_dim3A_827 : vector<1x64x128xi1> to vector<4x64x128xi1>
    %select_n3A_829 = arith.select %broadcast_in_dim3A_828, %roll3A_812, %roll3A_814 : vector<4x64x128xi1>, vector<4x64x128xf32>
    %eq3A_830 = arith.xori %eq3A_826, %eq3A_820 : vector<1x64x128xi1>
    %eq3A_831 = arith.constant dense<true> : vector<1x64x128xi1>
    %eq3A_832 = arith.xori %eq3A_830, %eq3A_831 : vector<1x64x128xi1>
    %min3A_833 = arith.minimumf %select_n3A_810, %select_n3A_829 : vector<4x64x128xf32>
    %max3A_834 = arith.maximumf %select_n3A_810, %select_n3A_829 : vector<4x64x128xf32>
    %broadcast_in_dim3A_835 = vector.shape_cast %eq3A_832 : vector<1x64x128xi1> to vector<1x64x128xi1>
    %broadcast_in_dim3A_836 = vector.broadcast %broadcast_in_dim3A_835 : vector<1x64x128xi1> to vector<4x64x128xi1>
    %select_n3A_837 = arith.select %broadcast_in_dim3A_836, %min3A_833, %max3A_834 : vector<4x64x128xi1>, vector<4x64x128xf32>
    %roll3A_838 = arith.constant 112 : i32
    %roll3A_839 = tpu.dynamic_rotate %select_n3A_837 by %roll3A_838 dim 2 : vector<4x64x128xf32>, i32 -> vector<4x64x128xf32>
    %roll3A_840 = arith.constant 16 : i32
    %roll3A_841 = tpu.dynamic_rotate %select_n3A_837 by %roll3A_840 dim 2 : vector<4x64x128xf32>, i32 -> vector<4x64x128xf32>
    %and3A_842 = arith.constant 16 : i32
    %and3A_843 = vector.broadcast %and3A_842 : i32 to vector<1x64x128xi32>
    %and3A_844 = arith.andi %add3A, %and3A_843 : vector<1x64x128xi32>
    %eq3A_845 = arith.constant 0 : i32
    %eq3A_846 = vector.broadcast %eq3A_845 : i32 to vector<1x64x128xi32>
    %eq3A_847 = arith.cmpi eq, %and3A_844, %eq3A_846 : vector<1x64x128xi32>
    %and3A_848 = arith.constant 256 : i32
    %and3A_849 = vector.broadcast %and3A_848 : i32 to vector<1x64x128xi32>
    %and3A_850 = arith.andi %add3A, %and3A_849 : vector<1x64x128xi32>
    %eq3A_851 = arith.constant 0 : i32
    %eq3A_852 = vector.broadcast %eq3A_851 : i32 to vector<1x64x128xi32>
    %eq3A_853 = arith.cmpi eq, %and3A_850, %eq3A_852 : vector<1x64x128xi32>
    %broadcast_in_dim3A_854 = vector.shape_cast %eq3A_847 : vector<1x64x128xi1> to vector<1x64x128xi1>
    %broadcast_in_dim3A_855 = vector.broadcast %broadcast_in_dim3A_854 : vector<1x64x128xi1> to vector<4x64x128xi1>
    %select_n3A_856 = arith.select %broadcast_in_dim3A_855, %roll3A_839, %roll3A_841 : vector<4x64x128xi1>, vector<4x64x128xf32>
    %eq3A_857 = arith.xori %eq3A_853, %eq3A_847 : vector<1x64x128xi1>
    %eq3A_858 = arith.constant dense<true> : vector<1x64x128xi1>
    %eq3A_859 = arith.xori %eq3A_857, %eq3A_858 : vector<1x64x128xi1>
    %min3A_860 = arith.minimumf %select_n3A_837, %select_n3A_856 : vector<4x64x128xf32>
    %max3A_861 = arith.maximumf %select_n3A_837, %select_n3A_856 : vector<4x64x128xf32>
    %broadcast_in_dim3A_862 = vector.shape_cast %eq3A_859 : vector<1x64x128xi1> to vector<1x64x128xi1>
    %broadcast_in_dim3A_863 = vector.broadcast %broadcast_in_dim3A_862 : vector<1x64x128xi1> to vector<4x64x128xi1>
    %select_n3A_864 = arith.select %broadcast_in_dim3A_863, %min3A_860, %max3A_861 : vector<4x64x128xi1>, vector<4x64x128xf32>
    %roll3A_865 = arith.constant 120 : i32
    %roll3A_866 = tpu.dynamic_rotate %select_n3A_864 by %roll3A_865 dim 2 : vector<4x64x128xf32>, i32 -> vector<4x64x128xf32>
    %roll3A_867 = arith.constant 8 : i32
    %roll3A_868 = tpu.dynamic_rotate %select_n3A_864 by %roll3A_867 dim 2 : vector<4x64x128xf32>, i32 -> vector<4x64x128xf32>
    %and3A_869 = arith.constant 8 : i32
    %and3A_870 = vector.broadcast %and3A_869 : i32 to vector<1x64x128xi32>
    %and3A_871 = arith.andi %add3A, %and3A_870 : vector<1x64x128xi32>
    %eq3A_872 = arith.constant 0 : i32
    %eq3A_873 = vector.broadcast %eq3A_872 : i32 to vector<1x64x128xi32>
    %eq3A_874 = arith.cmpi eq, %and3A_871, %eq3A_873 : vector<1x64x128xi32>
    %and3A_875 = arith.constant 256 : i32
    %and3A_876 = vector.broadcast %and3A_875 : i32 to vector<1x64x128xi32>
    %and3A_877 = arith.andi %add3A, %and3A_876 : vector<1x64x128xi32>
    %eq3A_878 = arith.constant 0 : i32
    %eq3A_879 = vector.broadcast %eq3A_878 : i32 to vector<1x64x128xi32>
    %eq3A_880 = arith.cmpi eq, %and3A_877, %eq3A_879 : vector<1x64x128xi32>
    %broadcast_in_dim3A_881 = vector.shape_cast %eq3A_874 : vector<1x64x128xi1> to vector<1x64x128xi1>
    %broadcast_in_dim3A_882 = vector.broadcast %broadcast_in_dim3A_881 : vector<1x64x128xi1> to vector<4x64x128xi1>
    %select_n3A_883 = arith.select %broadcast_in_dim3A_882, %roll3A_866, %roll3A_868 : vector<4x64x128xi1>, vector<4x64x128xf32>
    %eq3A_884 = arith.xori %eq3A_880, %eq3A_874 : vector<1x64x128xi1>
    %eq3A_885 = arith.constant dense<true> : vector<1x64x128xi1>
    %eq3A_886 = arith.xori %eq3A_884, %eq3A_885 : vector<1x64x128xi1>
    %min3A_887 = arith.minimumf %select_n3A_864, %select_n3A_883 : vector<4x64x128xf32>
    %max3A_888 = arith.maximumf %select_n3A_864, %select_n3A_883 : vector<4x64x128xf32>
    %broadcast_in_dim3A_889 = vector.shape_cast %eq3A_886 : vector<1x64x128xi1> to vector<1x64x128xi1>
    %broadcast_in_dim3A_890 = vector.broadcast %broadcast_in_dim3A_889 : vector<1x64x128xi1> to vector<4x64x128xi1>
    %select_n3A_891 = arith.select %broadcast_in_dim3A_890, %min3A_887, %max3A_888 : vector<4x64x128xi1>, vector<4x64x128xf32>
    %roll3A_892 = arith.constant 124 : i32
    %roll3A_893 = tpu.dynamic_rotate %select_n3A_891 by %roll3A_892 dim 2 : vector<4x64x128xf32>, i32 -> vector<4x64x128xf32>
    %roll3A_894 = arith.constant 4 : i32
    %roll3A_895 = tpu.dynamic_rotate %select_n3A_891 by %roll3A_894 dim 2 : vector<4x64x128xf32>, i32 -> vector<4x64x128xf32>
    %and3A_896 = arith.constant 4 : i32
    %and3A_897 = vector.broadcast %and3A_896 : i32 to vector<1x64x128xi32>
    %and3A_898 = arith.andi %add3A, %and3A_897 : vector<1x64x128xi32>
    %eq3A_899 = arith.constant 0 : i32
    %eq3A_900 = vector.broadcast %eq3A_899 : i32 to vector<1x64x128xi32>
    %eq3A_901 = arith.cmpi eq, %and3A_898, %eq3A_900 : vector<1x64x128xi32>
    %and3A_902 = arith.constant 256 : i32
    %and3A_903 = vector.broadcast %and3A_902 : i32 to vector<1x64x128xi32>
    %and3A_904 = arith.andi %add3A, %and3A_903 : vector<1x64x128xi32>
    %eq3A_905 = arith.constant 0 : i32
    %eq3A_906 = vector.broadcast %eq3A_905 : i32 to vector<1x64x128xi32>
    %eq3A_907 = arith.cmpi eq, %and3A_904, %eq3A_906 : vector<1x64x128xi32>
    %broadcast_in_dim3A_908 = vector.shape_cast %eq3A_901 : vector<1x64x128xi1> to vector<1x64x128xi1>
    %broadcast_in_dim3A_909 = vector.broadcast %broadcast_in_dim3A_908 : vector<1x64x128xi1> to vector<4x64x128xi1>
    %select_n3A_910 = arith.select %broadcast_in_dim3A_909, %roll3A_893, %roll3A_895 : vector<4x64x128xi1>, vector<4x64x128xf32>
    %eq3A_911 = arith.xori %eq3A_907, %eq3A_901 : vector<1x64x128xi1>
    %eq3A_912 = arith.constant dense<true> : vector<1x64x128xi1>
    %eq3A_913 = arith.xori %eq3A_911, %eq3A_912 : vector<1x64x128xi1>
    %min3A_914 = arith.minimumf %select_n3A_891, %select_n3A_910 : vector<4x64x128xf32>
    %max3A_915 = arith.maximumf %select_n3A_891, %select_n3A_910 : vector<4x64x128xf32>
    %broadcast_in_dim3A_916 = vector.shape_cast %eq3A_913 : vector<1x64x128xi1> to vector<1x64x128xi1>
    %broadcast_in_dim3A_917 = vector.broadcast %broadcast_in_dim3A_916 : vector<1x64x128xi1> to vector<4x64x128xi1>
    %select_n3A_918 = arith.select %broadcast_in_dim3A_917, %min3A_914, %max3A_915 : vector<4x64x128xi1>, vector<4x64x128xf32>
    %roll3A_919 = arith.constant 126 : i32
    %roll3A_920 = tpu.dynamic_rotate %select_n3A_918 by %roll3A_919 dim 2 : vector<4x64x128xf32>, i32 -> vector<4x64x128xf32>
    %roll3A_921 = arith.constant 2 : i32
    %roll3A_922 = tpu.dynamic_rotate %select_n3A_918 by %roll3A_921 dim 2 : vector<4x64x128xf32>, i32 -> vector<4x64x128xf32>
    %and3A_923 = arith.constant 2 : i32
    %and3A_924 = vector.broadcast %and3A_923 : i32 to vector<1x64x128xi32>
    %and3A_925 = arith.andi %add3A, %and3A_924 : vector<1x64x128xi32>
    %eq3A_926 = arith.constant 0 : i32
    %eq3A_927 = vector.broadcast %eq3A_926 : i32 to vector<1x64x128xi32>
    %eq3A_928 = arith.cmpi eq, %and3A_925, %eq3A_927 : vector<1x64x128xi32>
    %and3A_929 = arith.constant 256 : i32
    %and3A_930 = vector.broadcast %and3A_929 : i32 to vector<1x64x128xi32>
    %and3A_931 = arith.andi %add3A, %and3A_930 : vector<1x64x128xi32>
    %eq3A_932 = arith.constant 0 : i32
    %eq3A_933 = vector.broadcast %eq3A_932 : i32 to vector<1x64x128xi32>
    %eq3A_934 = arith.cmpi eq, %and3A_931, %eq3A_933 : vector<1x64x128xi32>
    %broadcast_in_dim3A_935 = vector.shape_cast %eq3A_928 : vector<1x64x128xi1> to vector<1x64x128xi1>
    %broadcast_in_dim3A_936 = vector.broadcast %broadcast_in_dim3A_935 : vector<1x64x128xi1> to vector<4x64x128xi1>
    %select_n3A_937 = arith.select %broadcast_in_dim3A_936, %roll3A_920, %roll3A_922 : vector<4x64x128xi1>, vector<4x64x128xf32>
    %eq3A_938 = arith.xori %eq3A_934, %eq3A_928 : vector<1x64x128xi1>
    %eq3A_939 = arith.constant dense<true> : vector<1x64x128xi1>
    %eq3A_940 = arith.xori %eq3A_938, %eq3A_939 : vector<1x64x128xi1>
    %min3A_941 = arith.minimumf %select_n3A_918, %select_n3A_937 : vector<4x64x128xf32>
    %max3A_942 = arith.maximumf %select_n3A_918, %select_n3A_937 : vector<4x64x128xf32>
    %broadcast_in_dim3A_943 = vector.shape_cast %eq3A_940 : vector<1x64x128xi1> to vector<1x64x128xi1>
    %broadcast_in_dim3A_944 = vector.broadcast %broadcast_in_dim3A_943 : vector<1x64x128xi1> to vector<4x64x128xi1>
    %select_n3A_945 = arith.select %broadcast_in_dim3A_944, %min3A_941, %max3A_942 : vector<4x64x128xi1>, vector<4x64x128xf32>
    %roll3A_946 = arith.constant 127 : i32
    %roll3A_947 = tpu.dynamic_rotate %select_n3A_945 by %roll3A_946 dim 2 : vector<4x64x128xf32>, i32 -> vector<4x64x128xf32>
    %roll3A_948 = arith.constant 1 : i32
    %roll3A_949 = tpu.dynamic_rotate %select_n3A_945 by %roll3A_948 dim 2 : vector<4x64x128xf32>, i32 -> vector<4x64x128xf32>
    %and3A_950 = arith.constant 1 : i32
    %and3A_951 = vector.broadcast %and3A_950 : i32 to vector<1x64x128xi32>
    %and3A_952 = arith.andi %add3A, %and3A_951 : vector<1x64x128xi32>
    %eq3A_953 = arith.constant 0 : i32
    %eq3A_954 = vector.broadcast %eq3A_953 : i32 to vector<1x64x128xi32>
    %eq3A_955 = arith.cmpi eq, %and3A_952, %eq3A_954 : vector<1x64x128xi32>
    %and3A_956 = arith.constant 256 : i32
    %and3A_957 = vector.broadcast %and3A_956 : i32 to vector<1x64x128xi32>
    %and3A_958 = arith.andi %add3A, %and3A_957 : vector<1x64x128xi32>
    %eq3A_959 = arith.constant 0 : i32
    %eq3A_960 = vector.broadcast %eq3A_959 : i32 to vector<1x64x128xi32>
    %eq3A_961 = arith.cmpi eq, %and3A_958, %eq3A_960 : vector<1x64x128xi32>
    %broadcast_in_dim3A_962 = vector.shape_cast %eq3A_955 : vector<1x64x128xi1> to vector<1x64x128xi1>
    %broadcast_in_dim3A_963 = vector.broadcast %broadcast_in_dim3A_962 : vector<1x64x128xi1> to vector<4x64x128xi1>
    %select_n3A_964 = arith.select %broadcast_in_dim3A_963, %roll3A_947, %roll3A_949 : vector<4x64x128xi1>, vector<4x64x128xf32>
    %eq3A_965 = arith.xori %eq3A_961, %eq3A_955 : vector<1x64x128xi1>
    %eq3A_966 = arith.constant dense<true> : vector<1x64x128xi1>
    %eq3A_967 = arith.xori %eq3A_965, %eq3A_966 : vector<1x64x128xi1>
    %min3A_968 = arith.minimumf %select_n3A_945, %select_n3A_964 : vector<4x64x128xf32>
    %max3A_969 = arith.maximumf %select_n3A_945, %select_n3A_964 : vector<4x64x128xf32>
    %broadcast_in_dim3A_970 = vector.shape_cast %eq3A_967 : vector<1x64x128xi1> to vector<1x64x128xi1>
    %broadcast_in_dim3A_971 = vector.broadcast %broadcast_in_dim3A_970 : vector<1x64x128xi1> to vector<4x64x128xi1>
    %select_n3A_972 = arith.select %broadcast_in_dim3A_971, %min3A_968, %max3A_969 : vector<4x64x128xi1>, vector<4x64x128xf32>
    %slice3A_973 = vector.extract_strided_slice %select_n3A_972 {offsets = [0, 2, 0], sizes = [4, 62, 128], strides = [1, 1, 1]} : vector<4x64x128xf32> to vector<4x62x128xf32>
    %slice3A_974 = vector.extract_strided_slice %select_n3A_972 {offsets = [0, 0, 0], sizes = [4, 2, 128], strides = [1, 1, 1]} : vector<4x64x128xf32> to vector<4x2x128xf32>
    %concatenate3A_975 = tpu.concatenate %slice3A_973, %slice3A_974 in 1 : vector<4x62x128xf32>, vector<4x2x128xf32> -> vector<4x64x128xf32>
    %slice3A_976 = vector.extract_strided_slice %select_n3A_972 {offsets = [0, 62, 0], sizes = [4, 2, 128], strides = [1, 1, 1]} : vector<4x64x128xf32> to vector<4x2x128xf32>
    %slice3A_977 = vector.extract_strided_slice %select_n3A_972 {offsets = [0, 0, 0], sizes = [4, 62, 128], strides = [1, 1, 1]} : vector<4x64x128xf32> to vector<4x62x128xf32>
    %concatenate3A_978 = tpu.concatenate %slice3A_976, %slice3A_977 in 1 : vector<4x2x128xf32>, vector<4x62x128xf32> -> vector<4x64x128xf32>
    %and3A_979 = arith.constant 256 : i32
    %and3A_980 = vector.broadcast %and3A_979 : i32 to vector<1x64x128xi32>
    %and3A_981 = arith.andi %add3A, %and3A_980 : vector<1x64x128xi32>
    %eq3A_982 = arith.constant 0 : i32
    %eq3A_983 = vector.broadcast %eq3A_982 : i32 to vector<1x64x128xi32>
    %eq3A_984 = arith.cmpi eq, %and3A_981, %eq3A_983 : vector<1x64x128xi32>
    %and3A_985 = arith.constant 512 : i32
    %and3A_986 = vector.broadcast %and3A_985 : i32 to vector<1x64x128xi32>
    %and3A_987 = arith.andi %add3A, %and3A_986 : vector<1x64x128xi32>
    %eq3A_988 = arith.constant 0 : i32
    %eq3A_989 = vector.broadcast %eq3A_988 : i32 to vector<1x64x128xi32>
    %eq3A_990 = arith.cmpi eq, %and3A_987, %eq3A_989 : vector<1x64x128xi32>
    %broadcast_in_dim3A_991 = vector.shape_cast %eq3A_984 : vector<1x64x128xi1> to vector<1x64x128xi1>
    %broadcast_in_dim3A_992 = vector.broadcast %broadcast_in_dim3A_991 : vector<1x64x128xi1> to vector<4x64x128xi1>
    %select_n3A_993 = arith.select %broadcast_in_dim3A_992, %concatenate3A_975, %concatenate3A_978 : vector<4x64x128xi1>, vector<4x64x128xf32>
    %eq3A_994 = arith.xori %eq3A_990, %eq3A_984 : vector<1x64x128xi1>
    %eq3A_995 = arith.constant dense<true> : vector<1x64x128xi1>
    %eq3A_996 = arith.xori %eq3A_994, %eq3A_995 : vector<1x64x128xi1>
    %min3A_997 = arith.minimumf %select_n3A_972, %select_n3A_993 : vector<4x64x128xf32>
    %max3A_998 = arith.maximumf %select_n3A_972, %select_n3A_993 : vector<4x64x128xf32>
    %broadcast_in_dim3A_999 = vector.shape_cast %eq3A_996 : vector<1x64x128xi1> to vector<1x64x128xi1>
    %broadcast_in_dim3A_1000 = vector.broadcast %broadcast_in_dim3A_999 : vector<1x64x128xi1> to vector<4x64x128xi1>
    %select_n3A_1001 = arith.select %broadcast_in_dim3A_1000, %min3A_997, %max3A_998 : vector<4x64x128xi1>, vector<4x64x128xf32>
    %slice3A_1002 = vector.extract_strided_slice %select_n3A_1001 {offsets = [0, 1, 0], sizes = [4, 63, 128], strides = [1, 1, 1]} : vector<4x64x128xf32> to vector<4x63x128xf32>
    %slice3A_1003 = vector.extract_strided_slice %select_n3A_1001 {offsets = [0, 0, 0], sizes = [4, 1, 128], strides = [1, 1, 1]} : vector<4x64x128xf32> to vector<4x1x128xf32>
    %concatenate3A_1004 = tpu.concatenate %slice3A_1002, %slice3A_1003 in 1 : vector<4x63x128xf32>, vector<4x1x128xf32> -> vector<4x64x128xf32>
    %slice3A_1005 = vector.extract_strided_slice %select_n3A_1001 {offsets = [0, 63, 0], sizes = [4, 1, 128], strides = [1, 1, 1]} : vector<4x64x128xf32> to vector<4x1x128xf32>
    %slice3A_1006 = vector.extract_strided_slice %select_n3A_1001 {offsets = [0, 0, 0], sizes = [4, 63, 128], strides = [1, 1, 1]} : vector<4x64x128xf32> to vector<4x63x128xf32>
    %concatenate3A_1007 = tpu.concatenate %slice3A_1005, %slice3A_1006 in 1 : vector<4x1x128xf32>, vector<4x63x128xf32> -> vector<4x64x128xf32>
    %and3A_1008 = arith.constant 128 : i32
    %and3A_1009 = vector.broadcast %and3A_1008 : i32 to vector<1x64x128xi32>
    %and3A_1010 = arith.andi %add3A, %and3A_1009 : vector<1x64x128xi32>
    %eq3A_1011 = arith.constant 0 : i32
    %eq3A_1012 = vector.broadcast %eq3A_1011 : i32 to vector<1x64x128xi32>
    %eq3A_1013 = arith.cmpi eq, %and3A_1010, %eq3A_1012 : vector<1x64x128xi32>
    %and3A_1014 = arith.constant 512 : i32
    %and3A_1015 = vector.broadcast %and3A_1014 : i32 to vector<1x64x128xi32>
    %and3A_1016 = arith.andi %add3A, %and3A_1015 : vector<1x64x128xi32>
    %eq3A_1017 = arith.constant 0 : i32
    %eq3A_1018 = vector.broadcast %eq3A_1017 : i32 to vector<1x64x128xi32>
    %eq3A_1019 = arith.cmpi eq, %and3A_1016, %eq3A_1018 : vector<1x64x128xi32>
    %broadcast_in_dim3A_1020 = vector.shape_cast %eq3A_1013 : vector<1x64x128xi1> to vector<1x64x128xi1>
    %broadcast_in_dim3A_1021 = vector.broadcast %broadcast_in_dim3A_1020 : vector<1x64x128xi1> to vector<4x64x128xi1>
    %select_n3A_1022 = arith.select %broadcast_in_dim3A_1021, %concatenate3A_1004, %concatenate3A_1007 : vector<4x64x128xi1>, vector<4x64x128xf32>
    %eq3A_1023 = arith.xori %eq3A_1019, %eq3A_1013 : vector<1x64x128xi1>
    %eq3A_1024 = arith.constant dense<true> : vector<1x64x128xi1>
    %eq3A_1025 = arith.xori %eq3A_1023, %eq3A_1024 : vector<1x64x128xi1>
    %min3A_1026 = arith.minimumf %select_n3A_1001, %select_n3A_1022 : vector<4x64x128xf32>
    %max3A_1027 = arith.maximumf %select_n3A_1001, %select_n3A_1022 : vector<4x64x128xf32>
    %broadcast_in_dim3A_1028 = vector.shape_cast %eq3A_1025 : vector<1x64x128xi1> to vector<1x64x128xi1>
    %broadcast_in_dim3A_1029 = vector.broadcast %broadcast_in_dim3A_1028 : vector<1x64x128xi1> to vector<4x64x128xi1>
    %select_n3A_1030 = arith.select %broadcast_in_dim3A_1029, %min3A_1026, %max3A_1027 : vector<4x64x128xi1>, vector<4x64x128xf32>
    %roll3A_1031 = arith.constant 64 : i32
    %roll3A_1032 = tpu.dynamic_rotate %select_n3A_1030 by %roll3A_1031 dim 2 : vector<4x64x128xf32>, i32 -> vector<4x64x128xf32>
    %roll3A_1033 = arith.constant 64 : i32
    %roll3A_1034 = tpu.dynamic_rotate %select_n3A_1030 by %roll3A_1033 dim 2 : vector<4x64x128xf32>, i32 -> vector<4x64x128xf32>
    %and3A_1035 = arith.constant 64 : i32
    %and3A_1036 = vector.broadcast %and3A_1035 : i32 to vector<1x64x128xi32>
    %and3A_1037 = arith.andi %add3A, %and3A_1036 : vector<1x64x128xi32>
    %eq3A_1038 = arith.constant 0 : i32
    %eq3A_1039 = vector.broadcast %eq3A_1038 : i32 to vector<1x64x128xi32>
    %eq3A_1040 = arith.cmpi eq, %and3A_1037, %eq3A_1039 : vector<1x64x128xi32>
    %and3A_1041 = arith.constant 512 : i32
    %and3A_1042 = vector.broadcast %and3A_1041 : i32 to vector<1x64x128xi32>
    %and3A_1043 = arith.andi %add3A, %and3A_1042 : vector<1x64x128xi32>
    %eq3A_1044 = arith.constant 0 : i32
    %eq3A_1045 = vector.broadcast %eq3A_1044 : i32 to vector<1x64x128xi32>
    %eq3A_1046 = arith.cmpi eq, %and3A_1043, %eq3A_1045 : vector<1x64x128xi32>
    %broadcast_in_dim3A_1047 = vector.shape_cast %eq3A_1040 : vector<1x64x128xi1> to vector<1x64x128xi1>
    %broadcast_in_dim3A_1048 = vector.broadcast %broadcast_in_dim3A_1047 : vector<1x64x128xi1> to vector<4x64x128xi1>
    %select_n3A_1049 = arith.select %broadcast_in_dim3A_1048, %roll3A_1032, %roll3A_1034 : vector<4x64x128xi1>, vector<4x64x128xf32>
    %eq3A_1050 = arith.xori %eq3A_1046, %eq3A_1040 : vector<1x64x128xi1>
    %eq3A_1051 = arith.constant dense<true> : vector<1x64x128xi1>
    %eq3A_1052 = arith.xori %eq3A_1050, %eq3A_1051 : vector<1x64x128xi1>
    %min3A_1053 = arith.minimumf %select_n3A_1030, %select_n3A_1049 : vector<4x64x128xf32>
    %max3A_1054 = arith.maximumf %select_n3A_1030, %select_n3A_1049 : vector<4x64x128xf32>
    %broadcast_in_dim3A_1055 = vector.shape_cast %eq3A_1052 : vector<1x64x128xi1> to vector<1x64x128xi1>
    %broadcast_in_dim3A_1056 = vector.broadcast %broadcast_in_dim3A_1055 : vector<1x64x128xi1> to vector<4x64x128xi1>
    %select_n3A_1057 = arith.select %broadcast_in_dim3A_1056, %min3A_1053, %max3A_1054 : vector<4x64x128xi1>, vector<4x64x128xf32>
    %roll3A_1058 = arith.constant 96 : i32
    %roll3A_1059 = tpu.dynamic_rotate %select_n3A_1057 by %roll3A_1058 dim 2 : vector<4x64x128xf32>, i32 -> vector<4x64x128xf32>
    %roll3A_1060 = arith.constant 32 : i32
    %roll3A_1061 = tpu.dynamic_rotate %select_n3A_1057 by %roll3A_1060 dim 2 : vector<4x64x128xf32>, i32 -> vector<4x64x128xf32>
    %and3A_1062 = arith.constant 32 : i32
    %and3A_1063 = vector.broadcast %and3A_1062 : i32 to vector<1x64x128xi32>
    %and3A_1064 = arith.andi %add3A, %and3A_1063 : vector<1x64x128xi32>
    %eq3A_1065 = arith.constant 0 : i32
    %eq3A_1066 = vector.broadcast %eq3A_1065 : i32 to vector<1x64x128xi32>
    %eq3A_1067 = arith.cmpi eq, %and3A_1064, %eq3A_1066 : vector<1x64x128xi32>
    %and3A_1068 = arith.constant 512 : i32
    %and3A_1069 = vector.broadcast %and3A_1068 : i32 to vector<1x64x128xi32>
    %and3A_1070 = arith.andi %add3A, %and3A_1069 : vector<1x64x128xi32>
    %eq3A_1071 = arith.constant 0 : i32
    %eq3A_1072 = vector.broadcast %eq3A_1071 : i32 to vector<1x64x128xi32>
    %eq3A_1073 = arith.cmpi eq, %and3A_1070, %eq3A_1072 : vector<1x64x128xi32>
    %broadcast_in_dim3A_1074 = vector.shape_cast %eq3A_1067 : vector<1x64x128xi1> to vector<1x64x128xi1>
    %broadcast_in_dim3A_1075 = vector.broadcast %broadcast_in_dim3A_1074 : vector<1x64x128xi1> to vector<4x64x128xi1>
    %select_n3A_1076 = arith.select %broadcast_in_dim3A_1075, %roll3A_1059, %roll3A_1061 : vector<4x64x128xi1>, vector<4x64x128xf32>
    %eq3A_1077 = arith.xori %eq3A_1073, %eq3A_1067 : vector<1x64x128xi1>
    %eq3A_1078 = arith.constant dense<true> : vector<1x64x128xi1>
    %eq3A_1079 = arith.xori %eq3A_1077, %eq3A_1078 : vector<1x64x128xi1>
    %min3A_1080 = arith.minimumf %select_n3A_1057, %select_n3A_1076 : vector<4x64x128xf32>
    %max3A_1081 = arith.maximumf %select_n3A_1057, %select_n3A_1076 : vector<4x64x128xf32>
    %broadcast_in_dim3A_1082 = vector.shape_cast %eq3A_1079 : vector<1x64x128xi1> to vector<1x64x128xi1>
    %broadcast_in_dim3A_1083 = vector.broadcast %broadcast_in_dim3A_1082 : vector<1x64x128xi1> to vector<4x64x128xi1>
    %select_n3A_1084 = arith.select %broadcast_in_dim3A_1083, %min3A_1080, %max3A_1081 : vector<4x64x128xi1>, vector<4x64x128xf32>
    %roll3A_1085 = arith.constant 112 : i32
    %roll3A_1086 = tpu.dynamic_rotate %select_n3A_1084 by %roll3A_1085 dim 2 : vector<4x64x128xf32>, i32 -> vector<4x64x128xf32>
    %roll3A_1087 = arith.constant 16 : i32
    %roll3A_1088 = tpu.dynamic_rotate %select_n3A_1084 by %roll3A_1087 dim 2 : vector<4x64x128xf32>, i32 -> vector<4x64x128xf32>
    %and3A_1089 = arith.constant 16 : i32
    %and3A_1090 = vector.broadcast %and3A_1089 : i32 to vector<1x64x128xi32>
    %and3A_1091 = arith.andi %add3A, %and3A_1090 : vector<1x64x128xi32>
    %eq3A_1092 = arith.constant 0 : i32
    %eq3A_1093 = vector.broadcast %eq3A_1092 : i32 to vector<1x64x128xi32>
    %eq3A_1094 = arith.cmpi eq, %and3A_1091, %eq3A_1093 : vector<1x64x128xi32>
    %and3A_1095 = arith.constant 512 : i32
    %and3A_1096 = vector.broadcast %and3A_1095 : i32 to vector<1x64x128xi32>
    %and3A_1097 = arith.andi %add3A, %and3A_1096 : vector<1x64x128xi32>
    %eq3A_1098 = arith.constant 0 : i32
    %eq3A_1099 = vector.broadcast %eq3A_1098 : i32 to vector<1x64x128xi32>
    %eq3A_1100 = arith.cmpi eq, %and3A_1097, %eq3A_1099 : vector<1x64x128xi32>
    %broadcast_in_dim3A_1101 = vector.shape_cast %eq3A_1094 : vector<1x64x128xi1> to vector<1x64x128xi1>
    %broadcast_in_dim3A_1102 = vector.broadcast %broadcast_in_dim3A_1101 : vector<1x64x128xi1> to vector<4x64x128xi1>
    %select_n3A_1103 = arith.select %broadcast_in_dim3A_1102, %roll3A_1086, %roll3A_1088 : vector<4x64x128xi1>, vector<4x64x128xf32>
    %eq3A_1104 = arith.xori %eq3A_1100, %eq3A_1094 : vector<1x64x128xi1>
    %eq3A_1105 = arith.constant dense<true> : vector<1x64x128xi1>
    %eq3A_1106 = arith.xori %eq3A_1104, %eq3A_1105 : vector<1x64x128xi1>
    %min3A_1107 = arith.minimumf %select_n3A_1084, %select_n3A_1103 : vector<4x64x128xf32>
    %max3A_1108 = arith.maximumf %select_n3A_1084, %select_n3A_1103 : vector<4x64x128xf32>
    %broadcast_in_dim3A_1109 = vector.shape_cast %eq3A_1106 : vector<1x64x128xi1> to vector<1x64x128xi1>
    %broadcast_in_dim3A_1110 = vector.broadcast %broadcast_in_dim3A_1109 : vector<1x64x128xi1> to vector<4x64x128xi1>
    %select_n3A_1111 = arith.select %broadcast_in_dim3A_1110, %min3A_1107, %max3A_1108 : vector<4x64x128xi1>, vector<4x64x128xf32>
    %roll3A_1112 = arith.constant 120 : i32
    %roll3A_1113 = tpu.dynamic_rotate %select_n3A_1111 by %roll3A_1112 dim 2 : vector<4x64x128xf32>, i32 -> vector<4x64x128xf32>
    %roll3A_1114 = arith.constant 8 : i32
    %roll3A_1115 = tpu.dynamic_rotate %select_n3A_1111 by %roll3A_1114 dim 2 : vector<4x64x128xf32>, i32 -> vector<4x64x128xf32>
    %and3A_1116 = arith.constant 8 : i32
    %and3A_1117 = vector.broadcast %and3A_1116 : i32 to vector<1x64x128xi32>
    %and3A_1118 = arith.andi %add3A, %and3A_1117 : vector<1x64x128xi32>
    %eq3A_1119 = arith.constant 0 : i32
    %eq3A_1120 = vector.broadcast %eq3A_1119 : i32 to vector<1x64x128xi32>
    %eq3A_1121 = arith.cmpi eq, %and3A_1118, %eq3A_1120 : vector<1x64x128xi32>
    %and3A_1122 = arith.constant 512 : i32
    %and3A_1123 = vector.broadcast %and3A_1122 : i32 to vector<1x64x128xi32>
    %and3A_1124 = arith.andi %add3A, %and3A_1123 : vector<1x64x128xi32>
    %eq3A_1125 = arith.constant 0 : i32
    %eq3A_1126 = vector.broadcast %eq3A_1125 : i32 to vector<1x64x128xi32>
    %eq3A_1127 = arith.cmpi eq, %and3A_1124, %eq3A_1126 : vector<1x64x128xi32>
    %broadcast_in_dim3A_1128 = vector.shape_cast %eq3A_1121 : vector<1x64x128xi1> to vector<1x64x128xi1>
    %broadcast_in_dim3A_1129 = vector.broadcast %broadcast_in_dim3A_1128 : vector<1x64x128xi1> to vector<4x64x128xi1>
    %select_n3A_1130 = arith.select %broadcast_in_dim3A_1129, %roll3A_1113, %roll3A_1115 : vector<4x64x128xi1>, vector<4x64x128xf32>
    %eq3A_1131 = arith.xori %eq3A_1127, %eq3A_1121 : vector<1x64x128xi1>
    %eq3A_1132 = arith.constant dense<true> : vector<1x64x128xi1>
    %eq3A_1133 = arith.xori %eq3A_1131, %eq3A_1132 : vector<1x64x128xi1>
    %min3A_1134 = arith.minimumf %select_n3A_1111, %select_n3A_1130 : vector<4x64x128xf32>
    %max3A_1135 = arith.maximumf %select_n3A_1111, %select_n3A_1130 : vector<4x64x128xf32>
    %broadcast_in_dim3A_1136 = vector.shape_cast %eq3A_1133 : vector<1x64x128xi1> to vector<1x64x128xi1>
    %broadcast_in_dim3A_1137 = vector.broadcast %broadcast_in_dim3A_1136 : vector<1x64x128xi1> to vector<4x64x128xi1>
    %select_n3A_1138 = arith.select %broadcast_in_dim3A_1137, %min3A_1134, %max3A_1135 : vector<4x64x128xi1>, vector<4x64x128xf32>
    %roll3A_1139 = arith.constant 124 : i32
    %roll3A_1140 = tpu.dynamic_rotate %select_n3A_1138 by %roll3A_1139 dim 2 : vector<4x64x128xf32>, i32 -> vector<4x64x128xf32>
    %roll3A_1141 = arith.constant 4 : i32
    %roll3A_1142 = tpu.dynamic_rotate %select_n3A_1138 by %roll3A_1141 dim 2 : vector<4x64x128xf32>, i32 -> vector<4x64x128xf32>
    %and3A_1143 = arith.constant 4 : i32
    %and3A_1144 = vector.broadcast %and3A_1143 : i32 to vector<1x64x128xi32>
    %and3A_1145 = arith.andi %add3A, %and3A_1144 : vector<1x64x128xi32>
    %eq3A_1146 = arith.constant 0 : i32
    %eq3A_1147 = vector.broadcast %eq3A_1146 : i32 to vector<1x64x128xi32>
    %eq3A_1148 = arith.cmpi eq, %and3A_1145, %eq3A_1147 : vector<1x64x128xi32>
    %and3A_1149 = arith.constant 512 : i32
    %and3A_1150 = vector.broadcast %and3A_1149 : i32 to vector<1x64x128xi32>
    %and3A_1151 = arith.andi %add3A, %and3A_1150 : vector<1x64x128xi32>
    %eq3A_1152 = arith.constant 0 : i32
    %eq3A_1153 = vector.broadcast %eq3A_1152 : i32 to vector<1x64x128xi32>
    %eq3A_1154 = arith.cmpi eq, %and3A_1151, %eq3A_1153 : vector<1x64x128xi32>
    %broadcast_in_dim3A_1155 = vector.shape_cast %eq3A_1148 : vector<1x64x128xi1> to vector<1x64x128xi1>
    %broadcast_in_dim3A_1156 = vector.broadcast %broadcast_in_dim3A_1155 : vector<1x64x128xi1> to vector<4x64x128xi1>
    %select_n3A_1157 = arith.select %broadcast_in_dim3A_1156, %roll3A_1140, %roll3A_1142 : vector<4x64x128xi1>, vector<4x64x128xf32>
    %eq3A_1158 = arith.xori %eq3A_1154, %eq3A_1148 : vector<1x64x128xi1>
    %eq3A_1159 = arith.constant dense<true> : vector<1x64x128xi1>
    %eq3A_1160 = arith.xori %eq3A_1158, %eq3A_1159 : vector<1x64x128xi1>
    %min3A_1161 = arith.minimumf %select_n3A_1138, %select_n3A_1157 : vector<4x64x128xf32>
    %max3A_1162 = arith.maximumf %select_n3A_1138, %select_n3A_1157 : vector<4x64x128xf32>
    %broadcast_in_dim3A_1163 = vector.shape_cast %eq3A_1160 : vector<1x64x128xi1> to vector<1x64x128xi1>
    %broadcast_in_dim3A_1164 = vector.broadcast %broadcast_in_dim3A_1163 : vector<1x64x128xi1> to vector<4x64x128xi1>
    %select_n3A_1165 = arith.select %broadcast_in_dim3A_1164, %min3A_1161, %max3A_1162 : vector<4x64x128xi1>, vector<4x64x128xf32>
    %roll3A_1166 = arith.constant 126 : i32
    %roll3A_1167 = tpu.dynamic_rotate %select_n3A_1165 by %roll3A_1166 dim 2 : vector<4x64x128xf32>, i32 -> vector<4x64x128xf32>
    %roll3A_1168 = arith.constant 2 : i32
    %roll3A_1169 = tpu.dynamic_rotate %select_n3A_1165 by %roll3A_1168 dim 2 : vector<4x64x128xf32>, i32 -> vector<4x64x128xf32>
    %and3A_1170 = arith.constant 2 : i32
    %and3A_1171 = vector.broadcast %and3A_1170 : i32 to vector<1x64x128xi32>
    %and3A_1172 = arith.andi %add3A, %and3A_1171 : vector<1x64x128xi32>
    %eq3A_1173 = arith.constant 0 : i32
    %eq3A_1174 = vector.broadcast %eq3A_1173 : i32 to vector<1x64x128xi32>
    %eq3A_1175 = arith.cmpi eq, %and3A_1172, %eq3A_1174 : vector<1x64x128xi32>
    %and3A_1176 = arith.constant 512 : i32
    %and3A_1177 = vector.broadcast %and3A_1176 : i32 to vector<1x64x128xi32>
    %and3A_1178 = arith.andi %add3A, %and3A_1177 : vector<1x64x128xi32>
    %eq3A_1179 = arith.constant 0 : i32
    %eq3A_1180 = vector.broadcast %eq3A_1179 : i32 to vector<1x64x128xi32>
    %eq3A_1181 = arith.cmpi eq, %and3A_1178, %eq3A_1180 : vector<1x64x128xi32>
    %broadcast_in_dim3A_1182 = vector.shape_cast %eq3A_1175 : vector<1x64x128xi1> to vector<1x64x128xi1>
    %broadcast_in_dim3A_1183 = vector.broadcast %broadcast_in_dim3A_1182 : vector<1x64x128xi1> to vector<4x64x128xi1>
    %select_n3A_1184 = arith.select %broadcast_in_dim3A_1183, %roll3A_1167, %roll3A_1169 : vector<4x64x128xi1>, vector<4x64x128xf32>
    %eq3A_1185 = arith.xori %eq3A_1181, %eq3A_1175 : vector<1x64x128xi1>
    %eq3A_1186 = arith.constant dense<true> : vector<1x64x128xi1>
    %eq3A_1187 = arith.xori %eq3A_1185, %eq3A_1186 : vector<1x64x128xi1>
    %min3A_1188 = arith.minimumf %select_n3A_1165, %select_n3A_1184 : vector<4x64x128xf32>
    %max3A_1189 = arith.maximumf %select_n3A_1165, %select_n3A_1184 : vector<4x64x128xf32>
    %broadcast_in_dim3A_1190 = vector.shape_cast %eq3A_1187 : vector<1x64x128xi1> to vector<1x64x128xi1>
    %broadcast_in_dim3A_1191 = vector.broadcast %broadcast_in_dim3A_1190 : vector<1x64x128xi1> to vector<4x64x128xi1>
    %select_n3A_1192 = arith.select %broadcast_in_dim3A_1191, %min3A_1188, %max3A_1189 : vector<4x64x128xi1>, vector<4x64x128xf32>
    %roll3A_1193 = arith.constant 127 : i32
    %roll3A_1194 = tpu.dynamic_rotate %select_n3A_1192 by %roll3A_1193 dim 2 : vector<4x64x128xf32>, i32 -> vector<4x64x128xf32>
    %roll3A_1195 = arith.constant 1 : i32
    %roll3A_1196 = tpu.dynamic_rotate %select_n3A_1192 by %roll3A_1195 dim 2 : vector<4x64x128xf32>, i32 -> vector<4x64x128xf32>
    %and3A_1197 = arith.constant 1 : i32
    %and3A_1198 = vector.broadcast %and3A_1197 : i32 to vector<1x64x128xi32>
    %and3A_1199 = arith.andi %add3A, %and3A_1198 : vector<1x64x128xi32>
    %eq3A_1200 = arith.constant 0 : i32
    %eq3A_1201 = vector.broadcast %eq3A_1200 : i32 to vector<1x64x128xi32>
    %eq3A_1202 = arith.cmpi eq, %and3A_1199, %eq3A_1201 : vector<1x64x128xi32>
    %and3A_1203 = arith.constant 512 : i32
    %and3A_1204 = vector.broadcast %and3A_1203 : i32 to vector<1x64x128xi32>
    %and3A_1205 = arith.andi %add3A, %and3A_1204 : vector<1x64x128xi32>
    %eq3A_1206 = arith.constant 0 : i32
    %eq3A_1207 = vector.broadcast %eq3A_1206 : i32 to vector<1x64x128xi32>
    %eq3A_1208 = arith.cmpi eq, %and3A_1205, %eq3A_1207 : vector<1x64x128xi32>
    %broadcast_in_dim3A_1209 = vector.shape_cast %eq3A_1202 : vector<1x64x128xi1> to vector<1x64x128xi1>
    %broadcast_in_dim3A_1210 = vector.broadcast %broadcast_in_dim3A_1209 : vector<1x64x128xi1> to vector<4x64x128xi1>
    %select_n3A_1211 = arith.select %broadcast_in_dim3A_1210, %roll3A_1194, %roll3A_1196 : vector<4x64x128xi1>, vector<4x64x128xf32>
    %eq3A_1212 = arith.xori %eq3A_1208, %eq3A_1202 : vector<1x64x128xi1>
    %eq3A_1213 = arith.constant dense<true> : vector<1x64x128xi1>
    %eq3A_1214 = arith.xori %eq3A_1212, %eq3A_1213 : vector<1x64x128xi1>
    %min3A_1215 = arith.minimumf %select_n3A_1192, %select_n3A_1211 : vector<4x64x128xf32>
    %max3A_1216 = arith.maximumf %select_n3A_1192, %select_n3A_1211 : vector<4x64x128xf32>
    %broadcast_in_dim3A_1217 = vector.shape_cast %eq3A_1214 : vector<1x64x128xi1> to vector<1x64x128xi1>
    %broadcast_in_dim3A_1218 = vector.broadcast %broadcast_in_dim3A_1217 : vector<1x64x128xi1> to vector<4x64x128xi1>
    %select_n3A_1219 = arith.select %broadcast_in_dim3A_1218, %min3A_1215, %max3A_1216 : vector<4x64x128xi1>, vector<4x64x128xf32>
    %slice3A_1220 = vector.extract_strided_slice %select_n3A_1219 {offsets = [0, 4, 0], sizes = [4, 60, 128], strides = [1, 1, 1]} : vector<4x64x128xf32> to vector<4x60x128xf32>
    %slice3A_1221 = vector.extract_strided_slice %select_n3A_1219 {offsets = [0, 0, 0], sizes = [4, 4, 128], strides = [1, 1, 1]} : vector<4x64x128xf32> to vector<4x4x128xf32>
    %concatenate3A_1222 = tpu.concatenate %slice3A_1220, %slice3A_1221 in 1 : vector<4x60x128xf32>, vector<4x4x128xf32> -> vector<4x64x128xf32>
    %slice3A_1223 = vector.extract_strided_slice %select_n3A_1219 {offsets = [0, 60, 0], sizes = [4, 4, 128], strides = [1, 1, 1]} : vector<4x64x128xf32> to vector<4x4x128xf32>
    %slice3A_1224 = vector.extract_strided_slice %select_n3A_1219 {offsets = [0, 0, 0], sizes = [4, 60, 128], strides = [1, 1, 1]} : vector<4x64x128xf32> to vector<4x60x128xf32>
    %concatenate3A_1225 = tpu.concatenate %slice3A_1223, %slice3A_1224 in 1 : vector<4x4x128xf32>, vector<4x60x128xf32> -> vector<4x64x128xf32>
    %and3A_1226 = arith.constant 512 : i32
    %and3A_1227 = vector.broadcast %and3A_1226 : i32 to vector<1x64x128xi32>
    %and3A_1228 = arith.andi %add3A, %and3A_1227 : vector<1x64x128xi32>
    %eq3A_1229 = arith.constant 0 : i32
    %eq3A_1230 = vector.broadcast %eq3A_1229 : i32 to vector<1x64x128xi32>
    %eq3A_1231 = arith.cmpi eq, %and3A_1228, %eq3A_1230 : vector<1x64x128xi32>
    %and3A_1232 = arith.constant 1024 : i32
    %and3A_1233 = vector.broadcast %and3A_1232 : i32 to vector<1x64x128xi32>
    %and3A_1234 = arith.andi %add3A, %and3A_1233 : vector<1x64x128xi32>
    %eq3A_1235 = arith.constant 0 : i32
    %eq3A_1236 = vector.broadcast %eq3A_1235 : i32 to vector<1x64x128xi32>
    %eq3A_1237 = arith.cmpi eq, %and3A_1234, %eq3A_1236 : vector<1x64x128xi32>
    %broadcast_in_dim3A_1238 = vector.shape_cast %eq3A_1231 : vector<1x64x128xi1> to vector<1x64x128xi1>
    %broadcast_in_dim3A_1239 = vector.broadcast %broadcast_in_dim3A_1238 : vector<1x64x128xi1> to vector<4x64x128xi1>
    %select_n3A_1240 = arith.select %broadcast_in_dim3A_1239, %concatenate3A_1222, %concatenate3A_1225 : vector<4x64x128xi1>, vector<4x64x128xf32>
    %eq3A_1241 = arith.xori %eq3A_1237, %eq3A_1231 : vector<1x64x128xi1>
    %eq3A_1242 = arith.constant dense<true> : vector<1x64x128xi1>
    %eq3A_1243 = arith.xori %eq3A_1241, %eq3A_1242 : vector<1x64x128xi1>
    %min3A_1244 = arith.minimumf %select_n3A_1219, %select_n3A_1240 : vector<4x64x128xf32>
    %max3A_1245 = arith.maximumf %select_n3A_1219, %select_n3A_1240 : vector<4x64x128xf32>
    %broadcast_in_dim3A_1246 = vector.shape_cast %eq3A_1243 : vector<1x64x128xi1> to vector<1x64x128xi1>
    %broadcast_in_dim3A_1247 = vector.broadcast %broadcast_in_dim3A_1246 : vector<1x64x128xi1> to vector<4x64x128xi1>
    %select_n3A_1248 = arith.select %broadcast_in_dim3A_1247, %min3A_1244, %max3A_1245 : vector<4x64x128xi1>, vector<4x64x128xf32>
    %slice3A_1249 = vector.extract_strided_slice %select_n3A_1248 {offsets = [0, 2, 0], sizes = [4, 62, 128], strides = [1, 1, 1]} : vector<4x64x128xf32> to vector<4x62x128xf32>
    %slice3A_1250 = vector.extract_strided_slice %select_n3A_1248 {offsets = [0, 0, 0], sizes = [4, 2, 128], strides = [1, 1, 1]} : vector<4x64x128xf32> to vector<4x2x128xf32>
    %concatenate3A_1251 = tpu.concatenate %slice3A_1249, %slice3A_1250 in 1 : vector<4x62x128xf32>, vector<4x2x128xf32> -> vector<4x64x128xf32>
    %slice3A_1252 = vector.extract_strided_slice %select_n3A_1248 {offsets = [0, 62, 0], sizes = [4, 2, 128], strides = [1, 1, 1]} : vector<4x64x128xf32> to vector<4x2x128xf32>
    %slice3A_1253 = vector.extract_strided_slice %select_n3A_1248 {offsets = [0, 0, 0], sizes = [4, 62, 128], strides = [1, 1, 1]} : vector<4x64x128xf32> to vector<4x62x128xf32>
    %concatenate3A_1254 = tpu.concatenate %slice3A_1252, %slice3A_1253 in 1 : vector<4x2x128xf32>, vector<4x62x128xf32> -> vector<4x64x128xf32>
    %and3A_1255 = arith.constant 256 : i32
    %and3A_1256 = vector.broadcast %and3A_1255 : i32 to vector<1x64x128xi32>
    %and3A_1257 = arith.andi %add3A, %and3A_1256 : vector<1x64x128xi32>
    %eq3A_1258 = arith.constant 0 : i32
    %eq3A_1259 = vector.broadcast %eq3A_1258 : i32 to vector<1x64x128xi32>
    %eq3A_1260 = arith.cmpi eq, %and3A_1257, %eq3A_1259 : vector<1x64x128xi32>
    %and3A_1261 = arith.constant 1024 : i32
    %and3A_1262 = vector.broadcast %and3A_1261 : i32 to vector<1x64x128xi32>
    %and3A_1263 = arith.andi %add3A, %and3A_1262 : vector<1x64x128xi32>
    %eq3A_1264 = arith.constant 0 : i32
    %eq3A_1265 = vector.broadcast %eq3A_1264 : i32 to vector<1x64x128xi32>
    %eq3A_1266 = arith.cmpi eq, %and3A_1263, %eq3A_1265 : vector<1x64x128xi32>
    %broadcast_in_dim3A_1267 = vector.shape_cast %eq3A_1260 : vector<1x64x128xi1> to vector<1x64x128xi1>
    %broadcast_in_dim3A_1268 = vector.broadcast %broadcast_in_dim3A_1267 : vector<1x64x128xi1> to vector<4x64x128xi1>
    %select_n3A_1269 = arith.select %broadcast_in_dim3A_1268, %concatenate3A_1251, %concatenate3A_1254 : vector<4x64x128xi1>, vector<4x64x128xf32>
    %eq3A_1270 = arith.xori %eq3A_1266, %eq3A_1260 : vector<1x64x128xi1>
    %eq3A_1271 = arith.constant dense<true> : vector<1x64x128xi1>
    %eq3A_1272 = arith.xori %eq3A_1270, %eq3A_1271 : vector<1x64x128xi1>
    %min3A_1273 = arith.minimumf %select_n3A_1248, %select_n3A_1269 : vector<4x64x128xf32>
    %max3A_1274 = arith.maximumf %select_n3A_1248, %select_n3A_1269 : vector<4x64x128xf32>
    %broadcast_in_dim3A_1275 = vector.shape_cast %eq3A_1272 : vector<1x64x128xi1> to vector<1x64x128xi1>
    %broadcast_in_dim3A_1276 = vector.broadcast %broadcast_in_dim3A_1275 : vector<1x64x128xi1> to vector<4x64x128xi1>
    %select_n3A_1277 = arith.select %broadcast_in_dim3A_1276, %min3A_1273, %max3A_1274 : vector<4x64x128xi1>, vector<4x64x128xf32>
    %slice3A_1278 = vector.extract_strided_slice %select_n3A_1277 {offsets = [0, 1, 0], sizes = [4, 63, 128], strides = [1, 1, 1]} : vector<4x64x128xf32> to vector<4x63x128xf32>
    %slice3A_1279 = vector.extract_strided_slice %select_n3A_1277 {offsets = [0, 0, 0], sizes = [4, 1, 128], strides = [1, 1, 1]} : vector<4x64x128xf32> to vector<4x1x128xf32>
    %concatenate3A_1280 = tpu.concatenate %slice3A_1278, %slice3A_1279 in 1 : vector<4x63x128xf32>, vector<4x1x128xf32> -> vector<4x64x128xf32>
    %slice3A_1281 = vector.extract_strided_slice %select_n3A_1277 {offsets = [0, 63, 0], sizes = [4, 1, 128], strides = [1, 1, 1]} : vector<4x64x128xf32> to vector<4x1x128xf32>
    %slice3A_1282 = vector.extract_strided_slice %select_n3A_1277 {offsets = [0, 0, 0], sizes = [4, 63, 128], strides = [1, 1, 1]} : vector<4x64x128xf32> to vector<4x63x128xf32>
    %concatenate3A_1283 = tpu.concatenate %slice3A_1281, %slice3A_1282 in 1 : vector<4x1x128xf32>, vector<4x63x128xf32> -> vector<4x64x128xf32>
    %and3A_1284 = arith.constant 128 : i32
    %and3A_1285 = vector.broadcast %and3A_1284 : i32 to vector<1x64x128xi32>
    %and3A_1286 = arith.andi %add3A, %and3A_1285 : vector<1x64x128xi32>
    %eq3A_1287 = arith.constant 0 : i32
    %eq3A_1288 = vector.broadcast %eq3A_1287 : i32 to vector<1x64x128xi32>
    %eq3A_1289 = arith.cmpi eq, %and3A_1286, %eq3A_1288 : vector<1x64x128xi32>
    %and3A_1290 = arith.constant 1024 : i32
    %and3A_1291 = vector.broadcast %and3A_1290 : i32 to vector<1x64x128xi32>
    %and3A_1292 = arith.andi %add3A, %and3A_1291 : vector<1x64x128xi32>
    %eq3A_1293 = arith.constant 0 : i32
    %eq3A_1294 = vector.broadcast %eq3A_1293 : i32 to vector<1x64x128xi32>
    %eq3A_1295 = arith.cmpi eq, %and3A_1292, %eq3A_1294 : vector<1x64x128xi32>
    %broadcast_in_dim3A_1296 = vector.shape_cast %eq3A_1289 : vector<1x64x128xi1> to vector<1x64x128xi1>
    %broadcast_in_dim3A_1297 = vector.broadcast %broadcast_in_dim3A_1296 : vector<1x64x128xi1> to vector<4x64x128xi1>
    %select_n3A_1298 = arith.select %broadcast_in_dim3A_1297, %concatenate3A_1280, %concatenate3A_1283 : vector<4x64x128xi1>, vector<4x64x128xf32>
    %eq3A_1299 = arith.xori %eq3A_1295, %eq3A_1289 : vector<1x64x128xi1>
    %eq3A_1300 = arith.constant dense<true> : vector<1x64x128xi1>
    %eq3A_1301 = arith.xori %eq3A_1299, %eq3A_1300 : vector<1x64x128xi1>
    %min3A_1302 = arith.minimumf %select_n3A_1277, %select_n3A_1298 : vector<4x64x128xf32>
    %max3A_1303 = arith.maximumf %select_n3A_1277, %select_n3A_1298 : vector<4x64x128xf32>
    %broadcast_in_dim3A_1304 = vector.shape_cast %eq3A_1301 : vector<1x64x128xi1> to vector<1x64x128xi1>
    %broadcast_in_dim3A_1305 = vector.broadcast %broadcast_in_dim3A_1304 : vector<1x64x128xi1> to vector<4x64x128xi1>
    %select_n3A_1306 = arith.select %broadcast_in_dim3A_1305, %min3A_1302, %max3A_1303 : vector<4x64x128xi1>, vector<4x64x128xf32>
    %roll3A_1307 = arith.constant 64 : i32
    %roll3A_1308 = tpu.dynamic_rotate %select_n3A_1306 by %roll3A_1307 dim 2 : vector<4x64x128xf32>, i32 -> vector<4x64x128xf32>
    %roll3A_1309 = arith.constant 64 : i32
    %roll3A_1310 = tpu.dynamic_rotate %select_n3A_1306 by %roll3A_1309 dim 2 : vector<4x64x128xf32>, i32 -> vector<4x64x128xf32>
    %and3A_1311 = arith.constant 64 : i32
    %and3A_1312 = vector.broadcast %and3A_1311 : i32 to vector<1x64x128xi32>
    %and3A_1313 = arith.andi %add3A, %and3A_1312 : vector<1x64x128xi32>
    %eq3A_1314 = arith.constant 0 : i32
    %eq3A_1315 = vector.broadcast %eq3A_1314 : i32 to vector<1x64x128xi32>
    %eq3A_1316 = arith.cmpi eq, %and3A_1313, %eq3A_1315 : vector<1x64x128xi32>
    %and3A_1317 = arith.constant 1024 : i32
    %and3A_1318 = vector.broadcast %and3A_1317 : i32 to vector<1x64x128xi32>
    %and3A_1319 = arith.andi %add3A, %and3A_1318 : vector<1x64x128xi32>
    %eq3A_1320 = arith.constant 0 : i32
    %eq3A_1321 = vector.broadcast %eq3A_1320 : i32 to vector<1x64x128xi32>
    %eq3A_1322 = arith.cmpi eq, %and3A_1319, %eq3A_1321 : vector<1x64x128xi32>
    %broadcast_in_dim3A_1323 = vector.shape_cast %eq3A_1316 : vector<1x64x128xi1> to vector<1x64x128xi1>
    %broadcast_in_dim3A_1324 = vector.broadcast %broadcast_in_dim3A_1323 : vector<1x64x128xi1> to vector<4x64x128xi1>
    %select_n3A_1325 = arith.select %broadcast_in_dim3A_1324, %roll3A_1308, %roll3A_1310 : vector<4x64x128xi1>, vector<4x64x128xf32>
    %eq3A_1326 = arith.xori %eq3A_1322, %eq3A_1316 : vector<1x64x128xi1>
    %eq3A_1327 = arith.constant dense<true> : vector<1x64x128xi1>
    %eq3A_1328 = arith.xori %eq3A_1326, %eq3A_1327 : vector<1x64x128xi1>
    %min3A_1329 = arith.minimumf %select_n3A_1306, %select_n3A_1325 : vector<4x64x128xf32>
    %max3A_1330 = arith.maximumf %select_n3A_1306, %select_n3A_1325 : vector<4x64x128xf32>
    %broadcast_in_dim3A_1331 = vector.shape_cast %eq3A_1328 : vector<1x64x128xi1> to vector<1x64x128xi1>
    %broadcast_in_dim3A_1332 = vector.broadcast %broadcast_in_dim3A_1331 : vector<1x64x128xi1> to vector<4x64x128xi1>
    %select_n3A_1333 = arith.select %broadcast_in_dim3A_1332, %min3A_1329, %max3A_1330 : vector<4x64x128xi1>, vector<4x64x128xf32>
    %roll3A_1334 = arith.constant 96 : i32
    %roll3A_1335 = tpu.dynamic_rotate %select_n3A_1333 by %roll3A_1334 dim 2 : vector<4x64x128xf32>, i32 -> vector<4x64x128xf32>
    %roll3A_1336 = arith.constant 32 : i32
    %roll3A_1337 = tpu.dynamic_rotate %select_n3A_1333 by %roll3A_1336 dim 2 : vector<4x64x128xf32>, i32 -> vector<4x64x128xf32>
    %and3A_1338 = arith.constant 32 : i32
    %and3A_1339 = vector.broadcast %and3A_1338 : i32 to vector<1x64x128xi32>
    %and3A_1340 = arith.andi %add3A, %and3A_1339 : vector<1x64x128xi32>
    %eq3A_1341 = arith.constant 0 : i32
    %eq3A_1342 = vector.broadcast %eq3A_1341 : i32 to vector<1x64x128xi32>
    %eq3A_1343 = arith.cmpi eq, %and3A_1340, %eq3A_1342 : vector<1x64x128xi32>
    %and3A_1344 = arith.constant 1024 : i32
    %and3A_1345 = vector.broadcast %and3A_1344 : i32 to vector<1x64x128xi32>
    %and3A_1346 = arith.andi %add3A, %and3A_1345 : vector<1x64x128xi32>
    %eq3A_1347 = arith.constant 0 : i32
    %eq3A_1348 = vector.broadcast %eq3A_1347 : i32 to vector<1x64x128xi32>
    %eq3A_1349 = arith.cmpi eq, %and3A_1346, %eq3A_1348 : vector<1x64x128xi32>
    %broadcast_in_dim3A_1350 = vector.shape_cast %eq3A_1343 : vector<1x64x128xi1> to vector<1x64x128xi1>
    %broadcast_in_dim3A_1351 = vector.broadcast %broadcast_in_dim3A_1350 : vector<1x64x128xi1> to vector<4x64x128xi1>
    %select_n3A_1352 = arith.select %broadcast_in_dim3A_1351, %roll3A_1335, %roll3A_1337 : vector<4x64x128xi1>, vector<4x64x128xf32>
    %eq3A_1353 = arith.xori %eq3A_1349, %eq3A_1343 : vector<1x64x128xi1>
    %eq3A_1354 = arith.constant dense<true> : vector<1x64x128xi1>
    %eq3A_1355 = arith.xori %eq3A_1353, %eq3A_1354 : vector<1x64x128xi1>
    %min3A_1356 = arith.minimumf %select_n3A_1333, %select_n3A_1352 : vector<4x64x128xf32>
    %max3A_1357 = arith.maximumf %select_n3A_1333, %select_n3A_1352 : vector<4x64x128xf32>
    %broadcast_in_dim3A_1358 = vector.shape_cast %eq3A_1355 : vector<1x64x128xi1> to vector<1x64x128xi1>
    %broadcast_in_dim3A_1359 = vector.broadcast %broadcast_in_dim3A_1358 : vector<1x64x128xi1> to vector<4x64x128xi1>
    %select_n3A_1360 = arith.select %broadcast_in_dim3A_1359, %min3A_1356, %max3A_1357 : vector<4x64x128xi1>, vector<4x64x128xf32>
    %roll3A_1361 = arith.constant 112 : i32
    %roll3A_1362 = tpu.dynamic_rotate %select_n3A_1360 by %roll3A_1361 dim 2 : vector<4x64x128xf32>, i32 -> vector<4x64x128xf32>
    %roll3A_1363 = arith.constant 16 : i32
    %roll3A_1364 = tpu.dynamic_rotate %select_n3A_1360 by %roll3A_1363 dim 2 : vector<4x64x128xf32>, i32 -> vector<4x64x128xf32>
    %and3A_1365 = arith.constant 16 : i32
    %and3A_1366 = vector.broadcast %and3A_1365 : i32 to vector<1x64x128xi32>
    %and3A_1367 = arith.andi %add3A, %and3A_1366 : vector<1x64x128xi32>
    %eq3A_1368 = arith.constant 0 : i32
    %eq3A_1369 = vector.broadcast %eq3A_1368 : i32 to vector<1x64x128xi32>
    %eq3A_1370 = arith.cmpi eq, %and3A_1367, %eq3A_1369 : vector<1x64x128xi32>
    %and3A_1371 = arith.constant 1024 : i32
    %and3A_1372 = vector.broadcast %and3A_1371 : i32 to vector<1x64x128xi32>
    %and3A_1373 = arith.andi %add3A, %and3A_1372 : vector<1x64x128xi32>
    %eq3A_1374 = arith.constant 0 : i32
    %eq3A_1375 = vector.broadcast %eq3A_1374 : i32 to vector<1x64x128xi32>
    %eq3A_1376 = arith.cmpi eq, %and3A_1373, %eq3A_1375 : vector<1x64x128xi32>
    %broadcast_in_dim3A_1377 = vector.shape_cast %eq3A_1370 : vector<1x64x128xi1> to vector<1x64x128xi1>
    %broadcast_in_dim3A_1378 = vector.broadcast %broadcast_in_dim3A_1377 : vector<1x64x128xi1> to vector<4x64x128xi1>
    %select_n3A_1379 = arith.select %broadcast_in_dim3A_1378, %roll3A_1362, %roll3A_1364 : vector<4x64x128xi1>, vector<4x64x128xf32>
    %eq3A_1380 = arith.xori %eq3A_1376, %eq3A_1370 : vector<1x64x128xi1>
    %eq3A_1381 = arith.constant dense<true> : vector<1x64x128xi1>
    %eq3A_1382 = arith.xori %eq3A_1380, %eq3A_1381 : vector<1x64x128xi1>
    %min3A_1383 = arith.minimumf %select_n3A_1360, %select_n3A_1379 : vector<4x64x128xf32>
    %max3A_1384 = arith.maximumf %select_n3A_1360, %select_n3A_1379 : vector<4x64x128xf32>
    %broadcast_in_dim3A_1385 = vector.shape_cast %eq3A_1382 : vector<1x64x128xi1> to vector<1x64x128xi1>
    %broadcast_in_dim3A_1386 = vector.broadcast %broadcast_in_dim3A_1385 : vector<1x64x128xi1> to vector<4x64x128xi1>
    %select_n3A_1387 = arith.select %broadcast_in_dim3A_1386, %min3A_1383, %max3A_1384 : vector<4x64x128xi1>, vector<4x64x128xf32>
    %roll3A_1388 = arith.constant 120 : i32
    %roll3A_1389 = tpu.dynamic_rotate %select_n3A_1387 by %roll3A_1388 dim 2 : vector<4x64x128xf32>, i32 -> vector<4x64x128xf32>
    %roll3A_1390 = arith.constant 8 : i32
    %roll3A_1391 = tpu.dynamic_rotate %select_n3A_1387 by %roll3A_1390 dim 2 : vector<4x64x128xf32>, i32 -> vector<4x64x128xf32>
    %and3A_1392 = arith.constant 8 : i32
    %and3A_1393 = vector.broadcast %and3A_1392 : i32 to vector<1x64x128xi32>
    %and3A_1394 = arith.andi %add3A, %and3A_1393 : vector<1x64x128xi32>
    %eq3A_1395 = arith.constant 0 : i32
    %eq3A_1396 = vector.broadcast %eq3A_1395 : i32 to vector<1x64x128xi32>
    %eq3A_1397 = arith.cmpi eq, %and3A_1394, %eq3A_1396 : vector<1x64x128xi32>
    %and3A_1398 = arith.constant 1024 : i32
    %and3A_1399 = vector.broadcast %and3A_1398 : i32 to vector<1x64x128xi32>
    %and3A_1400 = arith.andi %add3A, %and3A_1399 : vector<1x64x128xi32>
    %eq3A_1401 = arith.constant 0 : i32
    %eq3A_1402 = vector.broadcast %eq3A_1401 : i32 to vector<1x64x128xi32>
    %eq3A_1403 = arith.cmpi eq, %and3A_1400, %eq3A_1402 : vector<1x64x128xi32>
    %broadcast_in_dim3A_1404 = vector.shape_cast %eq3A_1397 : vector<1x64x128xi1> to vector<1x64x128xi1>
    %broadcast_in_dim3A_1405 = vector.broadcast %broadcast_in_dim3A_1404 : vector<1x64x128xi1> to vector<4x64x128xi1>
    %select_n3A_1406 = arith.select %broadcast_in_dim3A_1405, %roll3A_1389, %roll3A_1391 : vector<4x64x128xi1>, vector<4x64x128xf32>
    %eq3A_1407 = arith.xori %eq3A_1403, %eq3A_1397 : vector<1x64x128xi1>
    %eq3A_1408 = arith.constant dense<true> : vector<1x64x128xi1>
    %eq3A_1409 = arith.xori %eq3A_1407, %eq3A_1408 : vector<1x64x128xi1>
    %min3A_1410 = arith.minimumf %select_n3A_1387, %select_n3A_1406 : vector<4x64x128xf32>
    %max3A_1411 = arith.maximumf %select_n3A_1387, %select_n3A_1406 : vector<4x64x128xf32>
    %broadcast_in_dim3A_1412 = vector.shape_cast %eq3A_1409 : vector<1x64x128xi1> to vector<1x64x128xi1>
    %broadcast_in_dim3A_1413 = vector.broadcast %broadcast_in_dim3A_1412 : vector<1x64x128xi1> to vector<4x64x128xi1>
    %select_n3A_1414 = arith.select %broadcast_in_dim3A_1413, %min3A_1410, %max3A_1411 : vector<4x64x128xi1>, vector<4x64x128xf32>
    %roll3A_1415 = arith.constant 124 : i32
    %roll3A_1416 = tpu.dynamic_rotate %select_n3A_1414 by %roll3A_1415 dim 2 : vector<4x64x128xf32>, i32 -> vector<4x64x128xf32>
    %roll3A_1417 = arith.constant 4 : i32
    %roll3A_1418 = tpu.dynamic_rotate %select_n3A_1414 by %roll3A_1417 dim 2 : vector<4x64x128xf32>, i32 -> vector<4x64x128xf32>
    %and3A_1419 = arith.constant 4 : i32
    %and3A_1420 = vector.broadcast %and3A_1419 : i32 to vector<1x64x128xi32>
    %and3A_1421 = arith.andi %add3A, %and3A_1420 : vector<1x64x128xi32>
    %eq3A_1422 = arith.constant 0 : i32
    %eq3A_1423 = vector.broadcast %eq3A_1422 : i32 to vector<1x64x128xi32>
    %eq3A_1424 = arith.cmpi eq, %and3A_1421, %eq3A_1423 : vector<1x64x128xi32>
    %and3A_1425 = arith.constant 1024 : i32
    %and3A_1426 = vector.broadcast %and3A_1425 : i32 to vector<1x64x128xi32>
    %and3A_1427 = arith.andi %add3A, %and3A_1426 : vector<1x64x128xi32>
    %eq3A_1428 = arith.constant 0 : i32
    %eq3A_1429 = vector.broadcast %eq3A_1428 : i32 to vector<1x64x128xi32>
    %eq3A_1430 = arith.cmpi eq, %and3A_1427, %eq3A_1429 : vector<1x64x128xi32>
    %broadcast_in_dim3A_1431 = vector.shape_cast %eq3A_1424 : vector<1x64x128xi1> to vector<1x64x128xi1>
    %broadcast_in_dim3A_1432 = vector.broadcast %broadcast_in_dim3A_1431 : vector<1x64x128xi1> to vector<4x64x128xi1>
    %select_n3A_1433 = arith.select %broadcast_in_dim3A_1432, %roll3A_1416, %roll3A_1418 : vector<4x64x128xi1>, vector<4x64x128xf32>
    %eq3A_1434 = arith.xori %eq3A_1430, %eq3A_1424 : vector<1x64x128xi1>
    %eq3A_1435 = arith.constant dense<true> : vector<1x64x128xi1>
    %eq3A_1436 = arith.xori %eq3A_1434, %eq3A_1435 : vector<1x64x128xi1>
    %min3A_1437 = arith.minimumf %select_n3A_1414, %select_n3A_1433 : vector<4x64x128xf32>
    %max3A_1438 = arith.maximumf %select_n3A_1414, %select_n3A_1433 : vector<4x64x128xf32>
    %broadcast_in_dim3A_1439 = vector.shape_cast %eq3A_1436 : vector<1x64x128xi1> to vector<1x64x128xi1>
    %broadcast_in_dim3A_1440 = vector.broadcast %broadcast_in_dim3A_1439 : vector<1x64x128xi1> to vector<4x64x128xi1>
    %select_n3A_1441 = arith.select %broadcast_in_dim3A_1440, %min3A_1437, %max3A_1438 : vector<4x64x128xi1>, vector<4x64x128xf32>
    %roll3A_1442 = arith.constant 126 : i32
    %roll3A_1443 = tpu.dynamic_rotate %select_n3A_1441 by %roll3A_1442 dim 2 : vector<4x64x128xf32>, i32 -> vector<4x64x128xf32>
    %roll3A_1444 = arith.constant 2 : i32
    %roll3A_1445 = tpu.dynamic_rotate %select_n3A_1441 by %roll3A_1444 dim 2 : vector<4x64x128xf32>, i32 -> vector<4x64x128xf32>
    %and3A_1446 = arith.constant 2 : i32
    %and3A_1447 = vector.broadcast %and3A_1446 : i32 to vector<1x64x128xi32>
    %and3A_1448 = arith.andi %add3A, %and3A_1447 : vector<1x64x128xi32>
    %eq3A_1449 = arith.constant 0 : i32
    %eq3A_1450 = vector.broadcast %eq3A_1449 : i32 to vector<1x64x128xi32>
    %eq3A_1451 = arith.cmpi eq, %and3A_1448, %eq3A_1450 : vector<1x64x128xi32>
    %and3A_1452 = arith.constant 1024 : i32
    %and3A_1453 = vector.broadcast %and3A_1452 : i32 to vector<1x64x128xi32>
    %and3A_1454 = arith.andi %add3A, %and3A_1453 : vector<1x64x128xi32>
    %eq3A_1455 = arith.constant 0 : i32
    %eq3A_1456 = vector.broadcast %eq3A_1455 : i32 to vector<1x64x128xi32>
    %eq3A_1457 = arith.cmpi eq, %and3A_1454, %eq3A_1456 : vector<1x64x128xi32>
    %broadcast_in_dim3A_1458 = vector.shape_cast %eq3A_1451 : vector<1x64x128xi1> to vector<1x64x128xi1>
    %broadcast_in_dim3A_1459 = vector.broadcast %broadcast_in_dim3A_1458 : vector<1x64x128xi1> to vector<4x64x128xi1>
    %select_n3A_1460 = arith.select %broadcast_in_dim3A_1459, %roll3A_1443, %roll3A_1445 : vector<4x64x128xi1>, vector<4x64x128xf32>
    %eq3A_1461 = arith.xori %eq3A_1457, %eq3A_1451 : vector<1x64x128xi1>
    %eq3A_1462 = arith.constant dense<true> : vector<1x64x128xi1>
    %eq3A_1463 = arith.xori %eq3A_1461, %eq3A_1462 : vector<1x64x128xi1>
    %min3A_1464 = arith.minimumf %select_n3A_1441, %select_n3A_1460 : vector<4x64x128xf32>
    %max3A_1465 = arith.maximumf %select_n3A_1441, %select_n3A_1460 : vector<4x64x128xf32>
    %broadcast_in_dim3A_1466 = vector.shape_cast %eq3A_1463 : vector<1x64x128xi1> to vector<1x64x128xi1>
    %broadcast_in_dim3A_1467 = vector.broadcast %broadcast_in_dim3A_1466 : vector<1x64x128xi1> to vector<4x64x128xi1>
    %select_n3A_1468 = arith.select %broadcast_in_dim3A_1467, %min3A_1464, %max3A_1465 : vector<4x64x128xi1>, vector<4x64x128xf32>
    %roll3A_1469 = arith.constant 127 : i32
    %roll3A_1470 = tpu.dynamic_rotate %select_n3A_1468 by %roll3A_1469 dim 2 : vector<4x64x128xf32>, i32 -> vector<4x64x128xf32>
    %roll3A_1471 = arith.constant 1 : i32
    %roll3A_1472 = tpu.dynamic_rotate %select_n3A_1468 by %roll3A_1471 dim 2 : vector<4x64x128xf32>, i32 -> vector<4x64x128xf32>
    %and3A_1473 = arith.constant 1 : i32
    %and3A_1474 = vector.broadcast %and3A_1473 : i32 to vector<1x64x128xi32>
    %and3A_1475 = arith.andi %add3A, %and3A_1474 : vector<1x64x128xi32>
    %eq3A_1476 = arith.constant 0 : i32
    %eq3A_1477 = vector.broadcast %eq3A_1476 : i32 to vector<1x64x128xi32>
    %eq3A_1478 = arith.cmpi eq, %and3A_1475, %eq3A_1477 : vector<1x64x128xi32>
    %and3A_1479 = arith.constant 1024 : i32
    %and3A_1480 = vector.broadcast %and3A_1479 : i32 to vector<1x64x128xi32>
    %and3A_1481 = arith.andi %add3A, %and3A_1480 : vector<1x64x128xi32>
    %eq3A_1482 = arith.constant 0 : i32
    %eq3A_1483 = vector.broadcast %eq3A_1482 : i32 to vector<1x64x128xi32>
    %eq3A_1484 = arith.cmpi eq, %and3A_1481, %eq3A_1483 : vector<1x64x128xi32>
    %broadcast_in_dim3A_1485 = vector.shape_cast %eq3A_1478 : vector<1x64x128xi1> to vector<1x64x128xi1>
    %broadcast_in_dim3A_1486 = vector.broadcast %broadcast_in_dim3A_1485 : vector<1x64x128xi1> to vector<4x64x128xi1>
    %select_n3A_1487 = arith.select %broadcast_in_dim3A_1486, %roll3A_1470, %roll3A_1472 : vector<4x64x128xi1>, vector<4x64x128xf32>
    %eq3A_1488 = arith.xori %eq3A_1484, %eq3A_1478 : vector<1x64x128xi1>
    %eq3A_1489 = arith.constant dense<true> : vector<1x64x128xi1>
    %eq3A_1490 = arith.xori %eq3A_1488, %eq3A_1489 : vector<1x64x128xi1>
    %min3A_1491 = arith.minimumf %select_n3A_1468, %select_n3A_1487 : vector<4x64x128xf32>
    %max3A_1492 = arith.maximumf %select_n3A_1468, %select_n3A_1487 : vector<4x64x128xf32>
    %broadcast_in_dim3A_1493 = vector.shape_cast %eq3A_1490 : vector<1x64x128xi1> to vector<1x64x128xi1>
    %broadcast_in_dim3A_1494 = vector.broadcast %broadcast_in_dim3A_1493 : vector<1x64x128xi1> to vector<4x64x128xi1>
    %select_n3A_1495 = arith.select %broadcast_in_dim3A_1494, %min3A_1491, %max3A_1492 : vector<4x64x128xi1>, vector<4x64x128xf32>
    %slice3A_1496 = vector.extract_strided_slice %select_n3A_1495 {offsets = [0, 8, 0], sizes = [4, 56, 128], strides = [1, 1, 1]} : vector<4x64x128xf32> to vector<4x56x128xf32>
    %slice3A_1497 = vector.extract_strided_slice %select_n3A_1495 {offsets = [0, 0, 0], sizes = [4, 8, 128], strides = [1, 1, 1]} : vector<4x64x128xf32> to vector<4x8x128xf32>
    %concatenate3A_1498 = tpu.concatenate %slice3A_1496, %slice3A_1497 in 1 : vector<4x56x128xf32>, vector<4x8x128xf32> -> vector<4x64x128xf32>
    %slice3A_1499 = vector.extract_strided_slice %select_n3A_1495 {offsets = [0, 56, 0], sizes = [4, 8, 128], strides = [1, 1, 1]} : vector<4x64x128xf32> to vector<4x8x128xf32>
    %slice3A_1500 = vector.extract_strided_slice %select_n3A_1495 {offsets = [0, 0, 0], sizes = [4, 56, 128], strides = [1, 1, 1]} : vector<4x64x128xf32> to vector<4x56x128xf32>
    %concatenate3A_1501 = tpu.concatenate %slice3A_1499, %slice3A_1500 in 1 : vector<4x8x128xf32>, vector<4x56x128xf32> -> vector<4x64x128xf32>
    %and3A_1502 = arith.constant 1024 : i32
    %and3A_1503 = vector.broadcast %and3A_1502 : i32 to vector<1x64x128xi32>
    %and3A_1504 = arith.andi %add3A, %and3A_1503 : vector<1x64x128xi32>
    %eq3A_1505 = arith.constant 0 : i32
    %eq3A_1506 = vector.broadcast %eq3A_1505 : i32 to vector<1x64x128xi32>
    %eq3A_1507 = arith.cmpi eq, %and3A_1504, %eq3A_1506 : vector<1x64x128xi32>
    %and3A_1508 = arith.constant 2048 : i32
    %and3A_1509 = vector.broadcast %and3A_1508 : i32 to vector<1x64x128xi32>
    %and3A_1510 = arith.andi %add3A, %and3A_1509 : vector<1x64x128xi32>
    %eq3A_1511 = arith.constant 0 : i32
    %eq3A_1512 = vector.broadcast %eq3A_1511 : i32 to vector<1x64x128xi32>
    %eq3A_1513 = arith.cmpi eq, %and3A_1510, %eq3A_1512 : vector<1x64x128xi32>
    %broadcast_in_dim3A_1514 = vector.shape_cast %eq3A_1507 : vector<1x64x128xi1> to vector<1x64x128xi1>
    %broadcast_in_dim3A_1515 = vector.broadcast %broadcast_in_dim3A_1514 : vector<1x64x128xi1> to vector<4x64x128xi1>
    %select_n3A_1516 = arith.select %broadcast_in_dim3A_1515, %concatenate3A_1498, %concatenate3A_1501 : vector<4x64x128xi1>, vector<4x64x128xf32>
    %eq3A_1517 = arith.xori %eq3A_1513, %eq3A_1507 : vector<1x64x128xi1>
    %eq3A_1518 = arith.constant dense<true> : vector<1x64x128xi1>
    %eq3A_1519 = arith.xori %eq3A_1517, %eq3A_1518 : vector<1x64x128xi1>
    %min3A_1520 = arith.minimumf %select_n3A_1495, %select_n3A_1516 : vector<4x64x128xf32>
    %max3A_1521 = arith.maximumf %select_n3A_1495, %select_n3A_1516 : vector<4x64x128xf32>
    %broadcast_in_dim3A_1522 = vector.shape_cast %eq3A_1519 : vector<1x64x128xi1> to vector<1x64x128xi1>
    %broadcast_in_dim3A_1523 = vector.broadcast %broadcast_in_dim3A_1522 : vector<1x64x128xi1> to vector<4x64x128xi1>
    %select_n3A_1524 = arith.select %broadcast_in_dim3A_1523, %min3A_1520, %max3A_1521 : vector<4x64x128xi1>, vector<4x64x128xf32>
    %slice3A_1525 = vector.extract_strided_slice %select_n3A_1524 {offsets = [0, 4, 0], sizes = [4, 60, 128], strides = [1, 1, 1]} : vector<4x64x128xf32> to vector<4x60x128xf32>
    %slice3A_1526 = vector.extract_strided_slice %select_n3A_1524 {offsets = [0, 0, 0], sizes = [4, 4, 128], strides = [1, 1, 1]} : vector<4x64x128xf32> to vector<4x4x128xf32>
    %concatenate3A_1527 = tpu.concatenate %slice3A_1525, %slice3A_1526 in 1 : vector<4x60x128xf32>, vector<4x4x128xf32> -> vector<4x64x128xf32>
    %slice3A_1528 = vector.extract_strided_slice %select_n3A_1524 {offsets = [0, 60, 0], sizes = [4, 4, 128], strides = [1, 1, 1]} : vector<4x64x128xf32> to vector<4x4x128xf32>
    %slice3A_1529 = vector.extract_strided_slice %select_n3A_1524 {offsets = [0, 0, 0], sizes = [4, 60, 128], strides = [1, 1, 1]} : vector<4x64x128xf32> to vector<4x60x128xf32>
    %concatenate3A_1530 = tpu.concatenate %slice3A_1528, %slice3A_1529 in 1 : vector<4x4x128xf32>, vector<4x60x128xf32> -> vector<4x64x128xf32>
    %and3A_1531 = arith.constant 512 : i32
    %and3A_1532 = vector.broadcast %and3A_1531 : i32 to vector<1x64x128xi32>
    %and3A_1533 = arith.andi %add3A, %and3A_1532 : vector<1x64x128xi32>
    %eq3A_1534 = arith.constant 0 : i32
    %eq3A_1535 = vector.broadcast %eq3A_1534 : i32 to vector<1x64x128xi32>
    %eq3A_1536 = arith.cmpi eq, %and3A_1533, %eq3A_1535 : vector<1x64x128xi32>
    %and3A_1537 = arith.constant 2048 : i32
    %and3A_1538 = vector.broadcast %and3A_1537 : i32 to vector<1x64x128xi32>
    %and3A_1539 = arith.andi %add3A, %and3A_1538 : vector<1x64x128xi32>
    %eq3A_1540 = arith.constant 0 : i32
    %eq3A_1541 = vector.broadcast %eq3A_1540 : i32 to vector<1x64x128xi32>
    %eq3A_1542 = arith.cmpi eq, %and3A_1539, %eq3A_1541 : vector<1x64x128xi32>
    %broadcast_in_dim3A_1543 = vector.shape_cast %eq3A_1536 : vector<1x64x128xi1> to vector<1x64x128xi1>
    %broadcast_in_dim3A_1544 = vector.broadcast %broadcast_in_dim3A_1543 : vector<1x64x128xi1> to vector<4x64x128xi1>
    %select_n3A_1545 = arith.select %broadcast_in_dim3A_1544, %concatenate3A_1527, %concatenate3A_1530 : vector<4x64x128xi1>, vector<4x64x128xf32>
    %eq3A_1546 = arith.xori %eq3A_1542, %eq3A_1536 : vector<1x64x128xi1>
    %eq3A_1547 = arith.constant dense<true> : vector<1x64x128xi1>
    %eq3A_1548 = arith.xori %eq3A_1546, %eq3A_1547 : vector<1x64x128xi1>
    %min3A_1549 = arith.minimumf %select_n3A_1524, %select_n3A_1545 : vector<4x64x128xf32>
    %max3A_1550 = arith.maximumf %select_n3A_1524, %select_n3A_1545 : vector<4x64x128xf32>
    %broadcast_in_dim3A_1551 = vector.shape_cast %eq3A_1548 : vector<1x64x128xi1> to vector<1x64x128xi1>
    %broadcast_in_dim3A_1552 = vector.broadcast %broadcast_in_dim3A_1551 : vector<1x64x128xi1> to vector<4x64x128xi1>
    %select_n3A_1553 = arith.select %broadcast_in_dim3A_1552, %min3A_1549, %max3A_1550 : vector<4x64x128xi1>, vector<4x64x128xf32>
    %slice3A_1554 = vector.extract_strided_slice %select_n3A_1553 {offsets = [0, 2, 0], sizes = [4, 62, 128], strides = [1, 1, 1]} : vector<4x64x128xf32> to vector<4x62x128xf32>
    %slice3A_1555 = vector.extract_strided_slice %select_n3A_1553 {offsets = [0, 0, 0], sizes = [4, 2, 128], strides = [1, 1, 1]} : vector<4x64x128xf32> to vector<4x2x128xf32>
    %concatenate3A_1556 = tpu.concatenate %slice3A_1554, %slice3A_1555 in 1 : vector<4x62x128xf32>, vector<4x2x128xf32> -> vector<4x64x128xf32>
    %slice3A_1557 = vector.extract_strided_slice %select_n3A_1553 {offsets = [0, 62, 0], sizes = [4, 2, 128], strides = [1, 1, 1]} : vector<4x64x128xf32> to vector<4x2x128xf32>
    %slice3A_1558 = vector.extract_strided_slice %select_n3A_1553 {offsets = [0, 0, 0], sizes = [4, 62, 128], strides = [1, 1, 1]} : vector<4x64x128xf32> to vector<4x62x128xf32>
    %concatenate3A_1559 = tpu.concatenate %slice3A_1557, %slice3A_1558 in 1 : vector<4x2x128xf32>, vector<4x62x128xf32> -> vector<4x64x128xf32>
    %and3A_1560 = arith.constant 256 : i32
    %and3A_1561 = vector.broadcast %and3A_1560 : i32 to vector<1x64x128xi32>
    %and3A_1562 = arith.andi %add3A, %and3A_1561 : vector<1x64x128xi32>
    %eq3A_1563 = arith.constant 0 : i32
    %eq3A_1564 = vector.broadcast %eq3A_1563 : i32 to vector<1x64x128xi32>
    %eq3A_1565 = arith.cmpi eq, %and3A_1562, %eq3A_1564 : vector<1x64x128xi32>
    %and3A_1566 = arith.constant 2048 : i32
    %and3A_1567 = vector.broadcast %and3A_1566 : i32 to vector<1x64x128xi32>
    %and3A_1568 = arith.andi %add3A, %and3A_1567 : vector<1x64x128xi32>
    %eq3A_1569 = arith.constant 0 : i32
    %eq3A_1570 = vector.broadcast %eq3A_1569 : i32 to vector<1x64x128xi32>
    %eq3A_1571 = arith.cmpi eq, %and3A_1568, %eq3A_1570 : vector<1x64x128xi32>
    %broadcast_in_dim3A_1572 = vector.shape_cast %eq3A_1565 : vector<1x64x128xi1> to vector<1x64x128xi1>
    %broadcast_in_dim3A_1573 = vector.broadcast %broadcast_in_dim3A_1572 : vector<1x64x128xi1> to vector<4x64x128xi1>
    %select_n3A_1574 = arith.select %broadcast_in_dim3A_1573, %concatenate3A_1556, %concatenate3A_1559 : vector<4x64x128xi1>, vector<4x64x128xf32>
    %eq3A_1575 = arith.xori %eq3A_1571, %eq3A_1565 : vector<1x64x128xi1>
    %eq3A_1576 = arith.constant dense<true> : vector<1x64x128xi1>
    %eq3A_1577 = arith.xori %eq3A_1575, %eq3A_1576 : vector<1x64x128xi1>
    %min3A_1578 = arith.minimumf %select_n3A_1553, %select_n3A_1574 : vector<4x64x128xf32>
    %max3A_1579 = arith.maximumf %select_n3A_1553, %select_n3A_1574 : vector<4x64x128xf32>
    %broadcast_in_dim3A_1580 = vector.shape_cast %eq3A_1577 : vector<1x64x128xi1> to vector<1x64x128xi1>
    %broadcast_in_dim3A_1581 = vector.broadcast %broadcast_in_dim3A_1580 : vector<1x64x128xi1> to vector<4x64x128xi1>
    %select_n3A_1582 = arith.select %broadcast_in_dim3A_1581, %min3A_1578, %max3A_1579 : vector<4x64x128xi1>, vector<4x64x128xf32>
    %slice3A_1583 = vector.extract_strided_slice %select_n3A_1582 {offsets = [0, 1, 0], sizes = [4, 63, 128], strides = [1, 1, 1]} : vector<4x64x128xf32> to vector<4x63x128xf32>
    %slice3A_1584 = vector.extract_strided_slice %select_n3A_1582 {offsets = [0, 0, 0], sizes = [4, 1, 128], strides = [1, 1, 1]} : vector<4x64x128xf32> to vector<4x1x128xf32>
    %concatenate3A_1585 = tpu.concatenate %slice3A_1583, %slice3A_1584 in 1 : vector<4x63x128xf32>, vector<4x1x128xf32> -> vector<4x64x128xf32>
    %slice3A_1586 = vector.extract_strided_slice %select_n3A_1582 {offsets = [0, 63, 0], sizes = [4, 1, 128], strides = [1, 1, 1]} : vector<4x64x128xf32> to vector<4x1x128xf32>
    %slice3A_1587 = vector.extract_strided_slice %select_n3A_1582 {offsets = [0, 0, 0], sizes = [4, 63, 128], strides = [1, 1, 1]} : vector<4x64x128xf32> to vector<4x63x128xf32>
    %concatenate3A_1588 = tpu.concatenate %slice3A_1586, %slice3A_1587 in 1 : vector<4x1x128xf32>, vector<4x63x128xf32> -> vector<4x64x128xf32>
    %and3A_1589 = arith.constant 128 : i32
    %and3A_1590 = vector.broadcast %and3A_1589 : i32 to vector<1x64x128xi32>
    %and3A_1591 = arith.andi %add3A, %and3A_1590 : vector<1x64x128xi32>
    %eq3A_1592 = arith.constant 0 : i32
    %eq3A_1593 = vector.broadcast %eq3A_1592 : i32 to vector<1x64x128xi32>
    %eq3A_1594 = arith.cmpi eq, %and3A_1591, %eq3A_1593 : vector<1x64x128xi32>
    %and3A_1595 = arith.constant 2048 : i32
    %and3A_1596 = vector.broadcast %and3A_1595 : i32 to vector<1x64x128xi32>
    %and3A_1597 = arith.andi %add3A, %and3A_1596 : vector<1x64x128xi32>
    %eq3A_1598 = arith.constant 0 : i32
    %eq3A_1599 = vector.broadcast %eq3A_1598 : i32 to vector<1x64x128xi32>
    %eq3A_1600 = arith.cmpi eq, %and3A_1597, %eq3A_1599 : vector<1x64x128xi32>
    %broadcast_in_dim3A_1601 = vector.shape_cast %eq3A_1594 : vector<1x64x128xi1> to vector<1x64x128xi1>
    %broadcast_in_dim3A_1602 = vector.broadcast %broadcast_in_dim3A_1601 : vector<1x64x128xi1> to vector<4x64x128xi1>
    %select_n3A_1603 = arith.select %broadcast_in_dim3A_1602, %concatenate3A_1585, %concatenate3A_1588 : vector<4x64x128xi1>, vector<4x64x128xf32>
    %eq3A_1604 = arith.xori %eq3A_1600, %eq3A_1594 : vector<1x64x128xi1>
    %eq3A_1605 = arith.constant dense<true> : vector<1x64x128xi1>
    %eq3A_1606 = arith.xori %eq3A_1604, %eq3A_1605 : vector<1x64x128xi1>
    %min3A_1607 = arith.minimumf %select_n3A_1582, %select_n3A_1603 : vector<4x64x128xf32>
    %max3A_1608 = arith.maximumf %select_n3A_1582, %select_n3A_1603 : vector<4x64x128xf32>
    %broadcast_in_dim3A_1609 = vector.shape_cast %eq3A_1606 : vector<1x64x128xi1> to vector<1x64x128xi1>
    %broadcast_in_dim3A_1610 = vector.broadcast %broadcast_in_dim3A_1609 : vector<1x64x128xi1> to vector<4x64x128xi1>
    %select_n3A_1611 = arith.select %broadcast_in_dim3A_1610, %min3A_1607, %max3A_1608 : vector<4x64x128xi1>, vector<4x64x128xf32>
    %roll3A_1612 = arith.constant 64 : i32
    %roll3A_1613 = tpu.dynamic_rotate %select_n3A_1611 by %roll3A_1612 dim 2 : vector<4x64x128xf32>, i32 -> vector<4x64x128xf32>
    %roll3A_1614 = arith.constant 64 : i32
    %roll3A_1615 = tpu.dynamic_rotate %select_n3A_1611 by %roll3A_1614 dim 2 : vector<4x64x128xf32>, i32 -> vector<4x64x128xf32>
    %and3A_1616 = arith.constant 64 : i32
    %and3A_1617 = vector.broadcast %and3A_1616 : i32 to vector<1x64x128xi32>
    %and3A_1618 = arith.andi %add3A, %and3A_1617 : vector<1x64x128xi32>
    %eq3A_1619 = arith.constant 0 : i32
    %eq3A_1620 = vector.broadcast %eq3A_1619 : i32 to vector<1x64x128xi32>
    %eq3A_1621 = arith.cmpi eq, %and3A_1618, %eq3A_1620 : vector<1x64x128xi32>
    %and3A_1622 = arith.constant 2048 : i32
    %and3A_1623 = vector.broadcast %and3A_1622 : i32 to vector<1x64x128xi32>
    %and3A_1624 = arith.andi %add3A, %and3A_1623 : vector<1x64x128xi32>
    %eq3A_1625 = arith.constant 0 : i32
    %eq3A_1626 = vector.broadcast %eq3A_1625 : i32 to vector<1x64x128xi32>
    %eq3A_1627 = arith.cmpi eq, %and3A_1624, %eq3A_1626 : vector<1x64x128xi32>
    %broadcast_in_dim3A_1628 = vector.shape_cast %eq3A_1621 : vector<1x64x128xi1> to vector<1x64x128xi1>
    %broadcast_in_dim3A_1629 = vector.broadcast %broadcast_in_dim3A_1628 : vector<1x64x128xi1> to vector<4x64x128xi1>
    %select_n3A_1630 = arith.select %broadcast_in_dim3A_1629, %roll3A_1613, %roll3A_1615 : vector<4x64x128xi1>, vector<4x64x128xf32>
    %eq3A_1631 = arith.xori %eq3A_1627, %eq3A_1621 : vector<1x64x128xi1>
    %eq3A_1632 = arith.constant dense<true> : vector<1x64x128xi1>
    %eq3A_1633 = arith.xori %eq3A_1631, %eq3A_1632 : vector<1x64x128xi1>
    %min3A_1634 = arith.minimumf %select_n3A_1611, %select_n3A_1630 : vector<4x64x128xf32>
    %max3A_1635 = arith.maximumf %select_n3A_1611, %select_n3A_1630 : vector<4x64x128xf32>
    %broadcast_in_dim3A_1636 = vector.shape_cast %eq3A_1633 : vector<1x64x128xi1> to vector<1x64x128xi1>
    %broadcast_in_dim3A_1637 = vector.broadcast %broadcast_in_dim3A_1636 : vector<1x64x128xi1> to vector<4x64x128xi1>
    %select_n3A_1638 = arith.select %broadcast_in_dim3A_1637, %min3A_1634, %max3A_1635 : vector<4x64x128xi1>, vector<4x64x128xf32>
    %roll3A_1639 = arith.constant 96 : i32
    %roll3A_1640 = tpu.dynamic_rotate %select_n3A_1638 by %roll3A_1639 dim 2 : vector<4x64x128xf32>, i32 -> vector<4x64x128xf32>
    %roll3A_1641 = arith.constant 32 : i32
    %roll3A_1642 = tpu.dynamic_rotate %select_n3A_1638 by %roll3A_1641 dim 2 : vector<4x64x128xf32>, i32 -> vector<4x64x128xf32>
    %and3A_1643 = arith.constant 32 : i32
    %and3A_1644 = vector.broadcast %and3A_1643 : i32 to vector<1x64x128xi32>
    %and3A_1645 = arith.andi %add3A, %and3A_1644 : vector<1x64x128xi32>
    %eq3A_1646 = arith.constant 0 : i32
    %eq3A_1647 = vector.broadcast %eq3A_1646 : i32 to vector<1x64x128xi32>
    %eq3A_1648 = arith.cmpi eq, %and3A_1645, %eq3A_1647 : vector<1x64x128xi32>
    %and3A_1649 = arith.constant 2048 : i32
    %and3A_1650 = vector.broadcast %and3A_1649 : i32 to vector<1x64x128xi32>
    %and3A_1651 = arith.andi %add3A, %and3A_1650 : vector<1x64x128xi32>
    %eq3A_1652 = arith.constant 0 : i32
    %eq3A_1653 = vector.broadcast %eq3A_1652 : i32 to vector<1x64x128xi32>
    %eq3A_1654 = arith.cmpi eq, %and3A_1651, %eq3A_1653 : vector<1x64x128xi32>
    %broadcast_in_dim3A_1655 = vector.shape_cast %eq3A_1648 : vector<1x64x128xi1> to vector<1x64x128xi1>
    %broadcast_in_dim3A_1656 = vector.broadcast %broadcast_in_dim3A_1655 : vector<1x64x128xi1> to vector<4x64x128xi1>
    %select_n3A_1657 = arith.select %broadcast_in_dim3A_1656, %roll3A_1640, %roll3A_1642 : vector<4x64x128xi1>, vector<4x64x128xf32>
    %eq3A_1658 = arith.xori %eq3A_1654, %eq3A_1648 : vector<1x64x128xi1>
    %eq3A_1659 = arith.constant dense<true> : vector<1x64x128xi1>
    %eq3A_1660 = arith.xori %eq3A_1658, %eq3A_1659 : vector<1x64x128xi1>
    %min3A_1661 = arith.minimumf %select_n3A_1638, %select_n3A_1657 : vector<4x64x128xf32>
    %max3A_1662 = arith.maximumf %select_n3A_1638, %select_n3A_1657 : vector<4x64x128xf32>
    %broadcast_in_dim3A_1663 = vector.shape_cast %eq3A_1660 : vector<1x64x128xi1> to vector<1x64x128xi1>
    %broadcast_in_dim3A_1664 = vector.broadcast %broadcast_in_dim3A_1663 : vector<1x64x128xi1> to vector<4x64x128xi1>
    %select_n3A_1665 = arith.select %broadcast_in_dim3A_1664, %min3A_1661, %max3A_1662 : vector<4x64x128xi1>, vector<4x64x128xf32>
    %roll3A_1666 = arith.constant 112 : i32
    %roll3A_1667 = tpu.dynamic_rotate %select_n3A_1665 by %roll3A_1666 dim 2 : vector<4x64x128xf32>, i32 -> vector<4x64x128xf32>
    %roll3A_1668 = arith.constant 16 : i32
    %roll3A_1669 = tpu.dynamic_rotate %select_n3A_1665 by %roll3A_1668 dim 2 : vector<4x64x128xf32>, i32 -> vector<4x64x128xf32>
    %and3A_1670 = arith.constant 16 : i32
    %and3A_1671 = vector.broadcast %and3A_1670 : i32 to vector<1x64x128xi32>
    %and3A_1672 = arith.andi %add3A, %and3A_1671 : vector<1x64x128xi32>
    %eq3A_1673 = arith.constant 0 : i32
    %eq3A_1674 = vector.broadcast %eq3A_1673 : i32 to vector<1x64x128xi32>
    %eq3A_1675 = arith.cmpi eq, %and3A_1672, %eq3A_1674 : vector<1x64x128xi32>
    %and3A_1676 = arith.constant 2048 : i32
    %and3A_1677 = vector.broadcast %and3A_1676 : i32 to vector<1x64x128xi32>
    %and3A_1678 = arith.andi %add3A, %and3A_1677 : vector<1x64x128xi32>
    %eq3A_1679 = arith.constant 0 : i32
    %eq3A_1680 = vector.broadcast %eq3A_1679 : i32 to vector<1x64x128xi32>
    %eq3A_1681 = arith.cmpi eq, %and3A_1678, %eq3A_1680 : vector<1x64x128xi32>
    %broadcast_in_dim3A_1682 = vector.shape_cast %eq3A_1675 : vector<1x64x128xi1> to vector<1x64x128xi1>
    %broadcast_in_dim3A_1683 = vector.broadcast %broadcast_in_dim3A_1682 : vector<1x64x128xi1> to vector<4x64x128xi1>
    %select_n3A_1684 = arith.select %broadcast_in_dim3A_1683, %roll3A_1667, %roll3A_1669 : vector<4x64x128xi1>, vector<4x64x128xf32>
    %eq3A_1685 = arith.xori %eq3A_1681, %eq3A_1675 : vector<1x64x128xi1>
    %eq3A_1686 = arith.constant dense<true> : vector<1x64x128xi1>
    %eq3A_1687 = arith.xori %eq3A_1685, %eq3A_1686 : vector<1x64x128xi1>
    %min3A_1688 = arith.minimumf %select_n3A_1665, %select_n3A_1684 : vector<4x64x128xf32>
    %max3A_1689 = arith.maximumf %select_n3A_1665, %select_n3A_1684 : vector<4x64x128xf32>
    %broadcast_in_dim3A_1690 = vector.shape_cast %eq3A_1687 : vector<1x64x128xi1> to vector<1x64x128xi1>
    %broadcast_in_dim3A_1691 = vector.broadcast %broadcast_in_dim3A_1690 : vector<1x64x128xi1> to vector<4x64x128xi1>
    %select_n3A_1692 = arith.select %broadcast_in_dim3A_1691, %min3A_1688, %max3A_1689 : vector<4x64x128xi1>, vector<4x64x128xf32>
    %roll3A_1693 = arith.constant 120 : i32
    %roll3A_1694 = tpu.dynamic_rotate %select_n3A_1692 by %roll3A_1693 dim 2 : vector<4x64x128xf32>, i32 -> vector<4x64x128xf32>
    %roll3A_1695 = arith.constant 8 : i32
    %roll3A_1696 = tpu.dynamic_rotate %select_n3A_1692 by %roll3A_1695 dim 2 : vector<4x64x128xf32>, i32 -> vector<4x64x128xf32>
    %and3A_1697 = arith.constant 8 : i32
    %and3A_1698 = vector.broadcast %and3A_1697 : i32 to vector<1x64x128xi32>
    %and3A_1699 = arith.andi %add3A, %and3A_1698 : vector<1x64x128xi32>
    %eq3A_1700 = arith.constant 0 : i32
    %eq3A_1701 = vector.broadcast %eq3A_1700 : i32 to vector<1x64x128xi32>
    %eq3A_1702 = arith.cmpi eq, %and3A_1699, %eq3A_1701 : vector<1x64x128xi32>
    %and3A_1703 = arith.constant 2048 : i32
    %and3A_1704 = vector.broadcast %and3A_1703 : i32 to vector<1x64x128xi32>
    %and3A_1705 = arith.andi %add3A, %and3A_1704 : vector<1x64x128xi32>
    %eq3A_1706 = arith.constant 0 : i32
    %eq3A_1707 = vector.broadcast %eq3A_1706 : i32 to vector<1x64x128xi32>
    %eq3A_1708 = arith.cmpi eq, %and3A_1705, %eq3A_1707 : vector<1x64x128xi32>
    %broadcast_in_dim3A_1709 = vector.shape_cast %eq3A_1702 : vector<1x64x128xi1> to vector<1x64x128xi1>
    %broadcast_in_dim3A_1710 = vector.broadcast %broadcast_in_dim3A_1709 : vector<1x64x128xi1> to vector<4x64x128xi1>
    %select_n3A_1711 = arith.select %broadcast_in_dim3A_1710, %roll3A_1694, %roll3A_1696 : vector<4x64x128xi1>, vector<4x64x128xf32>
    %eq3A_1712 = arith.xori %eq3A_1708, %eq3A_1702 : vector<1x64x128xi1>
    %eq3A_1713 = arith.constant dense<true> : vector<1x64x128xi1>
    %eq3A_1714 = arith.xori %eq3A_1712, %eq3A_1713 : vector<1x64x128xi1>
    %min3A_1715 = arith.minimumf %select_n3A_1692, %select_n3A_1711 : vector<4x64x128xf32>
    %max3A_1716 = arith.maximumf %select_n3A_1692, %select_n3A_1711 : vector<4x64x128xf32>
    %broadcast_in_dim3A_1717 = vector.shape_cast %eq3A_1714 : vector<1x64x128xi1> to vector<1x64x128xi1>
    %broadcast_in_dim3A_1718 = vector.broadcast %broadcast_in_dim3A_1717 : vector<1x64x128xi1> to vector<4x64x128xi1>
    %select_n3A_1719 = arith.select %broadcast_in_dim3A_1718, %min3A_1715, %max3A_1716 : vector<4x64x128xi1>, vector<4x64x128xf32>
    %roll3A_1720 = arith.constant 124 : i32
    %roll3A_1721 = tpu.dynamic_rotate %select_n3A_1719 by %roll3A_1720 dim 2 : vector<4x64x128xf32>, i32 -> vector<4x64x128xf32>
    %roll3A_1722 = arith.constant 4 : i32
    %roll3A_1723 = tpu.dynamic_rotate %select_n3A_1719 by %roll3A_1722 dim 2 : vector<4x64x128xf32>, i32 -> vector<4x64x128xf32>
    %and3A_1724 = arith.constant 4 : i32
    %and3A_1725 = vector.broadcast %and3A_1724 : i32 to vector<1x64x128xi32>
    %and3A_1726 = arith.andi %add3A, %and3A_1725 : vector<1x64x128xi32>
    %eq3A_1727 = arith.constant 0 : i32
    %eq3A_1728 = vector.broadcast %eq3A_1727 : i32 to vector<1x64x128xi32>
    %eq3A_1729 = arith.cmpi eq, %and3A_1726, %eq3A_1728 : vector<1x64x128xi32>
    %and3A_1730 = arith.constant 2048 : i32
    %and3A_1731 = vector.broadcast %and3A_1730 : i32 to vector<1x64x128xi32>
    %and3A_1732 = arith.andi %add3A, %and3A_1731 : vector<1x64x128xi32>
    %eq3A_1733 = arith.constant 0 : i32
    %eq3A_1734 = vector.broadcast %eq3A_1733 : i32 to vector<1x64x128xi32>
    %eq3A_1735 = arith.cmpi eq, %and3A_1732, %eq3A_1734 : vector<1x64x128xi32>
    %broadcast_in_dim3A_1736 = vector.shape_cast %eq3A_1729 : vector<1x64x128xi1> to vector<1x64x128xi1>
    %broadcast_in_dim3A_1737 = vector.broadcast %broadcast_in_dim3A_1736 : vector<1x64x128xi1> to vector<4x64x128xi1>
    %select_n3A_1738 = arith.select %broadcast_in_dim3A_1737, %roll3A_1721, %roll3A_1723 : vector<4x64x128xi1>, vector<4x64x128xf32>
    %eq3A_1739 = arith.xori %eq3A_1735, %eq3A_1729 : vector<1x64x128xi1>
    %eq3A_1740 = arith.constant dense<true> : vector<1x64x128xi1>
    %eq3A_1741 = arith.xori %eq3A_1739, %eq3A_1740 : vector<1x64x128xi1>
    %min3A_1742 = arith.minimumf %select_n3A_1719, %select_n3A_1738 : vector<4x64x128xf32>
    %max3A_1743 = arith.maximumf %select_n3A_1719, %select_n3A_1738 : vector<4x64x128xf32>
    %broadcast_in_dim3A_1744 = vector.shape_cast %eq3A_1741 : vector<1x64x128xi1> to vector<1x64x128xi1>
    %broadcast_in_dim3A_1745 = vector.broadcast %broadcast_in_dim3A_1744 : vector<1x64x128xi1> to vector<4x64x128xi1>
    %select_n3A_1746 = arith.select %broadcast_in_dim3A_1745, %min3A_1742, %max3A_1743 : vector<4x64x128xi1>, vector<4x64x128xf32>
    %roll3A_1747 = arith.constant 126 : i32
    %roll3A_1748 = tpu.dynamic_rotate %select_n3A_1746 by %roll3A_1747 dim 2 : vector<4x64x128xf32>, i32 -> vector<4x64x128xf32>
    %roll3A_1749 = arith.constant 2 : i32
    %roll3A_1750 = tpu.dynamic_rotate %select_n3A_1746 by %roll3A_1749 dim 2 : vector<4x64x128xf32>, i32 -> vector<4x64x128xf32>
    %and3A_1751 = arith.constant 2 : i32
    %and3A_1752 = vector.broadcast %and3A_1751 : i32 to vector<1x64x128xi32>
    %and3A_1753 = arith.andi %add3A, %and3A_1752 : vector<1x64x128xi32>
    %eq3A_1754 = arith.constant 0 : i32
    %eq3A_1755 = vector.broadcast %eq3A_1754 : i32 to vector<1x64x128xi32>
    %eq3A_1756 = arith.cmpi eq, %and3A_1753, %eq3A_1755 : vector<1x64x128xi32>
    %and3A_1757 = arith.constant 2048 : i32
    %and3A_1758 = vector.broadcast %and3A_1757 : i32 to vector<1x64x128xi32>
    %and3A_1759 = arith.andi %add3A, %and3A_1758 : vector<1x64x128xi32>
    %eq3A_1760 = arith.constant 0 : i32
    %eq3A_1761 = vector.broadcast %eq3A_1760 : i32 to vector<1x64x128xi32>
    %eq3A_1762 = arith.cmpi eq, %and3A_1759, %eq3A_1761 : vector<1x64x128xi32>
    %broadcast_in_dim3A_1763 = vector.shape_cast %eq3A_1756 : vector<1x64x128xi1> to vector<1x64x128xi1>
    %broadcast_in_dim3A_1764 = vector.broadcast %broadcast_in_dim3A_1763 : vector<1x64x128xi1> to vector<4x64x128xi1>
    %select_n3A_1765 = arith.select %broadcast_in_dim3A_1764, %roll3A_1748, %roll3A_1750 : vector<4x64x128xi1>, vector<4x64x128xf32>
    %eq3A_1766 = arith.xori %eq3A_1762, %eq3A_1756 : vector<1x64x128xi1>
    %eq3A_1767 = arith.constant dense<true> : vector<1x64x128xi1>
    %eq3A_1768 = arith.xori %eq3A_1766, %eq3A_1767 : vector<1x64x128xi1>
    %min3A_1769 = arith.minimumf %select_n3A_1746, %select_n3A_1765 : vector<4x64x128xf32>
    %max3A_1770 = arith.maximumf %select_n3A_1746, %select_n3A_1765 : vector<4x64x128xf32>
    %broadcast_in_dim3A_1771 = vector.shape_cast %eq3A_1768 : vector<1x64x128xi1> to vector<1x64x128xi1>
    %broadcast_in_dim3A_1772 = vector.broadcast %broadcast_in_dim3A_1771 : vector<1x64x128xi1> to vector<4x64x128xi1>
    %select_n3A_1773 = arith.select %broadcast_in_dim3A_1772, %min3A_1769, %max3A_1770 : vector<4x64x128xi1>, vector<4x64x128xf32>
    %roll3A_1774 = arith.constant 127 : i32
    %roll3A_1775 = tpu.dynamic_rotate %select_n3A_1773 by %roll3A_1774 dim 2 : vector<4x64x128xf32>, i32 -> vector<4x64x128xf32>
    %roll3A_1776 = arith.constant 1 : i32
    %roll3A_1777 = tpu.dynamic_rotate %select_n3A_1773 by %roll3A_1776 dim 2 : vector<4x64x128xf32>, i32 -> vector<4x64x128xf32>
    %and3A_1778 = arith.constant 1 : i32
    %and3A_1779 = vector.broadcast %and3A_1778 : i32 to vector<1x64x128xi32>
    %and3A_1780 = arith.andi %add3A, %and3A_1779 : vector<1x64x128xi32>
    %eq3A_1781 = arith.constant 0 : i32
    %eq3A_1782 = vector.broadcast %eq3A_1781 : i32 to vector<1x64x128xi32>
    %eq3A_1783 = arith.cmpi eq, %and3A_1780, %eq3A_1782 : vector<1x64x128xi32>
    %and3A_1784 = arith.constant 2048 : i32
    %and3A_1785 = vector.broadcast %and3A_1784 : i32 to vector<1x64x128xi32>
    %and3A_1786 = arith.andi %add3A, %and3A_1785 : vector<1x64x128xi32>
    %eq3A_1787 = arith.constant 0 : i32
    %eq3A_1788 = vector.broadcast %eq3A_1787 : i32 to vector<1x64x128xi32>
    %eq3A_1789 = arith.cmpi eq, %and3A_1786, %eq3A_1788 : vector<1x64x128xi32>
    %broadcast_in_dim3A_1790 = vector.shape_cast %eq3A_1783 : vector<1x64x128xi1> to vector<1x64x128xi1>
    %broadcast_in_dim3A_1791 = vector.broadcast %broadcast_in_dim3A_1790 : vector<1x64x128xi1> to vector<4x64x128xi1>
    %select_n3A_1792 = arith.select %broadcast_in_dim3A_1791, %roll3A_1775, %roll3A_1777 : vector<4x64x128xi1>, vector<4x64x128xf32>
    %eq3A_1793 = arith.xori %eq3A_1789, %eq3A_1783 : vector<1x64x128xi1>
    %eq3A_1794 = arith.constant dense<true> : vector<1x64x128xi1>
    %eq3A_1795 = arith.xori %eq3A_1793, %eq3A_1794 : vector<1x64x128xi1>
    %min3A_1796 = arith.minimumf %select_n3A_1773, %select_n3A_1792 : vector<4x64x128xf32>
    %max3A_1797 = arith.maximumf %select_n3A_1773, %select_n3A_1792 : vector<4x64x128xf32>
    %broadcast_in_dim3A_1798 = vector.shape_cast %eq3A_1795 : vector<1x64x128xi1> to vector<1x64x128xi1>
    %broadcast_in_dim3A_1799 = vector.broadcast %broadcast_in_dim3A_1798 : vector<1x64x128xi1> to vector<4x64x128xi1>
    %select_n3A_1800 = arith.select %broadcast_in_dim3A_1799, %min3A_1796, %max3A_1797 : vector<4x64x128xi1>, vector<4x64x128xf32>
    %slice3A_1801 = vector.extract_strided_slice %select_n3A_1800 {offsets = [0, 16, 0], sizes = [4, 48, 128], strides = [1, 1, 1]} : vector<4x64x128xf32> to vector<4x48x128xf32>
    %slice3A_1802 = vector.extract_strided_slice %select_n3A_1800 {offsets = [0, 0, 0], sizes = [4, 16, 128], strides = [1, 1, 1]} : vector<4x64x128xf32> to vector<4x16x128xf32>
    %concatenate3A_1803 = tpu.concatenate %slice3A_1801, %slice3A_1802 in 1 : vector<4x48x128xf32>, vector<4x16x128xf32> -> vector<4x64x128xf32>
    %slice3A_1804 = vector.extract_strided_slice %select_n3A_1800 {offsets = [0, 48, 0], sizes = [4, 16, 128], strides = [1, 1, 1]} : vector<4x64x128xf32> to vector<4x16x128xf32>
    %slice3A_1805 = vector.extract_strided_slice %select_n3A_1800 {offsets = [0, 0, 0], sizes = [4, 48, 128], strides = [1, 1, 1]} : vector<4x64x128xf32> to vector<4x48x128xf32>
    %concatenate3A_1806 = tpu.concatenate %slice3A_1804, %slice3A_1805 in 1 : vector<4x16x128xf32>, vector<4x48x128xf32> -> vector<4x64x128xf32>
    %and3A_1807 = arith.constant 2048 : i32
    %and3A_1808 = vector.broadcast %and3A_1807 : i32 to vector<1x64x128xi32>
    %and3A_1809 = arith.andi %add3A, %and3A_1808 : vector<1x64x128xi32>
    %eq3A_1810 = arith.constant 0 : i32
    %eq3A_1811 = vector.broadcast %eq3A_1810 : i32 to vector<1x64x128xi32>
    %eq3A_1812 = arith.cmpi eq, %and3A_1809, %eq3A_1811 : vector<1x64x128xi32>
    %and3A_1813 = arith.constant 4096 : i32
    %and3A_1814 = vector.broadcast %and3A_1813 : i32 to vector<1x64x128xi32>
    %and3A_1815 = arith.andi %add3A, %and3A_1814 : vector<1x64x128xi32>
    %eq3A_1816 = arith.constant 0 : i32
    %eq3A_1817 = vector.broadcast %eq3A_1816 : i32 to vector<1x64x128xi32>
    %eq3A_1818 = arith.cmpi eq, %and3A_1815, %eq3A_1817 : vector<1x64x128xi32>
    %broadcast_in_dim3A_1819 = vector.shape_cast %eq3A_1812 : vector<1x64x128xi1> to vector<1x64x128xi1>
    %broadcast_in_dim3A_1820 = vector.broadcast %broadcast_in_dim3A_1819 : vector<1x64x128xi1> to vector<4x64x128xi1>
    %select_n3A_1821 = arith.select %broadcast_in_dim3A_1820, %concatenate3A_1803, %concatenate3A_1806 : vector<4x64x128xi1>, vector<4x64x128xf32>
    %eq3A_1822 = arith.xori %eq3A_1818, %eq3A_1812 : vector<1x64x128xi1>
    %eq3A_1823 = arith.constant dense<true> : vector<1x64x128xi1>
    %eq3A_1824 = arith.xori %eq3A_1822, %eq3A_1823 : vector<1x64x128xi1>
    %min3A_1825 = arith.minimumf %select_n3A_1800, %select_n3A_1821 : vector<4x64x128xf32>
    %max3A_1826 = arith.maximumf %select_n3A_1800, %select_n3A_1821 : vector<4x64x128xf32>
    %broadcast_in_dim3A_1827 = vector.shape_cast %eq3A_1824 : vector<1x64x128xi1> to vector<1x64x128xi1>
    %broadcast_in_dim3A_1828 = vector.broadcast %broadcast_in_dim3A_1827 : vector<1x64x128xi1> to vector<4x64x128xi1>
    %select_n3A_1829 = arith.select %broadcast_in_dim3A_1828, %min3A_1825, %max3A_1826 : vector<4x64x128xi1>, vector<4x64x128xf32>
    %slice3A_1830 = vector.extract_strided_slice %select_n3A_1829 {offsets = [0, 8, 0], sizes = [4, 56, 128], strides = [1, 1, 1]} : vector<4x64x128xf32> to vector<4x56x128xf32>
    %slice3A_1831 = vector.extract_strided_slice %select_n3A_1829 {offsets = [0, 0, 0], sizes = [4, 8, 128], strides = [1, 1, 1]} : vector<4x64x128xf32> to vector<4x8x128xf32>
    %concatenate3A_1832 = tpu.concatenate %slice3A_1830, %slice3A_1831 in 1 : vector<4x56x128xf32>, vector<4x8x128xf32> -> vector<4x64x128xf32>
    %slice3A_1833 = vector.extract_strided_slice %select_n3A_1829 {offsets = [0, 56, 0], sizes = [4, 8, 128], strides = [1, 1, 1]} : vector<4x64x128xf32> to vector<4x8x128xf32>
    %slice3A_1834 = vector.extract_strided_slice %select_n3A_1829 {offsets = [0, 0, 0], sizes = [4, 56, 128], strides = [1, 1, 1]} : vector<4x64x128xf32> to vector<4x56x128xf32>
    %concatenate3A_1835 = tpu.concatenate %slice3A_1833, %slice3A_1834 in 1 : vector<4x8x128xf32>, vector<4x56x128xf32> -> vector<4x64x128xf32>
    %and3A_1836 = arith.constant 1024 : i32
    %and3A_1837 = vector.broadcast %and3A_1836 : i32 to vector<1x64x128xi32>
    %and3A_1838 = arith.andi %add3A, %and3A_1837 : vector<1x64x128xi32>
    %eq3A_1839 = arith.constant 0 : i32
    %eq3A_1840 = vector.broadcast %eq3A_1839 : i32 to vector<1x64x128xi32>
    %eq3A_1841 = arith.cmpi eq, %and3A_1838, %eq3A_1840 : vector<1x64x128xi32>
    %and3A_1842 = arith.constant 4096 : i32
    %and3A_1843 = vector.broadcast %and3A_1842 : i32 to vector<1x64x128xi32>
    %and3A_1844 = arith.andi %add3A, %and3A_1843 : vector<1x64x128xi32>
    %eq3A_1845 = arith.constant 0 : i32
    %eq3A_1846 = vector.broadcast %eq3A_1845 : i32 to vector<1x64x128xi32>
    %eq3A_1847 = arith.cmpi eq, %and3A_1844, %eq3A_1846 : vector<1x64x128xi32>
    %broadcast_in_dim3A_1848 = vector.shape_cast %eq3A_1841 : vector<1x64x128xi1> to vector<1x64x128xi1>
    %broadcast_in_dim3A_1849 = vector.broadcast %broadcast_in_dim3A_1848 : vector<1x64x128xi1> to vector<4x64x128xi1>
    %select_n3A_1850 = arith.select %broadcast_in_dim3A_1849, %concatenate3A_1832, %concatenate3A_1835 : vector<4x64x128xi1>, vector<4x64x128xf32>
    %eq3A_1851 = arith.xori %eq3A_1847, %eq3A_1841 : vector<1x64x128xi1>
    %eq3A_1852 = arith.constant dense<true> : vector<1x64x128xi1>
    %eq3A_1853 = arith.xori %eq3A_1851, %eq3A_1852 : vector<1x64x128xi1>
    %min3A_1854 = arith.minimumf %select_n3A_1829, %select_n3A_1850 : vector<4x64x128xf32>
    %max3A_1855 = arith.maximumf %select_n3A_1829, %select_n3A_1850 : vector<4x64x128xf32>
    %broadcast_in_dim3A_1856 = vector.shape_cast %eq3A_1853 : vector<1x64x128xi1> to vector<1x64x128xi1>
    %broadcast_in_dim3A_1857 = vector.broadcast %broadcast_in_dim3A_1856 : vector<1x64x128xi1> to vector<4x64x128xi1>
    %select_n3A_1858 = arith.select %broadcast_in_dim3A_1857, %min3A_1854, %max3A_1855 : vector<4x64x128xi1>, vector<4x64x128xf32>
    %slice3A_1859 = vector.extract_strided_slice %select_n3A_1858 {offsets = [0, 4, 0], sizes = [4, 60, 128], strides = [1, 1, 1]} : vector<4x64x128xf32> to vector<4x60x128xf32>
    %slice3A_1860 = vector.extract_strided_slice %select_n3A_1858 {offsets = [0, 0, 0], sizes = [4, 4, 128], strides = [1, 1, 1]} : vector<4x64x128xf32> to vector<4x4x128xf32>
    %concatenate3A_1861 = tpu.concatenate %slice3A_1859, %slice3A_1860 in 1 : vector<4x60x128xf32>, vector<4x4x128xf32> -> vector<4x64x128xf32>
    %slice3A_1862 = vector.extract_strided_slice %select_n3A_1858 {offsets = [0, 60, 0], sizes = [4, 4, 128], strides = [1, 1, 1]} : vector<4x64x128xf32> to vector<4x4x128xf32>
    %slice3A_1863 = vector.extract_strided_slice %select_n3A_1858 {offsets = [0, 0, 0], sizes = [4, 60, 128], strides = [1, 1, 1]} : vector<4x64x128xf32> to vector<4x60x128xf32>
    %concatenate3A_1864 = tpu.concatenate %slice3A_1862, %slice3A_1863 in 1 : vector<4x4x128xf32>, vector<4x60x128xf32> -> vector<4x64x128xf32>
    %and3A_1865 = arith.constant 512 : i32
    %and3A_1866 = vector.broadcast %and3A_1865 : i32 to vector<1x64x128xi32>
    %and3A_1867 = arith.andi %add3A, %and3A_1866 : vector<1x64x128xi32>
    %eq3A_1868 = arith.constant 0 : i32
    %eq3A_1869 = vector.broadcast %eq3A_1868 : i32 to vector<1x64x128xi32>
    %eq3A_1870 = arith.cmpi eq, %and3A_1867, %eq3A_1869 : vector<1x64x128xi32>
    %and3A_1871 = arith.constant 4096 : i32
    %and3A_1872 = vector.broadcast %and3A_1871 : i32 to vector<1x64x128xi32>
    %and3A_1873 = arith.andi %add3A, %and3A_1872 : vector<1x64x128xi32>
    %eq3A_1874 = arith.constant 0 : i32
    %eq3A_1875 = vector.broadcast %eq3A_1874 : i32 to vector<1x64x128xi32>
    %eq3A_1876 = arith.cmpi eq, %and3A_1873, %eq3A_1875 : vector<1x64x128xi32>
    %broadcast_in_dim3A_1877 = vector.shape_cast %eq3A_1870 : vector<1x64x128xi1> to vector<1x64x128xi1>
    %broadcast_in_dim3A_1878 = vector.broadcast %broadcast_in_dim3A_1877 : vector<1x64x128xi1> to vector<4x64x128xi1>
    %select_n3A_1879 = arith.select %broadcast_in_dim3A_1878, %concatenate3A_1861, %concatenate3A_1864 : vector<4x64x128xi1>, vector<4x64x128xf32>
    %eq3A_1880 = arith.xori %eq3A_1876, %eq3A_1870 : vector<1x64x128xi1>
    %eq3A_1881 = arith.constant dense<true> : vector<1x64x128xi1>
    %eq3A_1882 = arith.xori %eq3A_1880, %eq3A_1881 : vector<1x64x128xi1>
    %min3A_1883 = arith.minimumf %select_n3A_1858, %select_n3A_1879 : vector<4x64x128xf32>
    %max3A_1884 = arith.maximumf %select_n3A_1858, %select_n3A_1879 : vector<4x64x128xf32>
    %broadcast_in_dim3A_1885 = vector.shape_cast %eq3A_1882 : vector<1x64x128xi1> to vector<1x64x128xi1>
    %broadcast_in_dim3A_1886 = vector.broadcast %broadcast_in_dim3A_1885 : vector<1x64x128xi1> to vector<4x64x128xi1>
    %select_n3A_1887 = arith.select %broadcast_in_dim3A_1886, %min3A_1883, %max3A_1884 : vector<4x64x128xi1>, vector<4x64x128xf32>
    %slice3A_1888 = vector.extract_strided_slice %select_n3A_1887 {offsets = [0, 2, 0], sizes = [4, 62, 128], strides = [1, 1, 1]} : vector<4x64x128xf32> to vector<4x62x128xf32>
    %slice3A_1889 = vector.extract_strided_slice %select_n3A_1887 {offsets = [0, 0, 0], sizes = [4, 2, 128], strides = [1, 1, 1]} : vector<4x64x128xf32> to vector<4x2x128xf32>
    %concatenate3A_1890 = tpu.concatenate %slice3A_1888, %slice3A_1889 in 1 : vector<4x62x128xf32>, vector<4x2x128xf32> -> vector<4x64x128xf32>
    %slice3A_1891 = vector.extract_strided_slice %select_n3A_1887 {offsets = [0, 62, 0], sizes = [4, 2, 128], strides = [1, 1, 1]} : vector<4x64x128xf32> to vector<4x2x128xf32>
    %slice3A_1892 = vector.extract_strided_slice %select_n3A_1887 {offsets = [0, 0, 0], sizes = [4, 62, 128], strides = [1, 1, 1]} : vector<4x64x128xf32> to vector<4x62x128xf32>
    %concatenate3A_1893 = tpu.concatenate %slice3A_1891, %slice3A_1892 in 1 : vector<4x2x128xf32>, vector<4x62x128xf32> -> vector<4x64x128xf32>
    %and3A_1894 = arith.constant 256 : i32
    %and3A_1895 = vector.broadcast %and3A_1894 : i32 to vector<1x64x128xi32>
    %and3A_1896 = arith.andi %add3A, %and3A_1895 : vector<1x64x128xi32>
    %eq3A_1897 = arith.constant 0 : i32
    %eq3A_1898 = vector.broadcast %eq3A_1897 : i32 to vector<1x64x128xi32>
    %eq3A_1899 = arith.cmpi eq, %and3A_1896, %eq3A_1898 : vector<1x64x128xi32>
    %and3A_1900 = arith.constant 4096 : i32
    %and3A_1901 = vector.broadcast %and3A_1900 : i32 to vector<1x64x128xi32>
    %and3A_1902 = arith.andi %add3A, %and3A_1901 : vector<1x64x128xi32>
    %eq3A_1903 = arith.constant 0 : i32
    %eq3A_1904 = vector.broadcast %eq3A_1903 : i32 to vector<1x64x128xi32>
    %eq3A_1905 = arith.cmpi eq, %and3A_1902, %eq3A_1904 : vector<1x64x128xi32>
    %broadcast_in_dim3A_1906 = vector.shape_cast %eq3A_1899 : vector<1x64x128xi1> to vector<1x64x128xi1>
    %broadcast_in_dim3A_1907 = vector.broadcast %broadcast_in_dim3A_1906 : vector<1x64x128xi1> to vector<4x64x128xi1>
    %select_n3A_1908 = arith.select %broadcast_in_dim3A_1907, %concatenate3A_1890, %concatenate3A_1893 : vector<4x64x128xi1>, vector<4x64x128xf32>
    %eq3A_1909 = arith.xori %eq3A_1905, %eq3A_1899 : vector<1x64x128xi1>
    %eq3A_1910 = arith.constant dense<true> : vector<1x64x128xi1>
    %eq3A_1911 = arith.xori %eq3A_1909, %eq3A_1910 : vector<1x64x128xi1>
    %min3A_1912 = arith.minimumf %select_n3A_1887, %select_n3A_1908 : vector<4x64x128xf32>
    %max3A_1913 = arith.maximumf %select_n3A_1887, %select_n3A_1908 : vector<4x64x128xf32>
    %broadcast_in_dim3A_1914 = vector.shape_cast %eq3A_1911 : vector<1x64x128xi1> to vector<1x64x128xi1>
    %broadcast_in_dim3A_1915 = vector.broadcast %broadcast_in_dim3A_1914 : vector<1x64x128xi1> to vector<4x64x128xi1>
    %select_n3A_1916 = arith.select %broadcast_in_dim3A_1915, %min3A_1912, %max3A_1913 : vector<4x64x128xi1>, vector<4x64x128xf32>
    %slice3A_1917 = vector.extract_strided_slice %select_n3A_1916 {offsets = [0, 1, 0], sizes = [4, 63, 128], strides = [1, 1, 1]} : vector<4x64x128xf32> to vector<4x63x128xf32>
    %slice3A_1918 = vector.extract_strided_slice %select_n3A_1916 {offsets = [0, 0, 0], sizes = [4, 1, 128], strides = [1, 1, 1]} : vector<4x64x128xf32> to vector<4x1x128xf32>
    %concatenate3A_1919 = tpu.concatenate %slice3A_1917, %slice3A_1918 in 1 : vector<4x63x128xf32>, vector<4x1x128xf32> -> vector<4x64x128xf32>
    %slice3A_1920 = vector.extract_strided_slice %select_n3A_1916 {offsets = [0, 63, 0], sizes = [4, 1, 128], strides = [1, 1, 1]} : vector<4x64x128xf32> to vector<4x1x128xf32>
    %slice3A_1921 = vector.extract_strided_slice %select_n3A_1916 {offsets = [0, 0, 0], sizes = [4, 63, 128], strides = [1, 1, 1]} : vector<4x64x128xf32> to vector<4x63x128xf32>
    %concatenate3A_1922 = tpu.concatenate %slice3A_1920, %slice3A_1921 in 1 : vector<4x1x128xf32>, vector<4x63x128xf32> -> vector<4x64x128xf32>
    %and3A_1923 = arith.constant 128 : i32
    %and3A_1924 = vector.broadcast %and3A_1923 : i32 to vector<1x64x128xi32>
    %and3A_1925 = arith.andi %add3A, %and3A_1924 : vector<1x64x128xi32>
    %eq3A_1926 = arith.constant 0 : i32
    %eq3A_1927 = vector.broadcast %eq3A_1926 : i32 to vector<1x64x128xi32>
    %eq3A_1928 = arith.cmpi eq, %and3A_1925, %eq3A_1927 : vector<1x64x128xi32>
    %and3A_1929 = arith.constant 4096 : i32
    %and3A_1930 = vector.broadcast %and3A_1929 : i32 to vector<1x64x128xi32>
    %and3A_1931 = arith.andi %add3A, %and3A_1930 : vector<1x64x128xi32>
    %eq3A_1932 = arith.constant 0 : i32
    %eq3A_1933 = vector.broadcast %eq3A_1932 : i32 to vector<1x64x128xi32>
    %eq3A_1934 = arith.cmpi eq, %and3A_1931, %eq3A_1933 : vector<1x64x128xi32>
    %broadcast_in_dim3A_1935 = vector.shape_cast %eq3A_1928 : vector<1x64x128xi1> to vector<1x64x128xi1>
    %broadcast_in_dim3A_1936 = vector.broadcast %broadcast_in_dim3A_1935 : vector<1x64x128xi1> to vector<4x64x128xi1>
    %select_n3A_1937 = arith.select %broadcast_in_dim3A_1936, %concatenate3A_1919, %concatenate3A_1922 : vector<4x64x128xi1>, vector<4x64x128xf32>
    %eq3A_1938 = arith.xori %eq3A_1934, %eq3A_1928 : vector<1x64x128xi1>
    %eq3A_1939 = arith.constant dense<true> : vector<1x64x128xi1>
    %eq3A_1940 = arith.xori %eq3A_1938, %eq3A_1939 : vector<1x64x128xi1>
    %min3A_1941 = arith.minimumf %select_n3A_1916, %select_n3A_1937 : vector<4x64x128xf32>
    %max3A_1942 = arith.maximumf %select_n3A_1916, %select_n3A_1937 : vector<4x64x128xf32>
    %broadcast_in_dim3A_1943 = vector.shape_cast %eq3A_1940 : vector<1x64x128xi1> to vector<1x64x128xi1>
    %broadcast_in_dim3A_1944 = vector.broadcast %broadcast_in_dim3A_1943 : vector<1x64x128xi1> to vector<4x64x128xi1>
    %select_n3A_1945 = arith.select %broadcast_in_dim3A_1944, %min3A_1941, %max3A_1942 : vector<4x64x128xi1>, vector<4x64x128xf32>
    %roll3A_1946 = arith.constant 64 : i32
    %roll3A_1947 = tpu.dynamic_rotate %select_n3A_1945 by %roll3A_1946 dim 2 : vector<4x64x128xf32>, i32 -> vector<4x64x128xf32>
    %roll3A_1948 = arith.constant 64 : i32
    %roll3A_1949 = tpu.dynamic_rotate %select_n3A_1945 by %roll3A_1948 dim 2 : vector<4x64x128xf32>, i32 -> vector<4x64x128xf32>
    %and3A_1950 = arith.constant 64 : i32
    %and3A_1951 = vector.broadcast %and3A_1950 : i32 to vector<1x64x128xi32>
    %and3A_1952 = arith.andi %add3A, %and3A_1951 : vector<1x64x128xi32>
    %eq3A_1953 = arith.constant 0 : i32
    %eq3A_1954 = vector.broadcast %eq3A_1953 : i32 to vector<1x64x128xi32>
    %eq3A_1955 = arith.cmpi eq, %and3A_1952, %eq3A_1954 : vector<1x64x128xi32>
    %and3A_1956 = arith.constant 4096 : i32
    %and3A_1957 = vector.broadcast %and3A_1956 : i32 to vector<1x64x128xi32>
    %and3A_1958 = arith.andi %add3A, %and3A_1957 : vector<1x64x128xi32>
    %eq3A_1959 = arith.constant 0 : i32
    %eq3A_1960 = vector.broadcast %eq3A_1959 : i32 to vector<1x64x128xi32>
    %eq3A_1961 = arith.cmpi eq, %and3A_1958, %eq3A_1960 : vector<1x64x128xi32>
    %broadcast_in_dim3A_1962 = vector.shape_cast %eq3A_1955 : vector<1x64x128xi1> to vector<1x64x128xi1>
    %broadcast_in_dim3A_1963 = vector.broadcast %broadcast_in_dim3A_1962 : vector<1x64x128xi1> to vector<4x64x128xi1>
    %select_n3A_1964 = arith.select %broadcast_in_dim3A_1963, %roll3A_1947, %roll3A_1949 : vector<4x64x128xi1>, vector<4x64x128xf32>
    %eq3A_1965 = arith.xori %eq3A_1961, %eq3A_1955 : vector<1x64x128xi1>
    %eq3A_1966 = arith.constant dense<true> : vector<1x64x128xi1>
    %eq3A_1967 = arith.xori %eq3A_1965, %eq3A_1966 : vector<1x64x128xi1>
    %min3A_1968 = arith.minimumf %select_n3A_1945, %select_n3A_1964 : vector<4x64x128xf32>
    %max3A_1969 = arith.maximumf %select_n3A_1945, %select_n3A_1964 : vector<4x64x128xf32>
    %broadcast_in_dim3A_1970 = vector.shape_cast %eq3A_1967 : vector<1x64x128xi1> to vector<1x64x128xi1>
    %broadcast_in_dim3A_1971 = vector.broadcast %broadcast_in_dim3A_1970 : vector<1x64x128xi1> to vector<4x64x128xi1>
    %select_n3A_1972 = arith.select %broadcast_in_dim3A_1971, %min3A_1968, %max3A_1969 : vector<4x64x128xi1>, vector<4x64x128xf32>
    %roll3A_1973 = arith.constant 96 : i32
    %roll3A_1974 = tpu.dynamic_rotate %select_n3A_1972 by %roll3A_1973 dim 2 : vector<4x64x128xf32>, i32 -> vector<4x64x128xf32>
    %roll3A_1975 = arith.constant 32 : i32
    %roll3A_1976 = tpu.dynamic_rotate %select_n3A_1972 by %roll3A_1975 dim 2 : vector<4x64x128xf32>, i32 -> vector<4x64x128xf32>
    %and3A_1977 = arith.constant 32 : i32
    %and3A_1978 = vector.broadcast %and3A_1977 : i32 to vector<1x64x128xi32>
    %and3A_1979 = arith.andi %add3A, %and3A_1978 : vector<1x64x128xi32>
    %eq3A_1980 = arith.constant 0 : i32
    %eq3A_1981 = vector.broadcast %eq3A_1980 : i32 to vector<1x64x128xi32>
    %eq3A_1982 = arith.cmpi eq, %and3A_1979, %eq3A_1981 : vector<1x64x128xi32>
    %and3A_1983 = arith.constant 4096 : i32
    %and3A_1984 = vector.broadcast %and3A_1983 : i32 to vector<1x64x128xi32>
    %and3A_1985 = arith.andi %add3A, %and3A_1984 : vector<1x64x128xi32>
    %eq3A_1986 = arith.constant 0 : i32
    %eq3A_1987 = vector.broadcast %eq3A_1986 : i32 to vector<1x64x128xi32>
    %eq3A_1988 = arith.cmpi eq, %and3A_1985, %eq3A_1987 : vector<1x64x128xi32>
    %broadcast_in_dim3A_1989 = vector.shape_cast %eq3A_1982 : vector<1x64x128xi1> to vector<1x64x128xi1>
    %broadcast_in_dim3A_1990 = vector.broadcast %broadcast_in_dim3A_1989 : vector<1x64x128xi1> to vector<4x64x128xi1>
    %select_n3A_1991 = arith.select %broadcast_in_dim3A_1990, %roll3A_1974, %roll3A_1976 : vector<4x64x128xi1>, vector<4x64x128xf32>
    %eq3A_1992 = arith.xori %eq3A_1988, %eq3A_1982 : vector<1x64x128xi1>
    %eq3A_1993 = arith.constant dense<true> : vector<1x64x128xi1>
    %eq3A_1994 = arith.xori %eq3A_1992, %eq3A_1993 : vector<1x64x128xi1>
    %min3A_1995 = arith.minimumf %select_n3A_1972, %select_n3A_1991 : vector<4x64x128xf32>
    %max3A_1996 = arith.maximumf %select_n3A_1972, %select_n3A_1991 : vector<4x64x128xf32>
    %broadcast_in_dim3A_1997 = vector.shape_cast %eq3A_1994 : vector<1x64x128xi1> to vector<1x64x128xi1>
    %broadcast_in_dim3A_1998 = vector.broadcast %broadcast_in_dim3A_1997 : vector<1x64x128xi1> to vector<4x64x128xi1>
    %select_n3A_1999 = arith.select %broadcast_in_dim3A_1998, %min3A_1995, %max3A_1996 : vector<4x64x128xi1>, vector<4x64x128xf32>
    %roll3A_2000 = arith.constant 112 : i32
    %roll3A_2001 = tpu.dynamic_rotate %select_n3A_1999 by %roll3A_2000 dim 2 : vector<4x64x128xf32>, i32 -> vector<4x64x128xf32>
    %roll3A_2002 = arith.constant 16 : i32
    %roll3A_2003 = tpu.dynamic_rotate %select_n3A_1999 by %roll3A_2002 dim 2 : vector<4x64x128xf32>, i32 -> vector<4x64x128xf32>
    %and3A_2004 = arith.constant 16 : i32
    %and3A_2005 = vector.broadcast %and3A_2004 : i32 to vector<1x64x128xi32>
    %and3A_2006 = arith.andi %add3A, %and3A_2005 : vector<1x64x128xi32>
    %eq3A_2007 = arith.constant 0 : i32
    %eq3A_2008 = vector.broadcast %eq3A_2007 : i32 to vector<1x64x128xi32>
    %eq3A_2009 = arith.cmpi eq, %and3A_2006, %eq3A_2008 : vector<1x64x128xi32>
    %and3A_2010 = arith.constant 4096 : i32
    %and3A_2011 = vector.broadcast %and3A_2010 : i32 to vector<1x64x128xi32>
    %and3A_2012 = arith.andi %add3A, %and3A_2011 : vector<1x64x128xi32>
    %eq3A_2013 = arith.constant 0 : i32
    %eq3A_2014 = vector.broadcast %eq3A_2013 : i32 to vector<1x64x128xi32>
    %eq3A_2015 = arith.cmpi eq, %and3A_2012, %eq3A_2014 : vector<1x64x128xi32>
    %broadcast_in_dim3A_2016 = vector.shape_cast %eq3A_2009 : vector<1x64x128xi1> to vector<1x64x128xi1>
    %broadcast_in_dim3A_2017 = vector.broadcast %broadcast_in_dim3A_2016 : vector<1x64x128xi1> to vector<4x64x128xi1>
    %select_n3A_2018 = arith.select %broadcast_in_dim3A_2017, %roll3A_2001, %roll3A_2003 : vector<4x64x128xi1>, vector<4x64x128xf32>
    %eq3A_2019 = arith.xori %eq3A_2015, %eq3A_2009 : vector<1x64x128xi1>
    %eq3A_2020 = arith.constant dense<true> : vector<1x64x128xi1>
    %eq3A_2021 = arith.xori %eq3A_2019, %eq3A_2020 : vector<1x64x128xi1>
    %min3A_2022 = arith.minimumf %select_n3A_1999, %select_n3A_2018 : vector<4x64x128xf32>
    %max3A_2023 = arith.maximumf %select_n3A_1999, %select_n3A_2018 : vector<4x64x128xf32>
    %broadcast_in_dim3A_2024 = vector.shape_cast %eq3A_2021 : vector<1x64x128xi1> to vector<1x64x128xi1>
    %broadcast_in_dim3A_2025 = vector.broadcast %broadcast_in_dim3A_2024 : vector<1x64x128xi1> to vector<4x64x128xi1>
    %select_n3A_2026 = arith.select %broadcast_in_dim3A_2025, %min3A_2022, %max3A_2023 : vector<4x64x128xi1>, vector<4x64x128xf32>
    %roll3A_2027 = arith.constant 120 : i32
    %roll3A_2028 = tpu.dynamic_rotate %select_n3A_2026 by %roll3A_2027 dim 2 : vector<4x64x128xf32>, i32 -> vector<4x64x128xf32>
    %roll3A_2029 = arith.constant 8 : i32
    %roll3A_2030 = tpu.dynamic_rotate %select_n3A_2026 by %roll3A_2029 dim 2 : vector<4x64x128xf32>, i32 -> vector<4x64x128xf32>
    %and3A_2031 = arith.constant 8 : i32
    %and3A_2032 = vector.broadcast %and3A_2031 : i32 to vector<1x64x128xi32>
    %and3A_2033 = arith.andi %add3A, %and3A_2032 : vector<1x64x128xi32>
    %eq3A_2034 = arith.constant 0 : i32
    %eq3A_2035 = vector.broadcast %eq3A_2034 : i32 to vector<1x64x128xi32>
    %eq3A_2036 = arith.cmpi eq, %and3A_2033, %eq3A_2035 : vector<1x64x128xi32>
    %and3A_2037 = arith.constant 4096 : i32
    %and3A_2038 = vector.broadcast %and3A_2037 : i32 to vector<1x64x128xi32>
    %and3A_2039 = arith.andi %add3A, %and3A_2038 : vector<1x64x128xi32>
    %eq3A_2040 = arith.constant 0 : i32
    %eq3A_2041 = vector.broadcast %eq3A_2040 : i32 to vector<1x64x128xi32>
    %eq3A_2042 = arith.cmpi eq, %and3A_2039, %eq3A_2041 : vector<1x64x128xi32>
    %broadcast_in_dim3A_2043 = vector.shape_cast %eq3A_2036 : vector<1x64x128xi1> to vector<1x64x128xi1>
    %broadcast_in_dim3A_2044 = vector.broadcast %broadcast_in_dim3A_2043 : vector<1x64x128xi1> to vector<4x64x128xi1>
    %select_n3A_2045 = arith.select %broadcast_in_dim3A_2044, %roll3A_2028, %roll3A_2030 : vector<4x64x128xi1>, vector<4x64x128xf32>
    %eq3A_2046 = arith.xori %eq3A_2042, %eq3A_2036 : vector<1x64x128xi1>
    %eq3A_2047 = arith.constant dense<true> : vector<1x64x128xi1>
    %eq3A_2048 = arith.xori %eq3A_2046, %eq3A_2047 : vector<1x64x128xi1>
    %min3A_2049 = arith.minimumf %select_n3A_2026, %select_n3A_2045 : vector<4x64x128xf32>
    %max3A_2050 = arith.maximumf %select_n3A_2026, %select_n3A_2045 : vector<4x64x128xf32>
    %broadcast_in_dim3A_2051 = vector.shape_cast %eq3A_2048 : vector<1x64x128xi1> to vector<1x64x128xi1>
    %broadcast_in_dim3A_2052 = vector.broadcast %broadcast_in_dim3A_2051 : vector<1x64x128xi1> to vector<4x64x128xi1>
    %select_n3A_2053 = arith.select %broadcast_in_dim3A_2052, %min3A_2049, %max3A_2050 : vector<4x64x128xi1>, vector<4x64x128xf32>
    %roll3A_2054 = arith.constant 124 : i32
    %roll3A_2055 = tpu.dynamic_rotate %select_n3A_2053 by %roll3A_2054 dim 2 : vector<4x64x128xf32>, i32 -> vector<4x64x128xf32>
    %roll3A_2056 = arith.constant 4 : i32
    %roll3A_2057 = tpu.dynamic_rotate %select_n3A_2053 by %roll3A_2056 dim 2 : vector<4x64x128xf32>, i32 -> vector<4x64x128xf32>
    %and3A_2058 = arith.constant 4 : i32
    %and3A_2059 = vector.broadcast %and3A_2058 : i32 to vector<1x64x128xi32>
    %and3A_2060 = arith.andi %add3A, %and3A_2059 : vector<1x64x128xi32>
    %eq3A_2061 = arith.constant 0 : i32
    %eq3A_2062 = vector.broadcast %eq3A_2061 : i32 to vector<1x64x128xi32>
    %eq3A_2063 = arith.cmpi eq, %and3A_2060, %eq3A_2062 : vector<1x64x128xi32>
    %and3A_2064 = arith.constant 4096 : i32
    %and3A_2065 = vector.broadcast %and3A_2064 : i32 to vector<1x64x128xi32>
    %and3A_2066 = arith.andi %add3A, %and3A_2065 : vector<1x64x128xi32>
    %eq3A_2067 = arith.constant 0 : i32
    %eq3A_2068 = vector.broadcast %eq3A_2067 : i32 to vector<1x64x128xi32>
    %eq3A_2069 = arith.cmpi eq, %and3A_2066, %eq3A_2068 : vector<1x64x128xi32>
    %broadcast_in_dim3A_2070 = vector.shape_cast %eq3A_2063 : vector<1x64x128xi1> to vector<1x64x128xi1>
    %broadcast_in_dim3A_2071 = vector.broadcast %broadcast_in_dim3A_2070 : vector<1x64x128xi1> to vector<4x64x128xi1>
    %select_n3A_2072 = arith.select %broadcast_in_dim3A_2071, %roll3A_2055, %roll3A_2057 : vector<4x64x128xi1>, vector<4x64x128xf32>
    %eq3A_2073 = arith.xori %eq3A_2069, %eq3A_2063 : vector<1x64x128xi1>
    %eq3A_2074 = arith.constant dense<true> : vector<1x64x128xi1>
    %eq3A_2075 = arith.xori %eq3A_2073, %eq3A_2074 : vector<1x64x128xi1>
    %min3A_2076 = arith.minimumf %select_n3A_2053, %select_n3A_2072 : vector<4x64x128xf32>
    %max3A_2077 = arith.maximumf %select_n3A_2053, %select_n3A_2072 : vector<4x64x128xf32>
    %broadcast_in_dim3A_2078 = vector.shape_cast %eq3A_2075 : vector<1x64x128xi1> to vector<1x64x128xi1>
    %broadcast_in_dim3A_2079 = vector.broadcast %broadcast_in_dim3A_2078 : vector<1x64x128xi1> to vector<4x64x128xi1>
    %select_n3A_2080 = arith.select %broadcast_in_dim3A_2079, %min3A_2076, %max3A_2077 : vector<4x64x128xi1>, vector<4x64x128xf32>
    %roll3A_2081 = arith.constant 126 : i32
    %roll3A_2082 = tpu.dynamic_rotate %select_n3A_2080 by %roll3A_2081 dim 2 : vector<4x64x128xf32>, i32 -> vector<4x64x128xf32>
    %roll3A_2083 = arith.constant 2 : i32
    %roll3A_2084 = tpu.dynamic_rotate %select_n3A_2080 by %roll3A_2083 dim 2 : vector<4x64x128xf32>, i32 -> vector<4x64x128xf32>
    %and3A_2085 = arith.constant 2 : i32
    %and3A_2086 = vector.broadcast %and3A_2085 : i32 to vector<1x64x128xi32>
    %and3A_2087 = arith.andi %add3A, %and3A_2086 : vector<1x64x128xi32>
    %eq3A_2088 = arith.constant 0 : i32
    %eq3A_2089 = vector.broadcast %eq3A_2088 : i32 to vector<1x64x128xi32>
    %eq3A_2090 = arith.cmpi eq, %and3A_2087, %eq3A_2089 : vector<1x64x128xi32>
    %and3A_2091 = arith.constant 4096 : i32
    %and3A_2092 = vector.broadcast %and3A_2091 : i32 to vector<1x64x128xi32>
    %and3A_2093 = arith.andi %add3A, %and3A_2092 : vector<1x64x128xi32>
    %eq3A_2094 = arith.constant 0 : i32
    %eq3A_2095 = vector.broadcast %eq3A_2094 : i32 to vector<1x64x128xi32>
    %eq3A_2096 = arith.cmpi eq, %and3A_2093, %eq3A_2095 : vector<1x64x128xi32>
    %broadcast_in_dim3A_2097 = vector.shape_cast %eq3A_2090 : vector<1x64x128xi1> to vector<1x64x128xi1>
    %broadcast_in_dim3A_2098 = vector.broadcast %broadcast_in_dim3A_2097 : vector<1x64x128xi1> to vector<4x64x128xi1>
    %select_n3A_2099 = arith.select %broadcast_in_dim3A_2098, %roll3A_2082, %roll3A_2084 : vector<4x64x128xi1>, vector<4x64x128xf32>
    %eq3A_2100 = arith.xori %eq3A_2096, %eq3A_2090 : vector<1x64x128xi1>
    %eq3A_2101 = arith.constant dense<true> : vector<1x64x128xi1>
    %eq3A_2102 = arith.xori %eq3A_2100, %eq3A_2101 : vector<1x64x128xi1>
    %min3A_2103 = arith.minimumf %select_n3A_2080, %select_n3A_2099 : vector<4x64x128xf32>
    %max3A_2104 = arith.maximumf %select_n3A_2080, %select_n3A_2099 : vector<4x64x128xf32>
    %broadcast_in_dim3A_2105 = vector.shape_cast %eq3A_2102 : vector<1x64x128xi1> to vector<1x64x128xi1>
    %broadcast_in_dim3A_2106 = vector.broadcast %broadcast_in_dim3A_2105 : vector<1x64x128xi1> to vector<4x64x128xi1>
    %select_n3A_2107 = arith.select %broadcast_in_dim3A_2106, %min3A_2103, %max3A_2104 : vector<4x64x128xi1>, vector<4x64x128xf32>
    %roll3A_2108 = arith.constant 127 : i32
    %roll3A_2109 = tpu.dynamic_rotate %select_n3A_2107 by %roll3A_2108 dim 2 : vector<4x64x128xf32>, i32 -> vector<4x64x128xf32>
    %roll3A_2110 = arith.constant 1 : i32
    %roll3A_2111 = tpu.dynamic_rotate %select_n3A_2107 by %roll3A_2110 dim 2 : vector<4x64x128xf32>, i32 -> vector<4x64x128xf32>
    %and3A_2112 = arith.constant 1 : i32
    %and3A_2113 = vector.broadcast %and3A_2112 : i32 to vector<1x64x128xi32>
    %and3A_2114 = arith.andi %add3A, %and3A_2113 : vector<1x64x128xi32>
    %eq3A_2115 = arith.constant 0 : i32
    %eq3A_2116 = vector.broadcast %eq3A_2115 : i32 to vector<1x64x128xi32>
    %eq3A_2117 = arith.cmpi eq, %and3A_2114, %eq3A_2116 : vector<1x64x128xi32>
    %and3A_2118 = arith.constant 4096 : i32
    %and3A_2119 = vector.broadcast %and3A_2118 : i32 to vector<1x64x128xi32>
    %and3A_2120 = arith.andi %add3A, %and3A_2119 : vector<1x64x128xi32>
    %eq3A_2121 = arith.constant 0 : i32
    %eq3A_2122 = vector.broadcast %eq3A_2121 : i32 to vector<1x64x128xi32>
    %eq3A_2123 = arith.cmpi eq, %and3A_2120, %eq3A_2122 : vector<1x64x128xi32>
    %broadcast_in_dim3A_2124 = vector.shape_cast %eq3A_2117 : vector<1x64x128xi1> to vector<1x64x128xi1>
    %broadcast_in_dim3A_2125 = vector.broadcast %broadcast_in_dim3A_2124 : vector<1x64x128xi1> to vector<4x64x128xi1>
    %select_n3A_2126 = arith.select %broadcast_in_dim3A_2125, %roll3A_2109, %roll3A_2111 : vector<4x64x128xi1>, vector<4x64x128xf32>
    %eq3A_2127 = arith.xori %eq3A_2123, %eq3A_2117 : vector<1x64x128xi1>
    %eq3A_2128 = arith.constant dense<true> : vector<1x64x128xi1>
    %eq3A_2129 = arith.xori %eq3A_2127, %eq3A_2128 : vector<1x64x128xi1>
    %min3A_2130 = arith.minimumf %select_n3A_2107, %select_n3A_2126 : vector<4x64x128xf32>
    %max3A_2131 = arith.maximumf %select_n3A_2107, %select_n3A_2126 : vector<4x64x128xf32>
    %broadcast_in_dim3A_2132 = vector.shape_cast %eq3A_2129 : vector<1x64x128xi1> to vector<1x64x128xi1>
    %broadcast_in_dim3A_2133 = vector.broadcast %broadcast_in_dim3A_2132 : vector<1x64x128xi1> to vector<4x64x128xi1>
    %select_n3A_2134 = arith.select %broadcast_in_dim3A_2133, %min3A_2130, %max3A_2131 : vector<4x64x128xi1>, vector<4x64x128xf32>
    %slice3A_2135 = vector.extract_strided_slice %select_n3A_2134 {offsets = [0, 32, 0], sizes = [4, 32, 128], strides = [1, 1, 1]} : vector<4x64x128xf32> to vector<4x32x128xf32>
    %slice3A_2136 = vector.extract_strided_slice %select_n3A_2134 {offsets = [0, 0, 0], sizes = [4, 32, 128], strides = [1, 1, 1]} : vector<4x64x128xf32> to vector<4x32x128xf32>
    %concatenate3A_2137 = tpu.concatenate %slice3A_2135, %slice3A_2136 in 1 : vector<4x32x128xf32>, vector<4x32x128xf32> -> vector<4x64x128xf32>
    %slice3A_2138 = vector.extract_strided_slice %select_n3A_2134 {offsets = [0, 32, 0], sizes = [4, 32, 128], strides = [1, 1, 1]} : vector<4x64x128xf32> to vector<4x32x128xf32>
    %slice3A_2139 = vector.extract_strided_slice %select_n3A_2134 {offsets = [0, 0, 0], sizes = [4, 32, 128], strides = [1, 1, 1]} : vector<4x64x128xf32> to vector<4x32x128xf32>
    %concatenate3A_2140 = tpu.concatenate %slice3A_2138, %slice3A_2139 in 1 : vector<4x32x128xf32>, vector<4x32x128xf32> -> vector<4x64x128xf32>
    %and3A_2141 = arith.constant 4096 : i32
    %and3A_2142 = vector.broadcast %and3A_2141 : i32 to vector<1x64x128xi32>
    %and3A_2143 = arith.andi %add3A, %and3A_2142 : vector<1x64x128xi32>
    %eq3A_2144 = arith.constant 0 : i32
    %eq3A_2145 = vector.broadcast %eq3A_2144 : i32 to vector<1x64x128xi32>
    %eq3A_2146 = arith.cmpi eq, %and3A_2143, %eq3A_2145 : vector<1x64x128xi32>
    %and3A_2147 = arith.constant 8192 : i32
    %and3A_2148 = vector.broadcast %and3A_2147 : i32 to vector<1x64x128xi32>
    %and3A_2149 = arith.andi %add3A, %and3A_2148 : vector<1x64x128xi32>
    %eq3A_2150 = arith.constant 0 : i32
    %eq3A_2151 = vector.broadcast %eq3A_2150 : i32 to vector<1x64x128xi32>
    %eq3A_2152 = arith.cmpi eq, %and3A_2149, %eq3A_2151 : vector<1x64x128xi32>
    %broadcast_in_dim3A_2153 = vector.shape_cast %eq3A_2146 : vector<1x64x128xi1> to vector<1x64x128xi1>
    %broadcast_in_dim3A_2154 = vector.broadcast %broadcast_in_dim3A_2153 : vector<1x64x128xi1> to vector<4x64x128xi1>
    %select_n3A_2155 = arith.select %broadcast_in_dim3A_2154, %concatenate3A_2137, %concatenate3A_2140 : vector<4x64x128xi1>, vector<4x64x128xf32>
    %eq3A_2156 = arith.xori %eq3A_2152, %eq3A_2146 : vector<1x64x128xi1>
    %eq3A_2157 = arith.constant dense<true> : vector<1x64x128xi1>
    %eq3A_2158 = arith.xori %eq3A_2156, %eq3A_2157 : vector<1x64x128xi1>
    %min3A_2159 = arith.minimumf %select_n3A_2134, %select_n3A_2155 : vector<4x64x128xf32>
    %max3A_2160 = arith.maximumf %select_n3A_2134, %select_n3A_2155 : vector<4x64x128xf32>
    %broadcast_in_dim3A_2161 = vector.shape_cast %eq3A_2158 : vector<1x64x128xi1> to vector<1x64x128xi1>
    %broadcast_in_dim3A_2162 = vector.broadcast %broadcast_in_dim3A_2161 : vector<1x64x128xi1> to vector<4x64x128xi1>
    %select_n3A_2163 = arith.select %broadcast_in_dim3A_2162, %min3A_2159, %max3A_2160 : vector<4x64x128xi1>, vector<4x64x128xf32>
    %slice3A_2164 = vector.extract_strided_slice %select_n3A_2163 {offsets = [0, 16, 0], sizes = [4, 48, 128], strides = [1, 1, 1]} : vector<4x64x128xf32> to vector<4x48x128xf32>
    %slice3A_2165 = vector.extract_strided_slice %select_n3A_2163 {offsets = [0, 0, 0], sizes = [4, 16, 128], strides = [1, 1, 1]} : vector<4x64x128xf32> to vector<4x16x128xf32>
    %concatenate3A_2166 = tpu.concatenate %slice3A_2164, %slice3A_2165 in 1 : vector<4x48x128xf32>, vector<4x16x128xf32> -> vector<4x64x128xf32>
    %slice3A_2167 = vector.extract_strided_slice %select_n3A_2163 {offsets = [0, 48, 0], sizes = [4, 16, 128], strides = [1, 1, 1]} : vector<4x64x128xf32> to vector<4x16x128xf32>
    %slice3A_2168 = vector.extract_strided_slice %select_n3A_2163 {offsets = [0, 0, 0], sizes = [4, 48, 128], strides = [1, 1, 1]} : vector<4x64x128xf32> to vector<4x48x128xf32>
    %concatenate3A_2169 = tpu.concatenate %slice3A_2167, %slice3A_2168 in 1 : vector<4x16x128xf32>, vector<4x48x128xf32> -> vector<4x64x128xf32>
    %and3A_2170 = arith.constant 2048 : i32
    %and3A_2171 = vector.broadcast %and3A_2170 : i32 to vector<1x64x128xi32>
    %and3A_2172 = arith.andi %add3A, %and3A_2171 : vector<1x64x128xi32>
    %eq3A_2173 = arith.constant 0 : i32
    %eq3A_2174 = vector.broadcast %eq3A_2173 : i32 to vector<1x64x128xi32>
    %eq3A_2175 = arith.cmpi eq, %and3A_2172, %eq3A_2174 : vector<1x64x128xi32>
    %and3A_2176 = arith.constant 8192 : i32
    %and3A_2177 = vector.broadcast %and3A_2176 : i32 to vector<1x64x128xi32>
    %and3A_2178 = arith.andi %add3A, %and3A_2177 : vector<1x64x128xi32>
    %eq3A_2179 = arith.constant 0 : i32
    %eq3A_2180 = vector.broadcast %eq3A_2179 : i32 to vector<1x64x128xi32>
    %eq3A_2181 = arith.cmpi eq, %and3A_2178, %eq3A_2180 : vector<1x64x128xi32>
    %broadcast_in_dim3A_2182 = vector.shape_cast %eq3A_2175 : vector<1x64x128xi1> to vector<1x64x128xi1>
    %broadcast_in_dim3A_2183 = vector.broadcast %broadcast_in_dim3A_2182 : vector<1x64x128xi1> to vector<4x64x128xi1>
    %select_n3A_2184 = arith.select %broadcast_in_dim3A_2183, %concatenate3A_2166, %concatenate3A_2169 : vector<4x64x128xi1>, vector<4x64x128xf32>
    %eq3A_2185 = arith.xori %eq3A_2181, %eq3A_2175 : vector<1x64x128xi1>
    %eq3A_2186 = arith.constant dense<true> : vector<1x64x128xi1>
    %eq3A_2187 = arith.xori %eq3A_2185, %eq3A_2186 : vector<1x64x128xi1>
    %min3A_2188 = arith.minimumf %select_n3A_2163, %select_n3A_2184 : vector<4x64x128xf32>
    %max3A_2189 = arith.maximumf %select_n3A_2163, %select_n3A_2184 : vector<4x64x128xf32>
    %broadcast_in_dim3A_2190 = vector.shape_cast %eq3A_2187 : vector<1x64x128xi1> to vector<1x64x128xi1>
    %broadcast_in_dim3A_2191 = vector.broadcast %broadcast_in_dim3A_2190 : vector<1x64x128xi1> to vector<4x64x128xi1>
    %select_n3A_2192 = arith.select %broadcast_in_dim3A_2191, %min3A_2188, %max3A_2189 : vector<4x64x128xi1>, vector<4x64x128xf32>
    %slice3A_2193 = vector.extract_strided_slice %select_n3A_2192 {offsets = [0, 8, 0], sizes = [4, 56, 128], strides = [1, 1, 1]} : vector<4x64x128xf32> to vector<4x56x128xf32>
    %slice3A_2194 = vector.extract_strided_slice %select_n3A_2192 {offsets = [0, 0, 0], sizes = [4, 8, 128], strides = [1, 1, 1]} : vector<4x64x128xf32> to vector<4x8x128xf32>
    %concatenate3A_2195 = tpu.concatenate %slice3A_2193, %slice3A_2194 in 1 : vector<4x56x128xf32>, vector<4x8x128xf32> -> vector<4x64x128xf32>
    %slice3A_2196 = vector.extract_strided_slice %select_n3A_2192 {offsets = [0, 56, 0], sizes = [4, 8, 128], strides = [1, 1, 1]} : vector<4x64x128xf32> to vector<4x8x128xf32>
    %slice3A_2197 = vector.extract_strided_slice %select_n3A_2192 {offsets = [0, 0, 0], sizes = [4, 56, 128], strides = [1, 1, 1]} : vector<4x64x128xf32> to vector<4x56x128xf32>
    %concatenate3A_2198 = tpu.concatenate %slice3A_2196, %slice3A_2197 in 1 : vector<4x8x128xf32>, vector<4x56x128xf32> -> vector<4x64x128xf32>
    %and3A_2199 = arith.constant 1024 : i32
    %and3A_2200 = vector.broadcast %and3A_2199 : i32 to vector<1x64x128xi32>
    %and3A_2201 = arith.andi %add3A, %and3A_2200 : vector<1x64x128xi32>
    %eq3A_2202 = arith.constant 0 : i32
    %eq3A_2203 = vector.broadcast %eq3A_2202 : i32 to vector<1x64x128xi32>
    %eq3A_2204 = arith.cmpi eq, %and3A_2201, %eq3A_2203 : vector<1x64x128xi32>
    %and3A_2205 = arith.constant 8192 : i32
    %and3A_2206 = vector.broadcast %and3A_2205 : i32 to vector<1x64x128xi32>
    %and3A_2207 = arith.andi %add3A, %and3A_2206 : vector<1x64x128xi32>
    %eq3A_2208 = arith.constant 0 : i32
    %eq3A_2209 = vector.broadcast %eq3A_2208 : i32 to vector<1x64x128xi32>
    %eq3A_2210 = arith.cmpi eq, %and3A_2207, %eq3A_2209 : vector<1x64x128xi32>
    %broadcast_in_dim3A_2211 = vector.shape_cast %eq3A_2204 : vector<1x64x128xi1> to vector<1x64x128xi1>
    %broadcast_in_dim3A_2212 = vector.broadcast %broadcast_in_dim3A_2211 : vector<1x64x128xi1> to vector<4x64x128xi1>
    %select_n3A_2213 = arith.select %broadcast_in_dim3A_2212, %concatenate3A_2195, %concatenate3A_2198 : vector<4x64x128xi1>, vector<4x64x128xf32>
    %eq3A_2214 = arith.xori %eq3A_2210, %eq3A_2204 : vector<1x64x128xi1>
    %eq3A_2215 = arith.constant dense<true> : vector<1x64x128xi1>
    %eq3A_2216 = arith.xori %eq3A_2214, %eq3A_2215 : vector<1x64x128xi1>
    %min3A_2217 = arith.minimumf %select_n3A_2192, %select_n3A_2213 : vector<4x64x128xf32>
    %max3A_2218 = arith.maximumf %select_n3A_2192, %select_n3A_2213 : vector<4x64x128xf32>
    %broadcast_in_dim3A_2219 = vector.shape_cast %eq3A_2216 : vector<1x64x128xi1> to vector<1x64x128xi1>
    %broadcast_in_dim3A_2220 = vector.broadcast %broadcast_in_dim3A_2219 : vector<1x64x128xi1> to vector<4x64x128xi1>
    %select_n3A_2221 = arith.select %broadcast_in_dim3A_2220, %min3A_2217, %max3A_2218 : vector<4x64x128xi1>, vector<4x64x128xf32>
    %slice3A_2222 = vector.extract_strided_slice %select_n3A_2221 {offsets = [0, 4, 0], sizes = [4, 60, 128], strides = [1, 1, 1]} : vector<4x64x128xf32> to vector<4x60x128xf32>
    %slice3A_2223 = vector.extract_strided_slice %select_n3A_2221 {offsets = [0, 0, 0], sizes = [4, 4, 128], strides = [1, 1, 1]} : vector<4x64x128xf32> to vector<4x4x128xf32>
    %concatenate3A_2224 = tpu.concatenate %slice3A_2222, %slice3A_2223 in 1 : vector<4x60x128xf32>, vector<4x4x128xf32> -> vector<4x64x128xf32>
    %slice3A_2225 = vector.extract_strided_slice %select_n3A_2221 {offsets = [0, 60, 0], sizes = [4, 4, 128], strides = [1, 1, 1]} : vector<4x64x128xf32> to vector<4x4x128xf32>
    %slice3A_2226 = vector.extract_strided_slice %select_n3A_2221 {offsets = [0, 0, 0], sizes = [4, 60, 128], strides = [1, 1, 1]} : vector<4x64x128xf32> to vector<4x60x128xf32>
    %concatenate3A_2227 = tpu.concatenate %slice3A_2225, %slice3A_2226 in 1 : vector<4x4x128xf32>, vector<4x60x128xf32> -> vector<4x64x128xf32>
    %and3A_2228 = arith.constant 512 : i32
    %and3A_2229 = vector.broadcast %and3A_2228 : i32 to vector<1x64x128xi32>
    %and3A_2230 = arith.andi %add3A, %and3A_2229 : vector<1x64x128xi32>
    %eq3A_2231 = arith.constant 0 : i32
    %eq3A_2232 = vector.broadcast %eq3A_2231 : i32 to vector<1x64x128xi32>
    %eq3A_2233 = arith.cmpi eq, %and3A_2230, %eq3A_2232 : vector<1x64x128xi32>
    %and3A_2234 = arith.constant 8192 : i32
    %and3A_2235 = vector.broadcast %and3A_2234 : i32 to vector<1x64x128xi32>
    %and3A_2236 = arith.andi %add3A, %and3A_2235 : vector<1x64x128xi32>
    %eq3A_2237 = arith.constant 0 : i32
    %eq3A_2238 = vector.broadcast %eq3A_2237 : i32 to vector<1x64x128xi32>
    %eq3A_2239 = arith.cmpi eq, %and3A_2236, %eq3A_2238 : vector<1x64x128xi32>
    %broadcast_in_dim3A_2240 = vector.shape_cast %eq3A_2233 : vector<1x64x128xi1> to vector<1x64x128xi1>
    %broadcast_in_dim3A_2241 = vector.broadcast %broadcast_in_dim3A_2240 : vector<1x64x128xi1> to vector<4x64x128xi1>
    %select_n3A_2242 = arith.select %broadcast_in_dim3A_2241, %concatenate3A_2224, %concatenate3A_2227 : vector<4x64x128xi1>, vector<4x64x128xf32>
    %eq3A_2243 = arith.xori %eq3A_2239, %eq3A_2233 : vector<1x64x128xi1>
    %eq3A_2244 = arith.constant dense<true> : vector<1x64x128xi1>
    %eq3A_2245 = arith.xori %eq3A_2243, %eq3A_2244 : vector<1x64x128xi1>
    %min3A_2246 = arith.minimumf %select_n3A_2221, %select_n3A_2242 : vector<4x64x128xf32>
    %max3A_2247 = arith.maximumf %select_n3A_2221, %select_n3A_2242 : vector<4x64x128xf32>
    %broadcast_in_dim3A_2248 = vector.shape_cast %eq3A_2245 : vector<1x64x128xi1> to vector<1x64x128xi1>
    %broadcast_in_dim3A_2249 = vector.broadcast %broadcast_in_dim3A_2248 : vector<1x64x128xi1> to vector<4x64x128xi1>
    %select_n3A_2250 = arith.select %broadcast_in_dim3A_2249, %min3A_2246, %max3A_2247 : vector<4x64x128xi1>, vector<4x64x128xf32>
    %slice3A_2251 = vector.extract_strided_slice %select_n3A_2250 {offsets = [0, 2, 0], sizes = [4, 62, 128], strides = [1, 1, 1]} : vector<4x64x128xf32> to vector<4x62x128xf32>
    %slice3A_2252 = vector.extract_strided_slice %select_n3A_2250 {offsets = [0, 0, 0], sizes = [4, 2, 128], strides = [1, 1, 1]} : vector<4x64x128xf32> to vector<4x2x128xf32>
    %concatenate3A_2253 = tpu.concatenate %slice3A_2251, %slice3A_2252 in 1 : vector<4x62x128xf32>, vector<4x2x128xf32> -> vector<4x64x128xf32>
    %slice3A_2254 = vector.extract_strided_slice %select_n3A_2250 {offsets = [0, 62, 0], sizes = [4, 2, 128], strides = [1, 1, 1]} : vector<4x64x128xf32> to vector<4x2x128xf32>
    %slice3A_2255 = vector.extract_strided_slice %select_n3A_2250 {offsets = [0, 0, 0], sizes = [4, 62, 128], strides = [1, 1, 1]} : vector<4x64x128xf32> to vector<4x62x128xf32>
    %concatenate3A_2256 = tpu.concatenate %slice3A_2254, %slice3A_2255 in 1 : vector<4x2x128xf32>, vector<4x62x128xf32> -> vector<4x64x128xf32>
    %and3A_2257 = arith.constant 256 : i32
    %and3A_2258 = vector.broadcast %and3A_2257 : i32 to vector<1x64x128xi32>
    %and3A_2259 = arith.andi %add3A, %and3A_2258 : vector<1x64x128xi32>
    %eq3A_2260 = arith.constant 0 : i32
    %eq3A_2261 = vector.broadcast %eq3A_2260 : i32 to vector<1x64x128xi32>
    %eq3A_2262 = arith.cmpi eq, %and3A_2259, %eq3A_2261 : vector<1x64x128xi32>
    %and3A_2263 = arith.constant 8192 : i32
    %and3A_2264 = vector.broadcast %and3A_2263 : i32 to vector<1x64x128xi32>
    %and3A_2265 = arith.andi %add3A, %and3A_2264 : vector<1x64x128xi32>
    %eq3A_2266 = arith.constant 0 : i32
    %eq3A_2267 = vector.broadcast %eq3A_2266 : i32 to vector<1x64x128xi32>
    %eq3A_2268 = arith.cmpi eq, %and3A_2265, %eq3A_2267 : vector<1x64x128xi32>
    %broadcast_in_dim3A_2269 = vector.shape_cast %eq3A_2262 : vector<1x64x128xi1> to vector<1x64x128xi1>
    %broadcast_in_dim3A_2270 = vector.broadcast %broadcast_in_dim3A_2269 : vector<1x64x128xi1> to vector<4x64x128xi1>
    %select_n3A_2271 = arith.select %broadcast_in_dim3A_2270, %concatenate3A_2253, %concatenate3A_2256 : vector<4x64x128xi1>, vector<4x64x128xf32>
    %eq3A_2272 = arith.xori %eq3A_2268, %eq3A_2262 : vector<1x64x128xi1>
    %eq3A_2273 = arith.constant dense<true> : vector<1x64x128xi1>
    %eq3A_2274 = arith.xori %eq3A_2272, %eq3A_2273 : vector<1x64x128xi1>
    %min3A_2275 = arith.minimumf %select_n3A_2250, %select_n3A_2271 : vector<4x64x128xf32>
    %max3A_2276 = arith.maximumf %select_n3A_2250, %select_n3A_2271 : vector<4x64x128xf32>
    %broadcast_in_dim3A_2277 = vector.shape_cast %eq3A_2274 : vector<1x64x128xi1> to vector<1x64x128xi1>
    %broadcast_in_dim3A_2278 = vector.broadcast %broadcast_in_dim3A_2277 : vector<1x64x128xi1> to vector<4x64x128xi1>
    %select_n3A_2279 = arith.select %broadcast_in_dim3A_2278, %min3A_2275, %max3A_2276 : vector<4x64x128xi1>, vector<4x64x128xf32>
    %slice3A_2280 = vector.extract_strided_slice %select_n3A_2279 {offsets = [0, 1, 0], sizes = [4, 63, 128], strides = [1, 1, 1]} : vector<4x64x128xf32> to vector<4x63x128xf32>
    %slice3A_2281 = vector.extract_strided_slice %select_n3A_2279 {offsets = [0, 0, 0], sizes = [4, 1, 128], strides = [1, 1, 1]} : vector<4x64x128xf32> to vector<4x1x128xf32>
    %concatenate3A_2282 = tpu.concatenate %slice3A_2280, %slice3A_2281 in 1 : vector<4x63x128xf32>, vector<4x1x128xf32> -> vector<4x64x128xf32>
    %slice3A_2283 = vector.extract_strided_slice %select_n3A_2279 {offsets = [0, 63, 0], sizes = [4, 1, 128], strides = [1, 1, 1]} : vector<4x64x128xf32> to vector<4x1x128xf32>
    %slice3A_2284 = vector.extract_strided_slice %select_n3A_2279 {offsets = [0, 0, 0], sizes = [4, 63, 128], strides = [1, 1, 1]} : vector<4x64x128xf32> to vector<4x63x128xf32>
    %concatenate3A_2285 = tpu.concatenate %slice3A_2283, %slice3A_2284 in 1 : vector<4x1x128xf32>, vector<4x63x128xf32> -> vector<4x64x128xf32>
    %and3A_2286 = arith.constant 128 : i32
    %and3A_2287 = vector.broadcast %and3A_2286 : i32 to vector<1x64x128xi32>
    %and3A_2288 = arith.andi %add3A, %and3A_2287 : vector<1x64x128xi32>
    %eq3A_2289 = arith.constant 0 : i32
    %eq3A_2290 = vector.broadcast %eq3A_2289 : i32 to vector<1x64x128xi32>
    %eq3A_2291 = arith.cmpi eq, %and3A_2288, %eq3A_2290 : vector<1x64x128xi32>
    %and3A_2292 = arith.constant 8192 : i32
    %and3A_2293 = vector.broadcast %and3A_2292 : i32 to vector<1x64x128xi32>
    %and3A_2294 = arith.andi %add3A, %and3A_2293 : vector<1x64x128xi32>
    %eq3A_2295 = arith.constant 0 : i32
    %eq3A_2296 = vector.broadcast %eq3A_2295 : i32 to vector<1x64x128xi32>
    %eq3A_2297 = arith.cmpi eq, %and3A_2294, %eq3A_2296 : vector<1x64x128xi32>
    %broadcast_in_dim3A_2298 = vector.shape_cast %eq3A_2291 : vector<1x64x128xi1> to vector<1x64x128xi1>
    %broadcast_in_dim3A_2299 = vector.broadcast %broadcast_in_dim3A_2298 : vector<1x64x128xi1> to vector<4x64x128xi1>
    %select_n3A_2300 = arith.select %broadcast_in_dim3A_2299, %concatenate3A_2282, %concatenate3A_2285 : vector<4x64x128xi1>, vector<4x64x128xf32>
    %eq3A_2301 = arith.xori %eq3A_2297, %eq3A_2291 : vector<1x64x128xi1>
    %eq3A_2302 = arith.constant dense<true> : vector<1x64x128xi1>
    %eq3A_2303 = arith.xori %eq3A_2301, %eq3A_2302 : vector<1x64x128xi1>
    %min3A_2304 = arith.minimumf %select_n3A_2279, %select_n3A_2300 : vector<4x64x128xf32>
    %max3A_2305 = arith.maximumf %select_n3A_2279, %select_n3A_2300 : vector<4x64x128xf32>
    %broadcast_in_dim3A_2306 = vector.shape_cast %eq3A_2303 : vector<1x64x128xi1> to vector<1x64x128xi1>
    %broadcast_in_dim3A_2307 = vector.broadcast %broadcast_in_dim3A_2306 : vector<1x64x128xi1> to vector<4x64x128xi1>
    %select_n3A_2308 = arith.select %broadcast_in_dim3A_2307, %min3A_2304, %max3A_2305 : vector<4x64x128xi1>, vector<4x64x128xf32>
    %roll3A_2309 = arith.constant 64 : i32
    %roll3A_2310 = tpu.dynamic_rotate %select_n3A_2308 by %roll3A_2309 dim 2 : vector<4x64x128xf32>, i32 -> vector<4x64x128xf32>
    %roll3A_2311 = arith.constant 64 : i32
    %roll3A_2312 = tpu.dynamic_rotate %select_n3A_2308 by %roll3A_2311 dim 2 : vector<4x64x128xf32>, i32 -> vector<4x64x128xf32>
    %and3A_2313 = arith.constant 64 : i32
    %and3A_2314 = vector.broadcast %and3A_2313 : i32 to vector<1x64x128xi32>
    %and3A_2315 = arith.andi %add3A, %and3A_2314 : vector<1x64x128xi32>
    %eq3A_2316 = arith.constant 0 : i32
    %eq3A_2317 = vector.broadcast %eq3A_2316 : i32 to vector<1x64x128xi32>
    %eq3A_2318 = arith.cmpi eq, %and3A_2315, %eq3A_2317 : vector<1x64x128xi32>
    %and3A_2319 = arith.constant 8192 : i32
    %and3A_2320 = vector.broadcast %and3A_2319 : i32 to vector<1x64x128xi32>
    %and3A_2321 = arith.andi %add3A, %and3A_2320 : vector<1x64x128xi32>
    %eq3A_2322 = arith.constant 0 : i32
    %eq3A_2323 = vector.broadcast %eq3A_2322 : i32 to vector<1x64x128xi32>
    %eq3A_2324 = arith.cmpi eq, %and3A_2321, %eq3A_2323 : vector<1x64x128xi32>
    %broadcast_in_dim3A_2325 = vector.shape_cast %eq3A_2318 : vector<1x64x128xi1> to vector<1x64x128xi1>
    %broadcast_in_dim3A_2326 = vector.broadcast %broadcast_in_dim3A_2325 : vector<1x64x128xi1> to vector<4x64x128xi1>
    %select_n3A_2327 = arith.select %broadcast_in_dim3A_2326, %roll3A_2310, %roll3A_2312 : vector<4x64x128xi1>, vector<4x64x128xf32>
    %eq3A_2328 = arith.xori %eq3A_2324, %eq3A_2318 : vector<1x64x128xi1>
    %eq3A_2329 = arith.constant dense<true> : vector<1x64x128xi1>
    %eq3A_2330 = arith.xori %eq3A_2328, %eq3A_2329 : vector<1x64x128xi1>
    %min3A_2331 = arith.minimumf %select_n3A_2308, %select_n3A_2327 : vector<4x64x128xf32>
    %max3A_2332 = arith.maximumf %select_n3A_2308, %select_n3A_2327 : vector<4x64x128xf32>
    %broadcast_in_dim3A_2333 = vector.shape_cast %eq3A_2330 : vector<1x64x128xi1> to vector<1x64x128xi1>
    %broadcast_in_dim3A_2334 = vector.broadcast %broadcast_in_dim3A_2333 : vector<1x64x128xi1> to vector<4x64x128xi1>
    %select_n3A_2335 = arith.select %broadcast_in_dim3A_2334, %min3A_2331, %max3A_2332 : vector<4x64x128xi1>, vector<4x64x128xf32>
    %roll3A_2336 = arith.constant 96 : i32
    %roll3A_2337 = tpu.dynamic_rotate %select_n3A_2335 by %roll3A_2336 dim 2 : vector<4x64x128xf32>, i32 -> vector<4x64x128xf32>
    %roll3A_2338 = arith.constant 32 : i32
    %roll3A_2339 = tpu.dynamic_rotate %select_n3A_2335 by %roll3A_2338 dim 2 : vector<4x64x128xf32>, i32 -> vector<4x64x128xf32>
    %and3A_2340 = arith.constant 32 : i32
    %and3A_2341 = vector.broadcast %and3A_2340 : i32 to vector<1x64x128xi32>
    %and3A_2342 = arith.andi %add3A, %and3A_2341 : vector<1x64x128xi32>
    %eq3A_2343 = arith.constant 0 : i32
    %eq3A_2344 = vector.broadcast %eq3A_2343 : i32 to vector<1x64x128xi32>
    %eq3A_2345 = arith.cmpi eq, %and3A_2342, %eq3A_2344 : vector<1x64x128xi32>
    %and3A_2346 = arith.constant 8192 : i32
    %and3A_2347 = vector.broadcast %and3A_2346 : i32 to vector<1x64x128xi32>
    %and3A_2348 = arith.andi %add3A, %and3A_2347 : vector<1x64x128xi32>
    %eq3A_2349 = arith.constant 0 : i32
    %eq3A_2350 = vector.broadcast %eq3A_2349 : i32 to vector<1x64x128xi32>
    %eq3A_2351 = arith.cmpi eq, %and3A_2348, %eq3A_2350 : vector<1x64x128xi32>
    %broadcast_in_dim3A_2352 = vector.shape_cast %eq3A_2345 : vector<1x64x128xi1> to vector<1x64x128xi1>
    %broadcast_in_dim3A_2353 = vector.broadcast %broadcast_in_dim3A_2352 : vector<1x64x128xi1> to vector<4x64x128xi1>
    %select_n3A_2354 = arith.select %broadcast_in_dim3A_2353, %roll3A_2337, %roll3A_2339 : vector<4x64x128xi1>, vector<4x64x128xf32>
    %eq3A_2355 = arith.xori %eq3A_2351, %eq3A_2345 : vector<1x64x128xi1>
    %eq3A_2356 = arith.constant dense<true> : vector<1x64x128xi1>
    %eq3A_2357 = arith.xori %eq3A_2355, %eq3A_2356 : vector<1x64x128xi1>
    %min3A_2358 = arith.minimumf %select_n3A_2335, %select_n3A_2354 : vector<4x64x128xf32>
    %max3A_2359 = arith.maximumf %select_n3A_2335, %select_n3A_2354 : vector<4x64x128xf32>
    %broadcast_in_dim3A_2360 = vector.shape_cast %eq3A_2357 : vector<1x64x128xi1> to vector<1x64x128xi1>
    %broadcast_in_dim3A_2361 = vector.broadcast %broadcast_in_dim3A_2360 : vector<1x64x128xi1> to vector<4x64x128xi1>
    %select_n3A_2362 = arith.select %broadcast_in_dim3A_2361, %min3A_2358, %max3A_2359 : vector<4x64x128xi1>, vector<4x64x128xf32>
    %roll3A_2363 = arith.constant 112 : i32
    %roll3A_2364 = tpu.dynamic_rotate %select_n3A_2362 by %roll3A_2363 dim 2 : vector<4x64x128xf32>, i32 -> vector<4x64x128xf32>
    %roll3A_2365 = arith.constant 16 : i32
    %roll3A_2366 = tpu.dynamic_rotate %select_n3A_2362 by %roll3A_2365 dim 2 : vector<4x64x128xf32>, i32 -> vector<4x64x128xf32>
    %and3A_2367 = arith.constant 16 : i32
    %and3A_2368 = vector.broadcast %and3A_2367 : i32 to vector<1x64x128xi32>
    %and3A_2369 = arith.andi %add3A, %and3A_2368 : vector<1x64x128xi32>
    %eq3A_2370 = arith.constant 0 : i32
    %eq3A_2371 = vector.broadcast %eq3A_2370 : i32 to vector<1x64x128xi32>
    %eq3A_2372 = arith.cmpi eq, %and3A_2369, %eq3A_2371 : vector<1x64x128xi32>
    %and3A_2373 = arith.constant 8192 : i32
    %and3A_2374 = vector.broadcast %and3A_2373 : i32 to vector<1x64x128xi32>
    %and3A_2375 = arith.andi %add3A, %and3A_2374 : vector<1x64x128xi32>
    %eq3A_2376 = arith.constant 0 : i32
    %eq3A_2377 = vector.broadcast %eq3A_2376 : i32 to vector<1x64x128xi32>
    %eq3A_2378 = arith.cmpi eq, %and3A_2375, %eq3A_2377 : vector<1x64x128xi32>
    %broadcast_in_dim3A_2379 = vector.shape_cast %eq3A_2372 : vector<1x64x128xi1> to vector<1x64x128xi1>
    %broadcast_in_dim3A_2380 = vector.broadcast %broadcast_in_dim3A_2379 : vector<1x64x128xi1> to vector<4x64x128xi1>
    %select_n3A_2381 = arith.select %broadcast_in_dim3A_2380, %roll3A_2364, %roll3A_2366 : vector<4x64x128xi1>, vector<4x64x128xf32>
    %eq3A_2382 = arith.xori %eq3A_2378, %eq3A_2372 : vector<1x64x128xi1>
    %eq3A_2383 = arith.constant dense<true> : vector<1x64x128xi1>
    %eq3A_2384 = arith.xori %eq3A_2382, %eq3A_2383 : vector<1x64x128xi1>
    %min3A_2385 = arith.minimumf %select_n3A_2362, %select_n3A_2381 : vector<4x64x128xf32>
    %max3A_2386 = arith.maximumf %select_n3A_2362, %select_n3A_2381 : vector<4x64x128xf32>
    %broadcast_in_dim3A_2387 = vector.shape_cast %eq3A_2384 : vector<1x64x128xi1> to vector<1x64x128xi1>
    %broadcast_in_dim3A_2388 = vector.broadcast %broadcast_in_dim3A_2387 : vector<1x64x128xi1> to vector<4x64x128xi1>
    %select_n3A_2389 = arith.select %broadcast_in_dim3A_2388, %min3A_2385, %max3A_2386 : vector<4x64x128xi1>, vector<4x64x128xf32>
    %roll3A_2390 = arith.constant 120 : i32
    %roll3A_2391 = tpu.dynamic_rotate %select_n3A_2389 by %roll3A_2390 dim 2 : vector<4x64x128xf32>, i32 -> vector<4x64x128xf32>
    %roll3A_2392 = arith.constant 8 : i32
    %roll3A_2393 = tpu.dynamic_rotate %select_n3A_2389 by %roll3A_2392 dim 2 : vector<4x64x128xf32>, i32 -> vector<4x64x128xf32>
    %and3A_2394 = arith.constant 8 : i32
    %and3A_2395 = vector.broadcast %and3A_2394 : i32 to vector<1x64x128xi32>
    %and3A_2396 = arith.andi %add3A, %and3A_2395 : vector<1x64x128xi32>
    %eq3A_2397 = arith.constant 0 : i32
    %eq3A_2398 = vector.broadcast %eq3A_2397 : i32 to vector<1x64x128xi32>
    %eq3A_2399 = arith.cmpi eq, %and3A_2396, %eq3A_2398 : vector<1x64x128xi32>
    %and3A_2400 = arith.constant 8192 : i32
    %and3A_2401 = vector.broadcast %and3A_2400 : i32 to vector<1x64x128xi32>
    %and3A_2402 = arith.andi %add3A, %and3A_2401 : vector<1x64x128xi32>
    %eq3A_2403 = arith.constant 0 : i32
    %eq3A_2404 = vector.broadcast %eq3A_2403 : i32 to vector<1x64x128xi32>
    %eq3A_2405 = arith.cmpi eq, %and3A_2402, %eq3A_2404 : vector<1x64x128xi32>
    %broadcast_in_dim3A_2406 = vector.shape_cast %eq3A_2399 : vector<1x64x128xi1> to vector<1x64x128xi1>
    %broadcast_in_dim3A_2407 = vector.broadcast %broadcast_in_dim3A_2406 : vector<1x64x128xi1> to vector<4x64x128xi1>
    %select_n3A_2408 = arith.select %broadcast_in_dim3A_2407, %roll3A_2391, %roll3A_2393 : vector<4x64x128xi1>, vector<4x64x128xf32>
    %eq3A_2409 = arith.xori %eq3A_2405, %eq3A_2399 : vector<1x64x128xi1>
    %eq3A_2410 = arith.constant dense<true> : vector<1x64x128xi1>
    %eq3A_2411 = arith.xori %eq3A_2409, %eq3A_2410 : vector<1x64x128xi1>
    %min3A_2412 = arith.minimumf %select_n3A_2389, %select_n3A_2408 : vector<4x64x128xf32>
    %max3A_2413 = arith.maximumf %select_n3A_2389, %select_n3A_2408 : vector<4x64x128xf32>
    %broadcast_in_dim3A_2414 = vector.shape_cast %eq3A_2411 : vector<1x64x128xi1> to vector<1x64x128xi1>
    %broadcast_in_dim3A_2415 = vector.broadcast %broadcast_in_dim3A_2414 : vector<1x64x128xi1> to vector<4x64x128xi1>
    %select_n3A_2416 = arith.select %broadcast_in_dim3A_2415, %min3A_2412, %max3A_2413 : vector<4x64x128xi1>, vector<4x64x128xf32>
    %roll3A_2417 = arith.constant 124 : i32
    %roll3A_2418 = tpu.dynamic_rotate %select_n3A_2416 by %roll3A_2417 dim 2 : vector<4x64x128xf32>, i32 -> vector<4x64x128xf32>
    %roll3A_2419 = arith.constant 4 : i32
    %roll3A_2420 = tpu.dynamic_rotate %select_n3A_2416 by %roll3A_2419 dim 2 : vector<4x64x128xf32>, i32 -> vector<4x64x128xf32>
    %and3A_2421 = arith.constant 4 : i32
    %and3A_2422 = vector.broadcast %and3A_2421 : i32 to vector<1x64x128xi32>
    %and3A_2423 = arith.andi %add3A, %and3A_2422 : vector<1x64x128xi32>
    %eq3A_2424 = arith.constant 0 : i32
    %eq3A_2425 = vector.broadcast %eq3A_2424 : i32 to vector<1x64x128xi32>
    %eq3A_2426 = arith.cmpi eq, %and3A_2423, %eq3A_2425 : vector<1x64x128xi32>
    %and3A_2427 = arith.constant 8192 : i32
    %and3A_2428 = vector.broadcast %and3A_2427 : i32 to vector<1x64x128xi32>
    %and3A_2429 = arith.andi %add3A, %and3A_2428 : vector<1x64x128xi32>
    %eq3A_2430 = arith.constant 0 : i32
    %eq3A_2431 = vector.broadcast %eq3A_2430 : i32 to vector<1x64x128xi32>
    %eq3A_2432 = arith.cmpi eq, %and3A_2429, %eq3A_2431 : vector<1x64x128xi32>
    %broadcast_in_dim3A_2433 = vector.shape_cast %eq3A_2426 : vector<1x64x128xi1> to vector<1x64x128xi1>
    %broadcast_in_dim3A_2434 = vector.broadcast %broadcast_in_dim3A_2433 : vector<1x64x128xi1> to vector<4x64x128xi1>
    %select_n3A_2435 = arith.select %broadcast_in_dim3A_2434, %roll3A_2418, %roll3A_2420 : vector<4x64x128xi1>, vector<4x64x128xf32>
    %eq3A_2436 = arith.xori %eq3A_2432, %eq3A_2426 : vector<1x64x128xi1>
    %eq3A_2437 = arith.constant dense<true> : vector<1x64x128xi1>
    %eq3A_2438 = arith.xori %eq3A_2436, %eq3A_2437 : vector<1x64x128xi1>
    %min3A_2439 = arith.minimumf %select_n3A_2416, %select_n3A_2435 : vector<4x64x128xf32>
    %max3A_2440 = arith.maximumf %select_n3A_2416, %select_n3A_2435 : vector<4x64x128xf32>
    %broadcast_in_dim3A_2441 = vector.shape_cast %eq3A_2438 : vector<1x64x128xi1> to vector<1x64x128xi1>
    %broadcast_in_dim3A_2442 = vector.broadcast %broadcast_in_dim3A_2441 : vector<1x64x128xi1> to vector<4x64x128xi1>
    %select_n3A_2443 = arith.select %broadcast_in_dim3A_2442, %min3A_2439, %max3A_2440 : vector<4x64x128xi1>, vector<4x64x128xf32>
    %roll3A_2444 = arith.constant 126 : i32
    %roll3A_2445 = tpu.dynamic_rotate %select_n3A_2443 by %roll3A_2444 dim 2 : vector<4x64x128xf32>, i32 -> vector<4x64x128xf32>
    %roll3A_2446 = arith.constant 2 : i32
    %roll3A_2447 = tpu.dynamic_rotate %select_n3A_2443 by %roll3A_2446 dim 2 : vector<4x64x128xf32>, i32 -> vector<4x64x128xf32>
    %and3A_2448 = arith.constant 2 : i32
    %and3A_2449 = vector.broadcast %and3A_2448 : i32 to vector<1x64x128xi32>
    %and3A_2450 = arith.andi %add3A, %and3A_2449 : vector<1x64x128xi32>
    %eq3A_2451 = arith.constant 0 : i32
    %eq3A_2452 = vector.broadcast %eq3A_2451 : i32 to vector<1x64x128xi32>
    %eq3A_2453 = arith.cmpi eq, %and3A_2450, %eq3A_2452 : vector<1x64x128xi32>
    %and3A_2454 = arith.constant 8192 : i32
    %and3A_2455 = vector.broadcast %and3A_2454 : i32 to vector<1x64x128xi32>
    %and3A_2456 = arith.andi %add3A, %and3A_2455 : vector<1x64x128xi32>
    %eq3A_2457 = arith.constant 0 : i32
    %eq3A_2458 = vector.broadcast %eq3A_2457 : i32 to vector<1x64x128xi32>
    %eq3A_2459 = arith.cmpi eq, %and3A_2456, %eq3A_2458 : vector<1x64x128xi32>
    %broadcast_in_dim3A_2460 = vector.shape_cast %eq3A_2453 : vector<1x64x128xi1> to vector<1x64x128xi1>
    %broadcast_in_dim3A_2461 = vector.broadcast %broadcast_in_dim3A_2460 : vector<1x64x128xi1> to vector<4x64x128xi1>
    %select_n3A_2462 = arith.select %broadcast_in_dim3A_2461, %roll3A_2445, %roll3A_2447 : vector<4x64x128xi1>, vector<4x64x128xf32>
    %eq3A_2463 = arith.xori %eq3A_2459, %eq3A_2453 : vector<1x64x128xi1>
    %eq3A_2464 = arith.constant dense<true> : vector<1x64x128xi1>
    %eq3A_2465 = arith.xori %eq3A_2463, %eq3A_2464 : vector<1x64x128xi1>
    %min3A_2466 = arith.minimumf %select_n3A_2443, %select_n3A_2462 : vector<4x64x128xf32>
    %max3A_2467 = arith.maximumf %select_n3A_2443, %select_n3A_2462 : vector<4x64x128xf32>
    %broadcast_in_dim3A_2468 = vector.shape_cast %eq3A_2465 : vector<1x64x128xi1> to vector<1x64x128xi1>
    %broadcast_in_dim3A_2469 = vector.broadcast %broadcast_in_dim3A_2468 : vector<1x64x128xi1> to vector<4x64x128xi1>
    %select_n3A_2470 = arith.select %broadcast_in_dim3A_2469, %min3A_2466, %max3A_2467 : vector<4x64x128xi1>, vector<4x64x128xf32>
    %roll3A_2471 = arith.constant 127 : i32
    %roll3A_2472 = tpu.dynamic_rotate %select_n3A_2470 by %roll3A_2471 dim 2 : vector<4x64x128xf32>, i32 -> vector<4x64x128xf32>
    %roll3A_2473 = arith.constant 1 : i32
    %roll3A_2474 = tpu.dynamic_rotate %select_n3A_2470 by %roll3A_2473 dim 2 : vector<4x64x128xf32>, i32 -> vector<4x64x128xf32>
    %and3A_2475 = arith.constant 1 : i32
    %and3A_2476 = vector.broadcast %and3A_2475 : i32 to vector<1x64x128xi32>
    %and3A_2477 = arith.andi %add3A, %and3A_2476 : vector<1x64x128xi32>
    %eq3A_2478 = arith.constant 0 : i32
    %eq3A_2479 = vector.broadcast %eq3A_2478 : i32 to vector<1x64x128xi32>
    %eq3A_2480 = arith.cmpi eq, %and3A_2477, %eq3A_2479 : vector<1x64x128xi32>
    %and3A_2481 = arith.constant 8192 : i32
    %and3A_2482 = vector.broadcast %and3A_2481 : i32 to vector<1x64x128xi32>
    %and3A_2483 = arith.andi %add3A, %and3A_2482 : vector<1x64x128xi32>
    %eq3A_2484 = arith.constant 0 : i32
    %eq3A_2485 = vector.broadcast %eq3A_2484 : i32 to vector<1x64x128xi32>
    %eq3A_2486 = arith.cmpi eq, %and3A_2483, %eq3A_2485 : vector<1x64x128xi32>
    %broadcast_in_dim3A_2487 = vector.shape_cast %eq3A_2480 : vector<1x64x128xi1> to vector<1x64x128xi1>
    %broadcast_in_dim3A_2488 = vector.broadcast %broadcast_in_dim3A_2487 : vector<1x64x128xi1> to vector<4x64x128xi1>
    %select_n3A_2489 = arith.select %broadcast_in_dim3A_2488, %roll3A_2472, %roll3A_2474 : vector<4x64x128xi1>, vector<4x64x128xf32>
    %eq3A_2490 = arith.xori %eq3A_2486, %eq3A_2480 : vector<1x64x128xi1>
    %eq3A_2491 = arith.constant dense<true> : vector<1x64x128xi1>
    %eq3A_2492 = arith.xori %eq3A_2490, %eq3A_2491 : vector<1x64x128xi1>
    %min3A_2493 = arith.minimumf %select_n3A_2470, %select_n3A_2489 : vector<4x64x128xf32>
    %max3A_2494 = arith.maximumf %select_n3A_2470, %select_n3A_2489 : vector<4x64x128xf32>
    %broadcast_in_dim3A_2495 = vector.shape_cast %eq3A_2492 : vector<1x64x128xi1> to vector<1x64x128xi1>
    %broadcast_in_dim3A_2496 = vector.broadcast %broadcast_in_dim3A_2495 : vector<1x64x128xi1> to vector<4x64x128xi1>
    %select_n3A_2497 = arith.select %broadcast_in_dim3A_2496, %min3A_2493, %max3A_2494 : vector<4x64x128xi1>, vector<4x64x128xf32>
    %swap3A = arith.constant 0 : index
    %swap3A_2498 = arith.constant 0 : index
    %swap3A_2499 = arith.constant 0 : index
    %swap3A_2500 = arith.constant 0 : index
    %swap3A_2501 = vector.load %arg3[%swap3A, %swap3A_2498, %swap3A_2499, %swap3A_2500] : memref<1x4x64x128xf32, #tpu.memory_space<vmem>>, vector<1x4x64x128xf32>
    %swap3A_2502 = vector.shape_cast %swap3A_2501 : vector<1x4x64x128xf32> to vector<4x64x128xf32>
    %swap3A_2503 = vector.shape_cast %select_n3A_2497 : vector<4x64x128xf32> to vector<1x4x64x128xf32>
    tpu.vector_store %arg3[%swap3A, %swap3A_2498, %swap3A_2499, %swap3A_2500], %swap3A_2503 {strides = array<i32>} : memref<1x4x64x128xf32, #tpu.memory_space<vmem>>, vector<1x4x64x128xf32>,
    return
  }
  func.func @transform_0(%arg0: i32, %arg1: i32) -> (i32, i32, i32, i32) {
    %c0_i32 = arith.constant 0 : i32
    %c0_i32_0 = arith.constant 0 : i32
    %c0_i32_1 = arith.constant 0 : i32
    return %arg0, %arg1, %c0_i32, %c0_i32_0 : i32, i32, i32, i32
  }
  func.func @transform_1(%arg0: i32, %arg1: i32) -> (i32, i32, i32, i32) {
    %c0_i32 = arith.constant 0 : i32
    %c0_i32_0 = arith.constant 0 : i32
    %c0_i32_1 = arith.constant 0 : i32
    return %arg0, %arg1, %c0_i32, %c0_i32_0 : i32, i32, i32, i32
  }
}

module attributes {stable_mosaic.version = 14 : i64} {
  func.func @_rank_body(%arg0: i32, %arg1: i32, %arg2: memref<8192x4xf32, #tpu.memory_space<vmem>>, %arg3: memref<1x1x128xf32, #tpu.memory_space<vmem>>, %arg4: memref<1x1x128xi32, #tpu.memory_space<vmem>>, %arg5: memref<1x1x128xi32, #tpu.memory_space<vmem>>, %arg6: memref<1x128xi32, #tpu.memory_space<vmem>>) attributes {dimension_semantics = [#tpu.dimension_semantics<arbitrary>, #tpu.dimension_semantics<arbitrary>], iteration_bounds = array<i64: 4, 64>, scalar_prefetch = 0 : i64, scratch_operands = 1 : i64, tpu.core_type = #tpu.core_type<tc>, window_params = [{pipeline_mode = #tpu.pipeline_mode<synchronous>, transform_indices = @transform_0, window_bounds = array<i64: 8192, 4>}, {transform_indices = @transform_1, window_bounds = array<i64: 1, 1, 128>}, {transform_indices = @transform_2, window_bounds = array<i64: 1, 1, 128>}, {transform_indices = @transform_3, window_bounds = array<i64: 1, 1, 128>}]} {
    %get3A = arith.constant 0 : index
    %get3A_0 = arith.constant 0 : index
    %get3A_1 = vector.load %arg2[%get3A, %get3A_0] : memref<8192x4xf32, #tpu.memory_space<vmem>>, vector<8192x4xf32>
    %iota3A = tpu.iota {dimensions = array<i32: 1>} : vector<8192x4xi32>
    %eq3A = vector.broadcast %arg0 : i32 to vector<8192x4xi32>
    %eq3A_2 = arith.cmpi eq, %iota3A, %eq3A : vector<8192x4xi32>
    %jit3A = arith.constant 0.000000e+00 : f32
    %broadcast_in_dim3A = vector.broadcast %jit3A : f32 to vector<8192x4xf32>
    %select_n3A = arith.select %eq3A_2, %get3A_1, %broadcast_in_dim3A : vector<8192x4xi1>, vector<8192x4xf32>
    %reduce_sum3A = arith.constant dense<0.000000e+00> : vector<8192xf32>
    %reduce_sum3A_3 = vector.multi_reduction <add>, %select_n3A, %reduce_sum3A [1] : vector<8192x4xf32> to vector<8192xf32>
    %broadcast_in_dim3A_4 = vector.shape_cast %reduce_sum3A_3 : vector<8192xf32> to vector<8192x1xf32>
    %get3A_5 = arith.constant 0 : index
    %get3A_6 = arith.constant 0 : index
    %get3A_7 = arith.constant 0 : index
    %get3A_8 = vector.load %arg3[%get3A_5, %get3A_6, %get3A_7] : memref<1x1x128xf32, #tpu.memory_space<vmem>>, vector<1x1x128xf32>
    %get3A_9 = vector.shape_cast %get3A_8 : vector<1x1x128xf32> to vector<1x128xf32>
    %iota3A_10 = tpu.iota {dimensions = array<i32: 0>} : vector<8192x1xi32>
    %mul3A = arith.constant 128 : i32
    %mul3A_11 = arith.muli %arg1, %mul3A : i32
    %iota3A_12 = tpu.iota {dimensions = array<i32: 1>} : vector<1x128xi32>
    %add3A = vector.broadcast %mul3A_11 : i32 to vector<1x128xi32>
    %add3A_13 = arith.addi %add3A, %iota3A_12 : vector<1x128xi32>
    %lt3A = vector.broadcast %broadcast_in_dim3A_4 : vector<8192x1xf32> to vector<8192x128xf32>
    %lt3A_14 = vector.broadcast %get3A_9 : vector<1x128xf32> to vector<8192x128xf32>
    %lt3A_15 = arith.cmpf olt, %lt3A, %lt3A_14 : vector<8192x128xf32>
    %eq3A_16 = vector.broadcast %broadcast_in_dim3A_4 : vector<8192x1xf32> to vector<8192x128xf32>
    %eq3A_17 = vector.broadcast %get3A_9 : vector<1x128xf32> to vector<8192x128xf32>
    %eq3A_18 = arith.cmpf oeq, %eq3A_16, %eq3A_17 : vector<8192x128xf32>
    %lt3A_19 = vector.broadcast %iota3A_10 : vector<8192x1xi32> to vector<8192x128xi32>
    %lt3A_20 = vector.broadcast %add3A_13 : vector<1x128xi32> to vector<8192x128xi32>
    %lt3A_21 = arith.cmpi slt, %lt3A_19, %lt3A_20 : vector<8192x128xi32>
    %and3A = arith.andi %eq3A_18, %lt3A_21 : vector<8192x128xi1>
    %or3A = arith.ori %lt3A_15, %and3A : vector<8192x128xi1>
    %convert_element_type3A = arith.extui %or3A : vector<8192x128xi1> to vector<8192x128xi32>
    %reduce_sum3A_22 = arith.constant dense<0> : vector<128xi32>
    %reduce_sum3A_23 = vector.multi_reduction <add>, %convert_element_type3A, %reduce_sum3A_22 [0] : vector<8192x128xi32> to vector<128xi32>
    %broadcast_in_dim3A_24 = vector.shape_cast %reduce_sum3A_23 : vector<128xi32> to vector<1x128xi32>
    %mul3A_25 = arith.constant 8192 : i32
    %mul3A_26 = arith.muli %arg0, %mul3A_25 : i32
    %add3A_27 = vector.broadcast %mul3A_26 : i32 to vector<1x128xi32>
    %add3A_28 = arith.addi %broadcast_in_dim3A_24, %add3A_27 : vector<1x128xi32>
    %swap3A = arith.constant 0 : index
    %swap3A_29 = arith.constant 0 : index
    %swap3A_30 = arith.constant 0 : index
    %swap3A_31 = vector.load %arg4[%swap3A, %swap3A_29, %swap3A_30] : memref<1x1x128xi32, #tpu.memory_space<vmem>>, vector<1x1x128xi32>
    %swap3A_32 = vector.shape_cast %swap3A_31 : vector<1x1x128xi32> to vector<1x128xi32>
    %swap3A_33 = vector.shape_cast %add3A_28 : vector<1x128xi32> to vector<1x1x128xi32>
    tpu.vector_store %arg4[%swap3A, %swap3A_29, %swap3A_30], %swap3A_33 {strides = array<i32>} : memref<1x1x128xi32, #tpu.memory_space<vmem>>, vector<1x1x128xi32>,
    %eq3A_34 = arith.constant 0 : i32
    %eq3A_35 = arith.cmpi eq, %arg1, %eq3A_34 : i32
    %convert_element_type3A_36 = arith.extui %eq3A_35 : i1 to i32
    %cond3A = arith.constant 0 : i32
    %cond3A_37 = arith.cmpi ne, %convert_element_type3A_36, %cond3A : i32
    scf.if %cond3A_37 {
      %broadcast_in_dim3A_56 = arith.constant 0 : i32
      %broadcast_in_dim3A_57 = vector.broadcast %broadcast_in_dim3A_56 : i32 to vector<1x128xi32>
      %swap3A_58 = arith.constant 0 : index
      %swap3A_59 = arith.constant 0 : index
      %swap3A_60 = vector.load %arg6[%swap3A_58, %swap3A_59] : memref<1x128xi32, #tpu.memory_space<vmem>>, vector<1x128xi32>
      tpu.vector_store %arg6[%swap3A_58, %swap3A_59], %broadcast_in_dim3A_57 {strides = array<i32>} : memref<1x128xi32, #tpu.memory_space<vmem>>, vector<1x128xi32>,
    } else {
    }
    %get3A_38 = arith.constant 0 : index
    %get3A_39 = arith.constant 0 : index
    %get3A_40 = vector.load %arg6[%get3A_38, %get3A_39] : memref<1x128xi32, #tpu.memory_space<vmem>>, vector<1x128xi32>
    %eq3A_41 = arith.constant 0 : i32
    %eq3A_42 = vector.broadcast %eq3A_41 : i32 to vector<1x128xi32>
    %eq3A_43 = arith.cmpi eq, %broadcast_in_dim3A_24, %eq3A_42 : vector<1x128xi32>
    %jit3A_44 = arith.constant 0 : i32
    %broadcast_in_dim3A_45 = vector.broadcast %jit3A_44 : i32 to vector<1x128xi32>
    %select_n3A_46 = arith.select %eq3A_43, %add3A_13, %broadcast_in_dim3A_45 : vector<1x128xi1>, vector<1x128xi32>
    %add3A_47 = arith.addi %get3A_40, %select_n3A_46 : vector<1x128xi32>
    %swap3A_48 = arith.constant 0 : index
    %swap3A_49 = arith.constant 0 : index
    %swap3A_50 = vector.load %arg6[%swap3A_48, %swap3A_49] : memref<1x128xi32, #tpu.memory_space<vmem>>, vector<1x128xi32>
    tpu.vector_store %arg6[%swap3A_48, %swap3A_49], %add3A_47 {strides = array<i32>} : memref<1x128xi32, #tpu.memory_space<vmem>>, vector<1x128xi32>,
    %eq3A_51 = arith.constant 63 : i32
    %eq3A_52 = arith.cmpi eq, %arg1, %eq3A_51 : i32
    %convert_element_type3A_53 = arith.extui %eq3A_52 : i1 to i32
    %cond3A_54 = arith.constant 0 : i32
    %cond3A_55 = arith.cmpi ne, %convert_element_type3A_53, %cond3A_54 : i32
    scf.if %cond3A_55 {
      %get3A_56 = arith.constant 0 : index
      %get3A_57 = arith.constant 0 : index
      %get3A_58 = vector.load %arg6[%get3A_56, %get3A_57] : memref<1x128xi32, #tpu.memory_space<vmem>>, vector<1x128xi32>
      %reduce_sum3A_59 = arith.constant dense<0> : vector<1xi32>
      %reduce_sum3A_60 = vector.multi_reduction <add>, %get3A_58, %reduce_sum3A_59 [1] : vector<1x128xi32> to vector<1xi32>
      %broadcast_in_dim3A_61 = vector.shape_cast %reduce_sum3A_60 : vector<1xi32> to vector<1x1xi32>
      %broadcast_in_dim3A_62 = vector.shape_cast %broadcast_in_dim3A_61 : vector<1x1xi32> to vector<1x1xi32>
      %broadcast_in_dim3A_63 = vector.broadcast %broadcast_in_dim3A_62 : vector<1x1xi32> to vector<1x128xi32>
      %swap3A_64 = arith.constant 0 : index
      %swap3A_65 = arith.constant 0 : index
      %swap3A_66 = arith.constant 0 : index
      %swap3A_67 = vector.load %arg5[%swap3A_64, %swap3A_65, %swap3A_66] : memref<1x1x128xi32, #tpu.memory_space<vmem>>, vector<1x1x128xi32>
      %swap3A_68 = vector.shape_cast %swap3A_67 : vector<1x1x128xi32> to vector<1x128xi32>
      %swap3A_69 = vector.shape_cast %broadcast_in_dim3A_63 : vector<1x128xi32> to vector<1x1x128xi32>
      tpu.vector_store %arg5[%swap3A_64, %swap3A_65, %swap3A_66], %swap3A_69 {strides = array<i32>} : memref<1x1x128xi32, #tpu.memory_space<vmem>>, vector<1x1x128xi32>,
    } else {
    }
    return
  }
  func.func @transform_0(%arg0: i32, %arg1: i32) -> (i32, i32) {
    %c0_i32 = arith.constant 0 : i32
    %c0_i32_0 = arith.constant 0 : i32
    %c0_i32_1 = arith.constant 0 : i32
    return %c0_i32, %c0_i32_0 : i32, i32
  }
  func.func @transform_1(%arg0: i32, %arg1: i32) -> (i32, i32, i32) {
    %mul3A = arith.constant 64 : i32
    %mul3A_0 = arith.muli %arg0, %mul3A : i32
    %add3A = arith.addi %mul3A_0, %arg1 : i32
    %c0_i32 = arith.constant 0 : i32
    %c0_i32_1 = arith.constant 0 : i32
    %c0_i32_2 = arith.constant 0 : i32
    return %add3A, %c0_i32, %c0_i32_1 : i32, i32, i32
  }
  func.func @transform_2(%arg0: i32, %arg1: i32) -> (i32, i32, i32) {
    %mul3A = arith.constant 64 : i32
    %mul3A_0 = arith.muli %arg0, %mul3A : i32
    %add3A = arith.addi %mul3A_0, %arg1 : i32
    %c0_i32 = arith.constant 0 : i32
    %c0_i32_1 = arith.constant 0 : i32
    %c0_i32_2 = arith.constant 0 : i32
    return %add3A, %c0_i32, %c0_i32_1 : i32, i32, i32
  }
  func.func @transform_3(%arg0: i32, %arg1: i32) -> (i32, i32, i32) {
    %c0_i32 = arith.constant 0 : i32
    %c0_i32_0 = arith.constant 0 : i32
    %c0_i32_1 = arith.constant 0 : i32
    return %arg0, %c0_i32, %c0_i32_0 : i32, i32, i32
  }
}

</mosaic_0001>

<sc_bundles>
// kernel: kernel.5.cloned.1.call-start
scs
__scs_entry_jumppad:
0x0: {  	(pc) =	sbr.rel $0x88, $3  }
0x1: {  	(tag) =	ssettag $0x0;
	lr =	simm.s32 $0x1  }
0x2: {  	[smem:$0x3FA0] =	sst lr;
	_ =	strace $0xD0000000  }
0x3: {  	_ = 	snop  }
0x4: {  	_ = 	snop  }
0x5: {  	_ = 	snop  }
0x6: {  	_ = 	snop  }
0x7: {  	_ = 	snop  }
__scs_overlays_trampoline_lowered:
0x8: {  	[smem:$0x3FAF] =	sst s0  }
0x9: {  	[smem:$0x3FB0] =	sst s1  }
0xa: {  	[smem:$0x3FB1] =	sst s2  }
0xb: {  	[smem:$0x3FB2] =	sst s3  }
0xc: {  	[smem:$0x3FB3] =	sst s4  }
0xd: {  	[smem:$0x3FB4] =	sst s5  }
0xe: {  	[smem:$0x3FB5] =	sst s6  }
0xf: {  	[smem:$0x3FB6] =	sst s7  }
0x10: {  	[smem:$0x3FB7] =	sst s8  }
0x11: {  	[smem:$0x3FB8] =	sst s9;
	s0 =	simm.s32 @!p0 $0x0  }
0x12: {  	s1 =	sld [smem:$0x3F9E];
	s0 =	simm.s32 @p0 $0x1  }
0x13: {  	[smem:$0x3FB9] =	sst s0;
	s0 =	simm.s32 @!p1 $0x0  }
0x14: {  	s2 =	sld [smem:$0x3F9D];
	s0 =	simm.s32 @p1 $0x1  }
0x15: {  	[smem:$0x3FBA] =	sst s0;
	s0 =	simm.s32 @!p2 $0x0  }
0x16: {  	s3 =	sld [smem:$0x3FDB];
	s0 =	simm.s32 @p2 $0x1  }
0x17: {  	s4 =	simm.s32 $0x1BF5;
	[smem:$0x3FBC] =	sst s0  }
0x18: {  	s0 =	sld [smem:$0x3F9F];
	_ =	swait.ge [sflag:s4], $0x0  }
0x19: {  	s7 =	sld [smem:$0x3FA0]  }
0x1a: {  	s8 =	sadd.s32 $0xFFFFE003, lr  }
0x1b: {  	s9 =	sadd.s32 $0xFFFFFEF7, lr;
	s5 =	simm.s32 $0xFFFFFFFF;
	p2 =	slt.u32 s8, $0xFFFFF086  }
0x1c: {  	p1 =	slt.u32 s9, $0xF7A;
	s5 =	simm.s32 @!p2 $0x0  }
0x1d: {  	s5 =	simm.s32 @p1 $0x1;
	p0 =	seq.s32 s7, s2  }
0x1e: {  	s7 =	smul.u32 @!p0 $0xF7A, s2;
	p2 =	seq.s32 @!p0 s5, $0x0  }
0x1f: {  	s9 =	smul.u32 $0xF7A, s1;
	s8 =	simm.s32 @!p0 $0x1BF5;
	p2 =	por !p2, p0  }
0x20: {  	[sflag:s8] =	ssyncset.s32 @!p0 $0xFFFFF086;
	s6 =	sadd.s32 @!p0 s3, s7;
	s7 =	simm.s32 @!p0 $0x108  }
0x21: {  	s3 =	sadd.s32 s3, s9;
	s6 =	sadd.s32 @!p0 $0x88, s6;
	s7 =	simm.s32 @p2 $0x1082  }
0x22: {  	[simem:s7], [sflag:s8] =	dma.local @!p0 [hbm:s6], $0xF7A  }
0x23: {  	s9 =	sor.u32 $0xD0000000, s2;
	s6 =	simm.s32 $0x108;
	_ =	swait.ge @!p0 [sflag:s8], $0x0  }
0x24: {  	s3 =	sadd.s32 $0x88, s3;
	s6 =	simm.s32 @!p1 $0x1082;
	[sflag:s4] =	ssyncset.s32 $0xFFFFF086  }
0x25: {  	[simem:s6], [sflag:s4] =	dma.local [hbm:s3], $0xF7A  }
0x26: {  	[smem:$0x3FA0] =	sst s1;
	(tag) =	ssettag s2;
	_ =	strace s9  }
0x27: {  	s1 =	sld [smem:$0x3FB0]  }
0x28: {  	s2 =	sld [smem:$0x3FB1]  }
0x29: {  	s4 =	sld [smem:$0x3FB3]  }
0x2a: {  	p0 =	seq.s32 s5, $0x0;
	s5 =	sld [smem:$0x3FB4]  }
0x2b: {  	s6 =	sld [smem:$0x3FB5]  }
0x2c: {  	s7 =	sld [smem:$0x3FB6]  }
0x2d: {  	s3 =	simm.s32 $0x108;
	s8 =	sld [smem:$0x3FB7]  }
0x2e: {  	s3 =	simm.s32 @!p0 $0x1082;
	s9 =	sld [smem:$0x3FB8]  }
0x2f: {  	lr =	sadd.s32 s0, s3;
	s0 =	sld [smem:$0x3FAF]  }
0x30: {  	s3 =	sld [smem:$0x3FB2]  }
0x31: {  	[smem:$0x3FBB] =	sst s10  }
0x32: {  	s10 =	sld [smem:$0x3FB9];
	_ =	sdelay $0x3  }
0x33: {  	p0 =	seq.s32 s10, $0x1;
	s10 =	sld [smem:$0x3FBB];
	_ =	sdelay $0x3  }
0x34: {  	[smem:$0x3FBB] =	sst s10  }
0x35: {  	s10 =	sld [smem:$0x3FBA];
	_ =	sdelay $0x3  }
0x36: {  	p1 =	seq.s32 s10, $0x1;
	s10 =	sld [smem:$0x3FBB];
	_ =	sdelay $0x3  }
0x37: {  	[smem:$0x3FBB] =	sst s10  }
0x38: {  	s10 =	sld [smem:$0x3FBC]  }
0x39: {  	_ = 	snop;
	(pc) =	sbr.ind lr, $3  }
0x3a: {  	_ = 	snop  }
0x3b: {  	_ = 	snop  }
0x3c: {  	p2 =	seq.s32 s10, $0x1;
	s10 =	sld [smem:$0x3FBB]  }
0x3d: {  	_ =	shalt  }
0x3e: {  	_ =	shalt  }
0x3f: {  	_ =	shalt  }
0x40: {  	_ =	shalt  }
0x41: {  	_ =	shalt  }
0x42: {  	_ =	shalt  }
0x43: {  	_ =	shalt  }
0x44: {  	_ =	shalt  }
0x45: {  	_ =	shalt  }
0x46: {  	_ =	shalt  }
0x47: {  	_ =	shalt  }
0x48: {  	_ =	shalt  }
0x49: {  	_ =	shalt  }
0x4a: {  	_ =	shalt  }
0x4b: {  	_ =	shalt  }
0x4c: {  	_ =	shalt  }
0x4d: {  	_ =	shalt  }
0x4e: {  	_ =	shalt  }
0x4f: {  	_ =	shalt  }
0x50: {  	_ =	shalt  }
0x51: {  	_ =	shalt  }
0x52: {  	_ =	shalt  }
0x53: {  	_ =	shalt  }
0x54: {  	_ =	shalt  }
0x55: {  	_ =	shalt  }
0x56: {  	_ =	shalt  }
0x57: {  	_ =	shalt  }
0x58: {  	_ =	shalt  }
0x59: {  	_ =	shalt  }
0x5a: {  	_ =	shalt  }
0x5b: {  	_ =	shalt  }
0x5c: {  	_ =	shalt  }
0x5d: {  	_ =	shalt  }
0x5e: {  	_ =	shalt  }
0x5f: {  	_ =	shalt  }
0x60: {  	_ =	shalt  }
0x61: {  	_ =	shalt  }
0x62: {  	_ =	shalt  }
0x63: {  	_ =	shalt  }
0x64: {  	_ =	shalt  }
0x65: {  	_ =	shalt  }
0x66: {  	_ =	shalt  }
0x67: {  	_ =	shalt  }
0x68: {  	_ =	shalt  }
0x69: {  	_ =	shalt  }
0x6a: {  	_ =	shalt  }
0x6b: {  	_ =	shalt  }
0x6c: {  	_ =	shalt  }
0x6d: {  	_ =	shalt  }
0x6e: {  	_ =	shalt  }
0x6f: {  	_ =	shalt  }
0x70: {  	_ =	shalt  }
0x71: {  	_ =	shalt  }
0x72: {  	_ =	shalt  }
0x73: {  	_ =	shalt  }
0x74: {  	_ =	shalt  }
0x75: {  	_ =	shalt  }
0x76: {  	_ =	shalt  }
0x77: {  	_ =	shalt  }
0x78: {  	_ =	shalt  }
0x79: {  	_ =	shalt  }
0x7a: {  	_ =	shalt  }
0x7b: {  	_ =	shalt  }
0x7c: {  	_ =	shalt  }
0x7d: {  	_ =	shalt  }
0x7e: {  	_ =	shalt  }
0x7f: {  	_ =	shalt  }
0x80: {  	_ =	shalt  }
0x81: {  	_ =	shalt  }
0x82: {  	_ =	shalt  }
0x83: {  	_ =	shalt  }
0x84: {  	_ =	shalt  }
0x85: {  	_ =	shalt  }
0x86: {  	_ =	shalt  }
0x87: {  	_ =	shalt  }
.Lfunc_end0:
.L_simem_size_0:
called_computation_lowered:
.L_overlay_start_0:
0x88: {  	s2 =	sld [smem:$0x3FD9]  }
0x89: {  	s3 =	sld [smem:$0x3FFE];
	_ =	sdelay $0x1  }
0x8a: {  	s1 =	srdreg.scid  }
0x8b: {  	s0 =	sand.u32 $0x1, s1  }
0x8c: {  	s14 =	sshll.u32 s0, $0xA;
	s2 =	sadd.s32 s3, s2  }
0x8d: {  	s2 =	sadd.s32 s2, s14  }
0x8e: {  	[smem:$0x3FC7] =	sst s2  }
0x8f: {  	_ = 	snop  }
0x90: {  	s2 =	sld [smem:$0x3FD0];
	_ =	sdelay $0x2  }
0x91: {  	s15 =	simm.s32 $0xA;
	s4 =	simm.s32 $0x10  }
0x92: {  	[smem:s4], [sflag:s15] =	dma.local [hbm:s2], $0x1  }
0x93: {  	_ =	swait.eq [sflag:s15], $0x1  }
0x94: {  	[sflag:s15] =	ssyncset.done $0x0  }
0x95: {  	s16 =	sld [smem:$0x10];
	[sflag:s15] =	ssyncadd.s32 $0xFFFFFFFF  }
0x96: {  	s17 =	sld [smem:$0x11];
	(tm) =	ssettm $0x1  }
0x97: {  	s18 =	sld [smem:$0x3FFB];
	_ =	sdelay $0x3  }
0x98: {  	_ =	strace s18  }
0x99: {  	s4 =	sld [smem:$0x3FFC];
	_ =	sdelay $0x3  }
0x9a: {  	_ =	strace s4  }
0x9b: {  	s4 =	sld [smem:$0x3FFD];
	_ =	sdelay $0x3  }
0x9c: {  	_ =	strace s4  }
0x9d: {  	_ =	strace $0x8FFFFFFF  }
0x9e: {  	s19 =	sld [smem:$0x3FDB];
	_ =	sdelay $0x1  }
0x9f: {  	s5 =	simm.s32 $_scs_section_size  }
0xa0: {  	s6 =	simm.s32 $_size__tile_overlayer_lowered;
	s7 =	simm.s32 $_tile_overlayer_lowered  }
0xa1: {  	s22 =	simm.s32 $0x1BFF;
	s21 =	sshll.u32 s7, $0x1;
	s4 =	sadd.s32 s5, s19  }
0xa2: {  	s8 =	simm.s32 $0x0;
	s20 =	sshll.u32 s6, $0x1;
	s6 =	sadd.s32 s21, s4  }
0xa3: {  	[timem:s8], [sflag:s22] =	dma.local [hbm:s6], s20  }
0xa4: {  	_ =	swait.ge [sflag:s22], s20  }
0xa5: {  	s5 =	ssub.s32 $0x0, s20;
	[sflag:s22] =	ssyncset.done $0x0  }
0xa6: {  	[sflag:s22] =	ssyncadd.s32 s5;
	_ =	sdelay $0x1  }
0xa7: {  	s23 =	simm.s32 $0x1B8B  }
0xa8: {  	_ =	swait.ge [sflag:s23], $0x1  }
0xa9: {  	[sflag:s23] =	ssyncset.done $0x0  }
0xaa: {  	s25 =	simm.s32 $0x1B8E;
	s24 =	sld [smem:$0x3FFE];
	[sflag:s23] =	ssyncadd.s32 $0xFFFFFFFF  }
0xab: {  	s26 =	simm.s32 $execute0_lowered;
	[smem:$0x3FD2] =	sst s25  }
0xac: {  	s6 =	sshll.u32 s26, $0x1;
	_ =	strace $0x80000046;
	[dreg:$0x1] =	wrdreg $0xFFFFFFFF  }
0xad: {  	s28 =	simm.s32 $_size_execute0_lowered;
	s4 =	sadd.s32 s4, s6;
	[dreg:$0x0] =	wrdreg $0x0  }
0xae: {  	s6 =	sshll.u32 s28, $0x1;
	[dreg:$0x2] =	wrdreg s4  }
0xaf: {  	[dreg:$0x3] =	wrdreg s6  }
0xb0: {  	[dreg:$0x4] =	wrdreg $0xC0  }
0xb1: {  	_ =	task [dreg:s8], $0x5FFFF  }
0xb2: {  	[dreg:$0x1] =	wrdreg $0xFFFFFFFF  }
0xb3: {  	[dreg:$0x0] =	wrdreg $0x60  }
0xb4: {  	[dreg:$0x2] =	wrdreg s24  }
0xb5: {  	[dreg:$0x3] =	wrdreg s17  }
0xb6: {  	[dreg:$0x4] =	wrdreg s16  }
0xb7: {  	[dreg:$0x5] =	wrdreg $0x9  }
0xb8: {  	_ =	task.clear_ibuf [dreg:s8], $0x6FFFF;
	_ =	strace $0x90000046  }
0xb9: {  	s29 =	simm.s32 $0x9;
	_ =	strace $0x80000048  }
0xba: {  	_ =	swait.ge [sflag:s29], $0x1  }
0xbb: {  	[sflag:s29] =	ssyncadd.s32 $0xFFFFFFFF  }
0xbc: {  	_ =	strace $0x90000048  }
0xbd: {  	_ =	sfence  }
0xbe: {  	s30 =	sld [smem:$0x0];
	_ =	sdelay $0x2  }
0xbf: {  	s31 =	sshll.u32 s1, $0xD;
	s1 =	sshrl.u32 s1, $0x2  }
0xc0: {  	s3 =	sand.u32 $0x4000, s31;
	s1 =	sadd.s32 s1, s30  }
0xc1: {  	s0 =	sor.u32 s3, s0;
	s1 =	sshll.u32 s1, $0x11  }
0xc2: {  	s0 =	sor.u32 s1, s0  }
0xc3: {  	s0 =	sadd.s32 $0x8F2B, s0  }
0xc4: {  	[sflag:s0] =	ssyncadd.remote.s32 $0x1  }
0xc5: {  	_ =	sfence.sel $0xFFFF  }
0xc6: {  	[dreg:$0x0] =	wrdreg $0xFFFFFFFF;
	(pc) =	sbr.abs _section_cstart, $3  }
0xc7: {  	[dreg:$0x1] =	wrdreg $0xFFFFFFFF  }
0xc8: {  	_ =	task.clear_ibuf [dreg:s8], $0x2FFFF;
	_ =	strace $0x9FFFFFFF  }
0xc9: {  	(tm) =	ssettm $0x7FFFFFFF  }
tec
execute0_lowered:
.L_overlay_start_1:
0x0: {  	(tag) =	ssettag $0x1  }
0x1: {  	s0 =	rddreg [dreg:$0x0]  }
0x2: {  	s1 =	srdreg.scid;
	s4 =	rddreg [dreg:$0x1]  }
0x3: {  	s10 =	stileid.u32;
	s8 =	rddreg [dreg:$0x2]  }
0x4: {  	s2 =	simm.s32 $0x0;
	s14 =	simm.s32 $0x880;
	s15 =	simm.s32 $0x1080  }
0x5: {  	s16 =	simm.s32 $0x1880;
	s17 =	simm.s32 $0x2080;
	[smem:$0x7FF] =	sst s2  }
0x6: {  	s9 =	simm.s32 $0x2880;
	_ =	strace $0x80000047;
	[dreg:$0x5] =	wrdreg s14  }
0x7: {  	s18 =	simm.s32 $0x3080;
	s19 =	simm.s32 $0x3880;
	[dreg:$0x6] =	wrdreg s15  }
0x8: {  	s21 =	simm.s32 $0x4080;
	s22 =	simm.s32 $0x4880;
	[dreg:$0x7] =	wrdreg s16  }
0x9: {  	s23 =	simm.s32 $0x5080;
	s24 =	simm.s32 $0x5880;
	[dreg:$0x8] =	wrdreg s17  }
0xa: {  	s25 =	simm.s32 $0x6080;
	s26 =	simm.s32 $0x6880;
	[dreg:$0x9] =	wrdreg s9  }
0xb: {  	s11 =	simm.s32 $0x7080;
	s12 =	simm.s32 $0x7880;
	[dreg:$0xa] =	wrdreg s18  }
0xc: {  	s28 =	simm.s32 $0xF080;
	s29 =	simm.s32 $0xF880;
	[dreg:$0xb] =	wrdreg s19  }
0xd: {  	s30 =	simm.s32 $0x1;
	s31 =	simm.s32 $0x0;
	[dreg:$0xc] =	wrdreg s21  }
0xe: {  	s1 =	sand.u32 $0x1, s1;
	s3 =	sshll.u32 s10, $0xB;
	[dreg:$0xd] =	wrdreg s22  }
0xf: {  	s20 =	sshll.u32 s10, $0x12;
	s10 =	simm.s32 $0x80;
	[dreg:$0xe] =	wrdreg s23  }
0x10: {  	s5 =	sshll.u32 s1, $0xA;
	s13 =	ssub.s32 $0x2, s1;
	[dreg:$0xf] =	wrdreg s24  }
0x11: {  	s8 =	sadd.s32 s20, s8;
	s1 =	sshll.u32 s1, $0x11;
	[dreg:$0x10] =	wrdreg s25  }
0x12: {  	s9 =	simm.s32 $0x2;
	[dreg:$0x11] =	wrdreg s26;
	s14 =	simm.s32 $0x8880  }
0x13: {  	s15 =	simm.s32 $0x9080;
	s16 =	simm.s32 $0x9880;
	s17 =	simm.s32 $0xA080  }
0x14: {  	s18 =	simm.s32 $0xA880;
	s19 =	simm.s32 $0xB080;
	s20 =	simm.s32 $0xB880  }
0x15: {  	s21 =	simm.s32 $0xC080;
	s22 =	simm.s32 $0xC880;
	s23 =	simm.s32 $0xD080  }
0x16: {  	s24 =	simm.s32 $0xD880;
	s25 =	simm.s32 $0xE080;
	s26 =	simm.s32 $0xE880  }
0x17: {  	s3 =	sor.u32 s5, s3;
	s6 =	sshrl.u32 s13, $0x1;
	s1 =	sadd.s32 s1, s8  }
0x18: {  	s5 =	sshrl.u32 s3, $0x3;
	s3 =	sadd.s32 $0x21600, s0;
	s7 =	ssub.s32 s13, s6  }
0x19: {  	v2 =	vlaneseq.u32;
	s6 =	sadd.s32 $0x21900, s0;
	[dreg:$0x13] =	wrdreg s1;
	s4 =	sadd.s32 s5, s4  }
0x1a: {  	vm0 =	vmmov $0xffff;
	v1 =	vshrl.u32 v2, $0x3;
	s13 =	simm.s32 $0x8080;
	s7 =	smax.u32 s7, $0x1;
	[dreg:$0x4] =	wrdreg s4  }
0x1b: {  	v0 =	vand.u32 $0x7, v2;
	v2 =	vor.u32 $0x8, v2;
	v1 =	vmul.u32 $0x8, v1;
	s5 =	sadd.s32 $0x21800, s0;
	s4 =	sadd.s32 $0x21700, s0;
	[dreg:$0x12] =	wrdreg s7  }
.LBB2_1:
0x1c: {  	s8 =	rddreg [dreg:$0x13];
	s0 =	simm.s32 $0x0  }
.LBB2_2:
0x1d: {  	s7 =	rddreg [dreg:$0x4]  }
0x1e: {  	s7 =	sadd.s32 s0, s7  }
0x1f: {  	[tilespmem:s2], [sflag:$0x2] =	stream.linear.gather [hbm4b:s7+s2], $0x40, $0x38;
	[tilespmem:$0x10080] =	vst v63  }
0x20: {  	_ =	swait.ge [sflag:s9], $0x40  }
0x21: {  	[sflag:s9] =	ssyncset.done $0x0  }
0x22: {  	[sflag:s9] =	ssyncadd.s32 $0xFFFFFFC0  }
0x23: {  	v3 =	vld [tilespmem:$0x0];
	_ =	sdelay $0x4  }
0x24: {  	v4 =	vshll.u32 v3, $0x3  }
0x25: {  	v3 =	vand.u32 $0x7, v3;
	v4 =	vand.u32 $0xFFFFFFC0, v4  }
0x26: {  	v3 =	vor.u32 v3, v4  }
0x27: {  	v4 =	vperm.xlane v3, v0;
	_ =	sdelay $0x1  }
0x28: {  	v4 =	vadd.s32 v1, v4;
	_ =	sdelay $0x4  }
0x29: {  	[tilespmem:s10], [sflag:$0x1] =	stream.indirect_vreg.gather [hbm4b:s3+s2], $0x80, v4, vm0, $0xb8;
	[tilespmem:$0x10080] =	vst v63  }
0x2a: {  	s7 =	rddreg [dreg:$0x5];
	v3 =	vperm.xlane v3, v2  }
0x2b: {  	[tilespmem:s7], [sflag:$0x1] =	stream.indirect_vreg.gather [hbm4b:s4+s2], $0x80, v4, vm0, $0xb8;
	[tilespmem:$0x10080] =	vst v63  }
0x2c: {  	s1 =	rddreg [dreg:$0x6];
	v3 =	vadd.s32 v1, v3  }
0x2d: {  	[tilespmem:s1], [sflag:$0x1] =	stream.indirect_vreg.gather [hbm4b:s5+s2], $0x80, v4, vm0, $0xb8;
	[tilespmem:$0x10080] =	vst v63  }
0x2e: {  	s7 =	rddreg [dreg:$0x7]  }
0x2f: {  	[tilespmem:s7], [sflag:$0x1] =	stream.indirect_vreg.gather [hbm4b:s6+s2], $0x80, v4, vm0, $0xb8;
	[tilespmem:$0x10080] =	vst v63  }
0x30: {  	s1 =	rddreg [dreg:$0x8]  }
0x31: {  	[tilespmem:s1], [sflag:$0x1] =	stream.indirect_vreg.gather [hbm4b:s3+s2], $0x80, v3, vm0, $0xb8;
	[tilespmem:$0x10080] =	vst v63  }
0x32: {  	s7 =	rddreg [dreg:$0x9]  }
0x33: {  	[tilespmem:s7], [sflag:$0x1] =	stream.indirect_vreg.gather [hbm4b:s4+s2], $0x80, v3, vm0, $0xb8;
	[tilespmem:$0x10080] =	vst v63  }
0x34: {  	s1 =	rddreg [dreg:$0xa]  }
0x35: {  	[tilespmem:s1], [sflag:$0x1] =	stream.indirect_vreg.gather [hbm4b:s5+s2], $0x80, v3, vm0, $0xb8;
	[tilespmem:$0x10080] =	vst v63  }
0x36: {  	s7 =	rddreg [dreg:$0xb]  }
0x37: {  	[tilespmem:s7], [sflag:$0x1] =	stream.indirect_vreg.gather [hbm4b:s6+s2], $0x80, v3, vm0, $0xb8;
	[tilespmem:$0x10080] =	vst v63  }
0x38: {  	v3 =	vld [tilespmem:$0x10];
	_ =	sdelay $0x4  }
0x39: {  	v61 =	vshll.u32 v3, $0x3  }
0x3a: {  	v3 =	vand.u32 $0x7, v3;
	v4 =	vand.u32 $0xFFFFFFC0, v61  }
0x3b: {  	v3 =	vor.u32 v3, v4  }
0x3c: {  	v4 =	vperm.xlane v3, v0;
	_ =	sdelay $0x1  }
0x3d: {  	v4 =	vadd.s32 v1, v4;
	_ =	sdelay $0x3  }
0x3e: {  	s1 =	rddreg [dreg:$0xc]  }
0x3f: {  	[tilespmem:s1], [sflag:$0x1] =	stream.indirect_vreg.gather [hbm4b:s3+s2], $0x80, v4, vm0, $0xb8;
	[tilespmem:$0x10080] =	vst v63  }
0x40: {  	s7 =	rddreg [dreg:$0xd];
	v3 =	vperm.xlane v3, v2  }
0x41: {  	[tilespmem:s7], [sflag:$0x1] =	stream.indirect_vreg.gather [hbm4b:s4+s2], $0x80, v4, vm0, $0xb8;
	[tilespmem:$0x10080] =	vst v63  }
0x42: {  	v3 =	vadd.s32 v1, v3;
	s1 =	rddreg [dreg:$0xe]  }
0x43: {  	[tilespmem:s1], [sflag:$0x1] =	stream.indirect_vreg.gather [hbm4b:s5+s2], $0x80, v4, vm0, $0xb8;
	[tilespmem:$0x10080] =	vst v63  }
0x44: {  	s7 =	rddreg [dreg:$0xf]  }
0x45: {  	[tilespmem:s7], [sflag:$0x1] =	stream.indirect_vreg.gather [hbm4b:s6+s2], $0x80, v4, vm0, $0xb8;
	[tilespmem:$0x10080] =	vst v63  }
0x46: {  	s1 =	rddreg [dreg:$0x10]  }
0x47: {  	[tilespmem:s1], [sflag:$0x1] =	stream.indirect_vreg.gather [hbm4b:s3+s2], $0x80, v3, vm0, $0xb8;
	[tilespmem:$0x10080] =	vst v63  }
0x48: {  	s7 =	rddreg [dreg:$0x11]  }
0x49: {  	[tilespmem:s7], [sflag:$0x1] =	stream.indirect_vreg.gather [hbm4b:s4+s2], $0x80, v3, vm0, $0xb8;
	[tilespmem:$0x10080] =	vst v63  }
0x4a: {  	_ = 	snop  }
0x4b: {  	[tilespmem:s11], [sflag:$0x1] =	stream.indirect_vreg.gather [hbm4b:s5+s2], $0x80, v3, vm0, $0xb8;
	[tilespmem:$0x10080] =	vst v63  }
0x4c: {  	_ = 	snop  }
0x4d: {  	[tilespmem:s12], [sflag:$0x1] =	stream.indirect_vreg.gather [hbm4b:s6+s2], $0x80, v3, vm0, $0xb8;
	[tilespmem:$0x10080] =	vst v63  }
0x4e: {  	v3 =	vld [tilespmem:$0x20];
	_ =	sdelay $0x4  }
0x4f: {  	v62 =	vshll.u32 v3, $0x3  }
0x50: {  	v3 =	vand.u32 $0x7, v3;
	v4 =	vand.u32 $0xFFFFFFC0, v62  }
0x51: {  	v3 =	vor.u32 v3, v4  }
0x52: {  	v4 =	vperm.xlane v3, v0;
	_ =	sdelay $0x1  }
0x53: {  	v4 =	vadd.s32 v1, v4;
	_ =	sdelay $0x4  }
0x54: {  	[tilespmem:s13], [sflag:$0x1] =	stream.indirect_vreg.gather [hbm4b:s3+s2], $0x80, v4, vm0, $0xb8;
	[tilespmem:$0x10080] =	vst v63  }
0x55: {  	v3 =	vperm.xlane v3, v2  }
0x56: {  	[tilespmem:s14], [sflag:$0x1] =	stream.indirect_vreg.gather [hbm4b:s4+s2], $0x80, v4, vm0, $0xb8;
	[tilespmem:$0x10080] =	vst v63  }
0x57: {  	v3 =	vadd.s32 v1, v3  }
0x58: {  	[tilespmem:s15], [sflag:$0x1] =	stream.indirect_vreg.gather [hbm4b:s5+s2], $0x80, v4, vm0, $0xb8;
	[tilespmem:$0x10080] =	vst v63  }
0x59: {  	_ = 	snop  }
0x5a: {  	[tilespmem:s16], [sflag:$0x1] =	stream.indirect_vreg.gather [hbm4b:s6+s2], $0x80, v4, vm0, $0xb8;
	[tilespmem:$0x10080] =	vst v63  }
0x5b: {  	_ = 	snop  }
0x5c: {  	[tilespmem:s17], [sflag:$0x1] =	stream.indirect_vreg.gather [hbm4b:s3+s2], $0x80, v3, vm0, $0xb8;
	[tilespmem:$0x10080] =	vst v63  }
0x5d: {  	_ = 	snop  }
0x5e: {  	[tilespmem:s18], [sflag:$0x1] =	stream.indirect_vreg.gather [hbm4b:s4+s2], $0x80, v3, vm0, $0xb8;
	[tilespmem:$0x10080] =	vst v63  }
0x5f: {  	_ = 	snop  }
0x60: {  	[tilespmem:s19], [sflag:$0x1] =	stream.indirect_vreg.gather [hbm4b:s5+s2], $0x80, v3, vm0, $0xb8;
	[tilespmem:$0x10080] =	vst v63  }
0x61: {  	_ = 	snop  }
0x62: {  	[tilespmem:s20], [sflag:$0x1] =	stream.indirect_vreg.gather [hbm4b:s6+s2], $0x80, v3, vm0, $0xb8;
	[tilespmem:$0x10080] =	vst v63  }
0x63: {  	v3 =	vld [tilespmem:$0x30];
	_ =	sdelay $0x4  }
0x64: {  	v63 =	vshll.u32 v3, $0x3  }
0x65: {  	v3 =	vand.u32 $0x7, v3;
	v4 =	vand.u32 $0xFFFFFFC0, v63  }
0x66: {  	v3 =	vor.u32 v3, v4  }
0x67: {  	v4 =	vperm.xlane v3, v0;
	_ =	sdelay $0x1  }
0x68: {  	v4 =	vadd.s32 v1, v4;
	_ =	sdelay $0x4  }
0x69: {  	[tilespmem:s21], [sflag:$0x1] =	stream.indirect_vreg.gather [hbm4b:s3+s2], $0x80, v4, vm0, $0xb8;
	[tilespmem:$0x10080] =	vst v63  }
0x6a: {  	v3 =	vperm.xlane v3, v2  }
0x6b: {  	[tilespmem:s22], [sflag:$0x1] =	stream.indirect_vreg.gather [hbm4b:s4+s2], $0x80, v4, vm0, $0xb8;
	[tilespmem:$0x10080] =	vst v63  }
0x6c: {  	v3 =	vadd.s32 v1, v3  }
0x6d: {  	[tilespmem:s23], [sflag:$0x1] =	stream.indirect_vreg.gather [hbm4b:s5+s2], $0x80, v4, vm0, $0xb8;
	[tilespmem:$0x10080] =	vst v63  }
0x6e: {  	_ = 	snop  }
0x6f: {  	[tilespmem:s24], [sflag:$0x1] =	stream.indirect_vreg.gather [hbm4b:s6+s2], $0x80, v4, vm0, $0xb8;
	[tilespmem:$0x10080] =	vst v63  }
0x70: {  	_ = 	snop  }
0x71: {  	[tilespmem:s25], [sflag:$0x1] =	stream.indirect_vreg.gather [hbm4b:s3+s2], $0x80, v3, vm0, $0xb8;
	[tilespmem:$0x10080] =	vst v63  }
0x72: {  	_ = 	snop  }
0x73: {  	[tilespmem:s26], [sflag:$0x1] =	stream.indirect_vreg.gather [hbm4b:s4+s2], $0x80, v3, vm0, $0xb8;
	[tilespmem:$0x10080] =	vst v63  }
0x74: {  	_ = 	snop  }
0x75: {  	[tilespmem:s28], [sflag:$0x1] =	stream.indirect_vreg.gather [hbm4b:s5+s2], $0x80, v3, vm0, $0xb8;
	[tilespmem:$0x10080] =	vst v63  }
0x76: {  	_ = 	snop  }
0x77: {  	[tilespmem:s29], [sflag:$0x1] =	stream.indirect_vreg.gather [hbm4b:s6+s2], $0x80, v3, vm0, $0xb8;
	[tilespmem:$0x10080] =	vst v63  }
0x78: {  	_ =	swait.ge [sflag:s30], $0x10000  }
0x79: {  	p0 =	sne.s32 s0, $0x78;
	[sflag:s30] =	ssyncset.done $0x0  }
.Ltmp0:
0x7a: {  	[sflag:s30] =	ssyncadd.s32 $0xFFFF0000;
	(pc) =	sbr.rel @p0 .LBB2_2-.Ltmp0, $4  }
0x7b: {  	[hbm4b:s8+s2] =	stream.linear.scatter [tilespmem:s10], [sflag:$0x2], $0x10000, $0x38;
	[tilespmem:$0x10080] =	vst v63  }
0x7c: {  	_ =	swait.ge [sflag:s9], $0x10000  }
0x7d: {  	[sflag:s9] =	ssyncset.done $0x0  }
0x7e: {  	s0 =	sadd.s32 $0x8, s0;
	s8 =	sadd.s32 $0x2000, s8;
	[sflag:s9] =	ssyncadd.s32 $0xFFFF0000  }
0x7f: {  	s31 =	sadd.s32 $0x1, s31;
	s0 =	rddreg [dreg:$0x12]  }
0x80: {  	p0 =	sne.s32 s31, s0  }
.Ltmp1:
0x81: {  	_ = 	snop;
	(pc) =	sbr.rel @p0 .LBB2_1-.Ltmp1, $1  }
0x82: {  	_ =	sdelay $0x3  }
0x83: {  	_ =	sfence.sel $0x180000  }
0x84: {  	[bflag:$0x0] =	sbarrier.arrive $0xFFFF  }
0x85: {  	_ =	strace $0x90000047  }
0x86: {  	s0 =	stileid.u32;
	[bflag:$0x2] =	sbarrier.arrive $0xFFFF  }
0x87: {  	p0 =	sne.s32 s0, $0x0;
	s0 =	rddreg [dreg:$0x3]  }
0x88: {  	s0 =	sadd.s32 @!p0 $0x100000, s0  }
0x89: {  	[sflag:s0] =	ssyncadd.tile.s32 @!p0 $0x1;
	_ =	shalt  }
.Lfunc_end2:
_tile_overlayer_lowered:
.L_overlay_start_2:
0x8a: {  	(tag) =	ssettag $0x2  }
0x8b: {  	s0 =	rddreg [dreg:$0x0];
	s2 =	stileid.u32  }
0x8c: {  	s1 =	rddreg [dreg:$0x1];
	p0 =	sne.s32 s2, $0x0  }
0x8d: {  	s3 =	rddreg [dreg:$0x2];
	[bflag:$0x3] =	sbarrier.arrive $0xFFFF;
	s2 =	simm.s32 @!p0 $0x1C02  }
0x8e: {  	[timem:s3], [sflag:s2] =	dma.local @!p0 [hbm:s0], s1  }
0x8f: {  	s0 =	simm.s32 @!p0 $0x2  }
0x90: {  	_ =	swait.ge @!p0 [sflag:s0], s1  }
0x91: {  	s1 =	ssub.s32 @!p0 $0x0, s1;
	[sflag:s0] =	ssyncset.done @!p0 $0x0  }
0x92: {  	[sflag:s0] =	ssyncadd.s32 @!p0 s1  }
0x93: {  	[bflag:$0x3] =	sbarrier.arrive $0xFFFF  }
0x94: {  	_ =	shalt  }

</sc_bundles>
